<compile_context>
chip_gen: v7x
topology: tpu7x:2x2x1
jax: 0.10.2.dev20260603
libtpu: 0.0.44.dev20260713+nightly
codegen_flags: <defaults>
</compile_context>

<pallas_src>
import functools

import jax
import jax.numpy as jnp
from jax import lax
from jax.experimental import pallas as pl
from jax.experimental.pallas import tpu as pltpu
from jax.experimental.pallas import tpu_sc as plsc

BATCH = 4096
SEQ = 200
EMBED = 64
NC, NS = 2, 16
NW = NC * NS
BPW = BATCH // NW

_JUNROLL = 8
_NBUF = 4


_GRP = 2


def _accum(buf, zacc):

    def body(jj, carry):
        for u in range(_JUNROLL):
            j = jj * _JUNROLL + u
            for c in range(4):
                d = pl.ds(16 * c, 16)
                plsc.addupdate(zacc.at[j, d], buf[j, d] + buf[BPW + j, d])
        return carry

    lax.fori_loop(0, BPW // _JUNROLL, body, 0)


def _pool_body(
    idx_hbm, table_hbm, z_hbm, idx_v, buf0, buf1, buf2, buf3, zacc,
    sem0, sem1, sem2, sem3,
):
    bufs = (buf0, buf1, buf2, buf3)
    sems = (sem0, sem1, sem2, sem3)
    wid = lax.axis_index("s") * NC + lax.axis_index("c")
    pltpu.sync_copy(idx_hbm.at[wid], idx_v)

    zero = jnp.zeros((16,), jnp.float32)

    def zbody(j, carry):
        for c in range(4):
            zacc[j, pl.ds(16 * c, 16)] = zero
        return carry

    lax.fori_loop(0, BPW, zbody, 0)

    ngrp = SEQ // _GRP

    def _fill(buf, sem, g):
        for h in range(_GRP):
            pltpu.async_copy(
                table_hbm.at[idx_v.at[_GRP * g + h]],
                buf.at[pl.ds(BPW * h, BPW)],
                sem,
            )

    for b in range(_NBUF):
        _fill(bufs[b], sems[b], b)

    def group(k, carry):
        for b in range(_NBUF):
            g = _NBUF * k + b
            for h in range(_GRP):
                pltpu.make_async_copy(
                    table_hbm.at[idx_v.at[_GRP * g + h]],
                    bufs[b].at[pl.ds(BPW * h, BPW)],
                    sems[b],
                ).wait()
            _accum(bufs[b], zacc)

            @pl.when(g + _NBUF < ngrp)
            def _():
                _fill(bufs[b], sems[b], g + _NBUF)

        return carry

    lax.fori_loop(0, ngrp // _NBUF, group, 0)

    scale = jnp.float32(1.0 / SEQ)

    def sbody(j, carry):
        for c in range(4):
            zacc[j, pl.ds(16 * c, 16)] = zacc[j, pl.ds(16 * c, 16)] * scale
        return carry

    lax.fori_loop(0, BPW, sbody, 0)
    pltpu.sync_copy(zacc, z_hbm.at[pl.ds(wid * BPW, BPW)])


@jax.jit
def _pool(idx3, table_rm):
    mesh = plsc.VectorSubcoreMesh(core_axis_name="c", subcore_axis_name="s")
    kern = pl.kernel(
        _pool_body,
        out_type=jax.ShapeDtypeStruct((BATCH, EMBED), jnp.float32),
        mesh=mesh,
        scratch_types=[
            pltpu.VMEM((SEQ, 128), jnp.int32),
            pltpu.VMEM((_GRP * 128, EMBED), jnp.float32),
            pltpu.VMEM((_GRP * 128, EMBED), jnp.float32),
            pltpu.VMEM((_GRP * 128, EMBED), jnp.float32),
            pltpu.VMEM((_GRP * 128, EMBED), jnp.float32),
            pltpu.VMEM((BPW, EMBED), jnp.float32),
            pltpu.SemaphoreType.DMA,
            pltpu.SemaphoreType.DMA,
            pltpu.SemaphoreType.DMA,
            pltpu.SemaphoreType.DMA,
        ],
        compiler_params=pltpu.CompilerParams(use_tc_tiling_on_sc=False),
    )
    return kern(idx3, table_rm)


_VCHUNK = 32768


_HCHUNK = _VCHUNK // 2
_TSUB = 4096


def _tr_body(tT_ref, o_ref):
    for k in range(_VCHUNK // _TSUB):
        tt = jnp.transpose(tT_ref[:, pl.ds(k * _TSUB, _TSUB)])
        half, r0 = divmod(k * _TSUB, _HCHUNK)
        o_ref[pl.ds(r0, _TSUB), pl.ds(half * EMBED, EMBED)] = tt


def _transpose_pack(tableT):
    vocab = tableT.shape[1]
    grid = pl.cdiv(vocab, _VCHUNK)
    out = pl.pallas_call(
        _tr_body,
        grid=(grid,),
        in_specs=[pl.BlockSpec((EMBED, _VCHUNK), lambda i: (0, i))],
        out_specs=pl.BlockSpec((_HCHUNK, 128), lambda i: (i, 0)),
        out_shape=jax.ShapeDtypeStruct((grid * _HCHUNK, 128), jnp.float32),
    )(tableT)
    return out.reshape(grid * _VCHUNK, EMBED)


def _dense_body(z_ref, w1_ref, b1_ref, w2_ref, b2_ref, o_ref):
    z1 = jnp.dot(z_ref[...], w1_ref[...], preferred_element_type=jnp.float32)
    z1 = z1 + b1_ref[...]
    z2 = jnp.dot(z1, w2_ref[...], preferred_element_type=jnp.float32)
    o_ref[...] = z2 + b2_ref[...]


def kernel(x, table, W1, b1, W2, b2):
    l = x & (_VCHUNK - 1)
    xm = (x - l) + 2 * (l & (_HCHUNK - 1)) + (l >> (_HCHUNK.bit_length() - 1))
    idx3 = xm.reshape(NW, BPW, SEQ).swapaxes(1, 2)
    table_rm = _transpose_pack(table.T)
    z = _pool(idx3, table_rm)
    out = pl.pallas_call(
        _dense_body,
        out_shape=jax.ShapeDtypeStruct((BATCH, W2.shape[1]), jnp.float32),
    )(z, W1, b1.reshape(1, -1), W2, b2.reshape(1, -1))
    return out

# --- scband reference (transcript-rebuilt; emitter-appended) ---
"""Pipeline reference for scband-fast-text-model-55336358642239 (READ-ONLY COPY).

The authoritative reference and input builder live on the scoring server;
editing this copy changes nothing except your own understanding.
"""

import jax, jax.numpy as jnp
import numpy as np

VOCAB = 1000000
EMBED = 64
N_LABELS = 10
BATCH = 4096
SEQ = 200

def setup_inputs(seed: int = 0) -> dict:
    key = jax.random.key(seed)
    k1, k2, k3, k4, k5, k6 = jax.random.split(key, 6)
    x = jax.random.randint(k1, (BATCH, SEQ), 0, VOCAB, dtype=jnp.int64 if jax.config.jax_enable_x64 else jnp.int32).astype(jnp.int32)
    table = jax.random.normal(k2, (VOCAB, EMBED), dtype=jnp.float32) * 0.02
    W1 = jax.random.normal(k3, (EMBED, 10), dtype=jnp.float32) * (1.0 / np.sqrt(EMBED))
    b1 = jnp.zeros((10,), dtype=jnp.float32)
    W2 = jax.random.normal(k5, (10, N_LABELS), dtype=jnp.float32) * (1.0 / np.sqrt(10))
    b2 = jnp.zeros((N_LABELS,), dtype=jnp.float32)
    return {"x": x, "table": table, "W1": W1, "b1": b1, "W2": W2, "b2": b2}

def reference(x, table, W1, b1, W2, b2):
    # AverageEmbedding: gather rows from the embedding table and mean-pool over the sequence axis
    emb = jnp.take(table, x, axis=0)            # [B, S, E]
    z = jnp.mean(emb, axis=1)                    # [B, E]
    # dense1: 10 units, linear
    z = jnp.dot(z, W1) + b1                      # [B, 10]
    # dense2: n_labels units, linear (logits)
    z = jnp.dot(z, W2) + b2                      # [B, n_labels]
    return z

if __name__ == "__main__":
    import jax
    _d = setup_inputs()
    print(jax.jit(kernel)(*tuple(_d.values())))

</pallas_src>

<mosaic_0001>
#map = affine_map<(d0, d1) -> (0, 0, 0)>
#map1 = affine_map<(d0, d1) -> (0, 0)>
module attributes {stable_mosaic.version = 14 : i64} {
  func.func @_pool_body(%arg0: i32, %arg1: i32, %arg2: memref<32x200x128xi32, #tpu.memory_space<hbm>>, %arg3: memref<1015808x64xf32, #tpu.memory_space<hbm>>, %arg4: memref<4096x64xf32, #tpu.memory_space<hbm>>, %arg5: memref<200x128xi32, #tpu.memory_space<vmem>>, %arg6: memref<256x64xf32, #tpu.memory_space<vmem>>, %arg7: memref<256x64xf32, #tpu.memory_space<vmem>>, %arg8: memref<256x64xf32, #tpu.memory_space<vmem>>, %arg9: memref<256x64xf32, #tpu.memory_space<vmem>>, %arg10: memref<128x64xf32, #tpu.memory_space<vmem>>, %arg11: memref<!tpu.dma_semaphore, #tpu.memory_space<semaphore_mem>>, %arg12: memref<!tpu.dma_semaphore, #tpu.memory_space<semaphore_mem>>, %arg13: memref<!tpu.dma_semaphore, #tpu.memory_space<semaphore_mem>>, %arg14: memref<!tpu.dma_semaphore, #tpu.memory_space<semaphore_mem>>) attributes {dimension_semantics = [#tpu.dimension_semantics<core_parallel>, #tpu.dimension_semantics<subcore_parallel>], iteration_bounds = array<i64: 2, 16>, scalar_prefetch = 0 : i64, scratch_operands = 10 : i64, tpu.core_type = #tpu.core_type<sc_vector_subcore>, window_params = [{transform_indices = #map}, {transform_indices = #map1}, {transform_indices = #map1}]} {
    %mul3A = arith.constant 2 : i32
    %mul3A_0 = arith.muli %arg1, %mul3A : i32
    %add3A = arith.addi %mul3A_0, %arg0 : i32
    "tpu.region"() ({
      %run_scoped3A = tpu.sem_alloc : memref<!tpu.dma_semaphore, #tpu.memory_space<semaphore_mem>>
      %dma_start3A_101 = arith.constant 0 : i32
      %dma_start3A_102 = arith.constant 0 : i32
      %dma_start3A_103 = tpu.memref_slice %arg2[%add3A, %dma_start3A_101, %dma_start3A_102] : memref<32x200x128xi32, #tpu.memory_space<hbm>> -> memref<1x200x128xi32, #tpu.memory_space<hbm>>
      %dma_start3A_104 = tpu.memref_squeeze %dma_start3A_103 : memref<1x200x128xi32, #tpu.memory_space<hbm>> -> memref<200x128xi32, #tpu.memory_space<hbm>>
      %dma_start3A_105 = arith.constant 0 : i32
      %dma_start3A_106 = arith.constant 0 : i32
      %dma_start3A_107 = tpu.memref_slice %arg2[%add3A, %dma_start3A_105, %dma_start3A_106] : memref<32x200x128xi32, #tpu.memory_space<hbm>> -> memref<1x200x128xi32, #tpu.memory_space<hbm>>
      %dma_start3A_108 = tpu.memref_squeeze %dma_start3A_107 : memref<1x200x128xi32, #tpu.memory_space<hbm>> -> memref<200x128xi32, #tpu.memory_space<hbm>>
      tpu.enqueue_dma source(%dma_start3A_108 : memref<200x128xi32, #tpu.memory_space<hbm>>) target(%arg5 : memref<200x128xi32, #tpu.memory_space<vmem>>) target_semaphore(%run_scoped3A : memref<!tpu.dma_semaphore, #tpu.memory_space<semaphore_mem>>)
      %dma_wait3A = arith.constant 0 : i32
      %dma_wait3A_109 = arith.constant 0 : i32
      %dma_wait3A_110 = tpu.memref_slice %arg2[%add3A, %dma_wait3A, %dma_wait3A_109] : memref<32x200x128xi32, #tpu.memory_space<hbm>> -> memref<1x200x128xi32, #tpu.memory_space<hbm>>
      %dma_wait3A_111 = tpu.memref_squeeze %dma_wait3A_110 : memref<1x200x128xi32, #tpu.memory_space<hbm>> -> memref<200x128xi32, #tpu.memory_space<hbm>>
      %dma_wait3A_112 = arith.constant 0 : i32
      %dma_wait3A_113 = arith.constant 0 : i32
      %dma_wait3A_114 = tpu.memref_slice %arg2[%add3A, %dma_wait3A_112, %dma_wait3A_113] : memref<32x200x128xi32, #tpu.memory_space<hbm>> -> memref<1x200x128xi32, #tpu.memory_space<hbm>>
      %dma_wait3A_115 = tpu.memref_squeeze %dma_wait3A_114 : memref<1x200x128xi32, #tpu.memory_space<hbm>> -> memref<200x128xi32, #tpu.memory_space<hbm>>
      tpu.wait_dma2 semaphore(%run_scoped3A : memref<!tpu.dma_semaphore, #tpu.memory_space<semaphore_mem>>) src(%dma_wait3A_115 : memref<200x128xi32, #tpu.memory_space<hbm>>) dst(%arg5 : memref<200x128xi32, #tpu.memory_space<vmem>>)
      tpu.yield
    }) : () -> ()
    %broadcast_in_dim3A = arith.constant 0.000000e+00 : f32
    %broadcast_in_dim3A_1 = vector.broadcast %broadcast_in_dim3A : f32 to vector<16xf32>
    %scan3A = arith.constant 0 : i32
    %scan3A_2 = arith.constant 0 : i32
    %scan3A_3 = arith.constant 128 : i32
    %scan3A_4 = arith.addi %scan3A_2, %scan3A_3 : i32
    %scan3A_5 = arith.constant 1 : i32
    scf.for %scan3A_101 = %scan3A_2 to %scan3A_4 step %scan3A_5  : i32 {
      %swap3A = arith.index_cast %scan3A_101 : i32 to index
      %swap3A_102 = arith.constant 0 : index
      %swap3A_103 = tpu.vector_load %arg10[%swap3A, %swap3A_102] {strides = array<i32>} : memref<128x64xf32, #tpu.memory_space<vmem>>, vector<1x16xf32>,
      %swap3A_104 = vector.shape_cast %swap3A_103 : vector<1x16xf32> to vector<16xf32>
      %swap3A_105 = vector.shape_cast %broadcast_in_dim3A_1 : vector<16xf32> to vector<1x16xf32>
      tpu.vector_store %arg10[%swap3A, %swap3A_102], %swap3A_105 {strides = array<i32>} : memref<128x64xf32, #tpu.memory_space<vmem>>, vector<1x16xf32>,
      %swap3A_106 = arith.index_cast %scan3A_101 : i32 to index
      %swap3A_107 = arith.constant 16 : index
      %swap3A_108 = tpu.vector_load %arg10[%swap3A_106, %swap3A_107] {strides = array<i32>} : memref<128x64xf32, #tpu.memory_space<vmem>>, vector<1x16xf32>,
      %swap3A_109 = vector.shape_cast %swap3A_108 : vector<1x16xf32> to vector<16xf32>
      %swap3A_110 = vector.shape_cast %broadcast_in_dim3A_1 : vector<16xf32> to vector<1x16xf32>
      tpu.vector_store %arg10[%swap3A_106, %swap3A_107], %swap3A_110 {strides = array<i32>} : memref<128x64xf32, #tpu.memory_space<vmem>>, vector<1x16xf32>,
      %swap3A_111 = arith.index_cast %scan3A_101 : i32 to index
      %swap3A_112 = arith.constant 32 : index
      %swap3A_113 = tpu.vector_load %arg10[%swap3A_111, %swap3A_112] {strides = array<i32>} : memref<128x64xf32, #tpu.memory_space<vmem>>, vector<1x16xf32>,
      %swap3A_114 = vector.shape_cast %swap3A_113 : vector<1x16xf32> to vector<16xf32>
      %swap3A_115 = vector.shape_cast %broadcast_in_dim3A_1 : vector<16xf32> to vector<1x16xf32>
      tpu.vector_store %arg10[%swap3A_111, %swap3A_112], %swap3A_115 {strides = array<i32>} : memref<128x64xf32, #tpu.memory_space<vmem>>, vector<1x16xf32>,
      %swap3A_116 = arith.index_cast %scan3A_101 : i32 to index
      %swap3A_117 = arith.constant 48 : index
      %swap3A_118 = tpu.vector_load %arg10[%swap3A_116, %swap3A_117] {strides = array<i32>} : memref<128x64xf32, #tpu.memory_space<vmem>>, vector<1x16xf32>,
      %swap3A_119 = vector.shape_cast %swap3A_118 : vector<1x16xf32> to vector<16xf32>
      %swap3A_120 = vector.shape_cast %broadcast_in_dim3A_1 : vector<16xf32> to vector<1x16xf32>
      tpu.vector_store %arg10[%swap3A_116, %swap3A_117], %swap3A_120 {strides = array<i32>} : memref<128x64xf32, #tpu.memory_space<vmem>>, vector<1x16xf32>,
    }
    %scan3A_6 = arith.constant 128 : i32
    %dma_start3A = arith.constant 0 : i32
    %dma_start3A_7 = arith.constant 0 : i32
    %dma_start3A_8 = arith.constant 0 : i32
    %dma_start3A_9 = tpu.memref_slice %arg6[%dma_start3A_7, %dma_start3A_8] : memref<256x64xf32, #tpu.memory_space<vmem>> -> memref<128x64xf32, #tpu.memory_space<vmem>>
    %dma_start3A_10 = arith.constant 0 : i32
    %dma_start3A_11 = tpu.memref_slice %arg5[%dma_start3A, %dma_start3A_10] : memref<200x128xi32, #tpu.memory_space<vmem>> -> memref<1x128xi32, #tpu.memory_space<vmem>>
    %dma_start3A_12 = tpu.memref_squeeze %dma_start3A_11 : memref<1x128xi32, #tpu.memory_space<vmem>> -> memref<128xi32, #tpu.memory_space<vmem>>
    %dma_start3A_13 = arith.constant 0 : i32
    %dma_start3A_14 = arith.constant 0 : i32
    %dma_start3A_15 = tpu.memref_slice %arg3[%dma_start3A_13, %dma_start3A_14] : memref<1015808x64xf32, #tpu.memory_space<hbm>> -> memref<1015808x64xf32, #tpu.memory_space<hbm>>
    tpu.enqueue_indirect_dma source(%dma_start3A_15 : memref<1015808x64xf32, #tpu.memory_space<hbm>>) target(%dma_start3A_9 : memref<128x64xf32, #tpu.memory_space<vmem>>) offsets(%dma_start3A_12 : memref<128xi32, #tpu.memory_space<vmem>>) semaphore(%arg11 : memref<!tpu.dma_semaphore, #tpu.memory_space<semaphore_mem>>)
    %dma_start3A_16 = arith.constant 1 : i32
    %dma_start3A_17 = arith.constant 128 : i32
    %dma_start3A_18 = arith.constant 0 : i32
    %dma_start3A_19 = tpu.memref_slice %arg6[%dma_start3A_17, %dma_start3A_18] : memref<256x64xf32, #tpu.memory_space<vmem>> -> memref<128x64xf32, #tpu.memory_space<vmem>>
    %dma_start3A_20 = arith.constant 0 : i32
    %dma_start3A_21 = tpu.memref_slice %arg5[%dma_start3A_16, %dma_start3A_20] : memref<200x128xi32, #tpu.memory_space<vmem>> -> memref<1x128xi32, #tpu.memory_space<vmem>>
    %dma_start3A_22 = tpu.memref_squeeze %dma_start3A_21 : memref<1x128xi32, #tpu.memory_space<vmem>> -> memref<128xi32, #tpu.memory_space<vmem>>
    %dma_start3A_23 = arith.constant 0 : i32
    %dma_start3A_24 = arith.constant 0 : i32
    %dma_start3A_25 = tpu.memref_slice %arg3[%dma_start3A_23, %dma_start3A_24] : memref<1015808x64xf32, #tpu.memory_space<hbm>> -> memref<1015808x64xf32, #tpu.memory_space<hbm>>
    tpu.enqueue_indirect_dma source(%dma_start3A_25 : memref<1015808x64xf32, #tpu.memory_space<hbm>>) target(%dma_start3A_19 : memref<128x64xf32, #tpu.memory_space<vmem>>) offsets(%dma_start3A_22 : memref<128xi32, #tpu.memory_space<vmem>>) semaphore(%arg11 : memref<!tpu.dma_semaphore, #tpu.memory_space<semaphore_mem>>)
    %dma_start3A_26 = arith.constant 2 : i32
    %dma_start3A_27 = arith.constant 0 : i32
    %dma_start3A_28 = arith.constant 0 : i32
    %dma_start3A_29 = tpu.memref_slice %arg7[%dma_start3A_27, %dma_start3A_28] : memref<256x64xf32, #tpu.memory_space<vmem>> -> memref<128x64xf32, #tpu.memory_space<vmem>>
    %dma_start3A_30 = arith.constant 0 : i32
    %dma_start3A_31 = tpu.memref_slice %arg5[%dma_start3A_26, %dma_start3A_30] : memref<200x128xi32, #tpu.memory_space<vmem>> -> memref<1x128xi32, #tpu.memory_space<vmem>>
    %dma_start3A_32 = tpu.memref_squeeze %dma_start3A_31 : memref<1x128xi32, #tpu.memory_space<vmem>> -> memref<128xi32, #tpu.memory_space<vmem>>
    %dma_start3A_33 = arith.constant 0 : i32
    %dma_start3A_34 = arith.constant 0 : i32
    %dma_start3A_35 = tpu.memref_slice %arg3[%dma_start3A_33, %dma_start3A_34] : memref<1015808x64xf32, #tpu.memory_space<hbm>> -> memref<1015808x64xf32, #tpu.memory_space<hbm>>
    tpu.enqueue_indirect_dma source(%dma_start3A_35 : memref<1015808x64xf32, #tpu.memory_space<hbm>>) target(%dma_start3A_29 : memref<128x64xf32, #tpu.memory_space<vmem>>) offsets(%dma_start3A_32 : memref<128xi32, #tpu.memory_space<vmem>>) semaphore(%arg12 : memref<!tpu.dma_semaphore, #tpu.memory_space<semaphore_mem>>)
    %dma_start3A_36 = arith.constant 3 : i32
    %dma_start3A_37 = arith.constant 128 : i32
    %dma_start3A_38 = arith.constant 0 : i32
    %dma_start3A_39 = tpu.memref_slice %arg7[%dma_start3A_37, %dma_start3A_38] : memref<256x64xf32, #tpu.memory_space<vmem>> -> memref<128x64xf32, #tpu.memory_space<vmem>>
    %dma_start3A_40 = arith.constant 0 : i32
    %dma_start3A_41 = tpu.memref_slice %arg5[%dma_start3A_36, %dma_start3A_40] : memref<200x128xi32, #tpu.memory_space<vmem>> -> memref<1x128xi32, #tpu.memory_space<vmem>>
    %dma_start3A_42 = tpu.memref_squeeze %dma_start3A_41 : memref<1x128xi32, #tpu.memory_space<vmem>> -> memref<128xi32, #tpu.memory_space<vmem>>
    %dma_start3A_43 = arith.constant 0 : i32
    %dma_start3A_44 = arith.constant 0 : i32
    %dma_start3A_45 = tpu.memref_slice %arg3[%dma_start3A_43, %dma_start3A_44] : memref<1015808x64xf32, #tpu.memory_space<hbm>> -> memref<1015808x64xf32, #tpu.memory_space<hbm>>
    tpu.enqueue_indirect_dma source(%dma_start3A_45 : memref<1015808x64xf32, #tpu.memory_space<hbm>>) target(%dma_start3A_39 : memref<128x64xf32, #tpu.memory_space<vmem>>) offsets(%dma_start3A_42 : memref<128xi32, #tpu.memory_space<vmem>>) semaphore(%arg12 : memref<!tpu.dma_semaphore, #tpu.memory_space<semaphore_mem>>)
    %dma_start3A_46 = arith.constant 4 : i32
    %dma_start3A_47 = arith.constant 0 : i32
    %dma_start3A_48 = arith.constant 0 : i32
    %dma_start3A_49 = tpu.memref_slice %arg8[%dma_start3A_47, %dma_start3A_48] : memref<256x64xf32, #tpu.memory_space<vmem>> -> memref<128x64xf32, #tpu.memory_space<vmem>>
    %dma_start3A_50 = arith.constant 0 : i32
    %dma_start3A_51 = tpu.memref_slice %arg5[%dma_start3A_46, %dma_start3A_50] : memref<200x128xi32, #tpu.memory_space<vmem>> -> memref<1x128xi32, #tpu.memory_space<vmem>>
    %dma_start3A_52 = tpu.memref_squeeze %dma_start3A_51 : memref<1x128xi32, #tpu.memory_space<vmem>> -> memref<128xi32, #tpu.memory_space<vmem>>
    %dma_start3A_53 = arith.constant 0 : i32
    %dma_start3A_54 = arith.constant 0 : i32
    %dma_start3A_55 = tpu.memref_slice %arg3[%dma_start3A_53, %dma_start3A_54] : memref<1015808x64xf32, #tpu.memory_space<hbm>> -> memref<1015808x64xf32, #tpu.memory_space<hbm>>
    tpu.enqueue_indirect_dma source(%dma_start3A_55 : memref<1015808x64xf32, #tpu.memory_space<hbm>>) target(%dma_start3A_49 : memref<128x64xf32, #tpu.memory_space<vmem>>) offsets(%dma_start3A_52 : memref<128xi32, #tpu.memory_space<vmem>>) semaphore(%arg13 : memref<!tpu.dma_semaphore, #tpu.memory_space<semaphore_mem>>)
    %dma_start3A_56 = arith.constant 5 : i32
    %dma_start3A_57 = arith.constant 128 : i32
    %dma_start3A_58 = arith.constant 0 : i32
    %dma_start3A_59 = tpu.memref_slice %arg8[%dma_start3A_57, %dma_start3A_58] : memref<256x64xf32, #tpu.memory_space<vmem>> -> memref<128x64xf32, #tpu.memory_space<vmem>>
    %dma_start3A_60 = arith.constant 0 : i32
    %dma_start3A_61 = tpu.memref_slice %arg5[%dma_start3A_56, %dma_start3A_60] : memref<200x128xi32, #tpu.memory_space<vmem>> -> memref<1x128xi32, #tpu.memory_space<vmem>>
    %dma_start3A_62 = tpu.memref_squeeze %dma_start3A_61 : memref<1x128xi32, #tpu.memory_space<vmem>> -> memref<128xi32, #tpu.memory_space<vmem>>
    %dma_start3A_63 = arith.constant 0 : i32
    %dma_start3A_64 = arith.constant 0 : i32
    %dma_start3A_65 = tpu.memref_slice %arg3[%dma_start3A_63, %dma_start3A_64] : memref<1015808x64xf32, #tpu.memory_space<hbm>> -> memref<1015808x64xf32, #tpu.memory_space<hbm>>
    tpu.enqueue_indirect_dma source(%dma_start3A_65 : memref<1015808x64xf32, #tpu.memory_space<hbm>>) target(%dma_start3A_59 : memref<128x64xf32, #tpu.memory_space<vmem>>) offsets(%dma_start3A_62 : memref<128xi32, #tpu.memory_space<vmem>>) semaphore(%arg13 : memref<!tpu.dma_semaphore, #tpu.memory_space<semaphore_mem>>)
    %dma_start3A_66 = arith.constant 6 : i32
    %dma_start3A_67 = arith.constant 0 : i32
    %dma_start3A_68 = arith.constant 0 : i32
    %dma_start3A_69 = tpu.memref_slice %arg9[%dma_start3A_67, %dma_start3A_68] : memref<256x64xf32, #tpu.memory_space<vmem>> -> memref<128x64xf32, #tpu.memory_space<vmem>>
    %dma_start3A_70 = arith.constant 0 : i32
    %dma_start3A_71 = tpu.memref_slice %arg5[%dma_start3A_66, %dma_start3A_70] : memref<200x128xi32, #tpu.memory_space<vmem>> -> memref<1x128xi32, #tpu.memory_space<vmem>>
    %dma_start3A_72 = tpu.memref_squeeze %dma_start3A_71 : memref<1x128xi32, #tpu.memory_space<vmem>> -> memref<128xi32, #tpu.memory_space<vmem>>
    %dma_start3A_73 = arith.constant 0 : i32
    %dma_start3A_74 = arith.constant 0 : i32
    %dma_start3A_75 = tpu.memref_slice %arg3[%dma_start3A_73, %dma_start3A_74] : memref<1015808x64xf32, #tpu.memory_space<hbm>> -> memref<1015808x64xf32, #tpu.memory_space<hbm>>
    tpu.enqueue_indirect_dma source(%dma_start3A_75 : memref<1015808x64xf32, #tpu.memory_space<hbm>>) target(%dma_start3A_69 : memref<128x64xf32, #tpu.memory_space<vmem>>) offsets(%dma_start3A_72 : memref<128xi32, #tpu.memory_space<vmem>>) semaphore(%arg14 : memref<!tpu.dma_semaphore, #tpu.memory_space<semaphore_mem>>)
    %dma_start3A_76 = arith.constant 7 : i32
    %dma_start3A_77 = arith.constant 128 : i32
    %dma_start3A_78 = arith.constant 0 : i32
    %dma_start3A_79 = tpu.memref_slice %arg9[%dma_start3A_77, %dma_start3A_78] : memref<256x64xf32, #tpu.memory_space<vmem>> -> memref<128x64xf32, #tpu.memory_space<vmem>>
    %dma_start3A_80 = arith.constant 0 : i32
    %dma_start3A_81 = tpu.memref_slice %arg5[%dma_start3A_76, %dma_start3A_80] : memref<200x128xi32, #tpu.memory_space<vmem>> -> memref<1x128xi32, #tpu.memory_space<vmem>>
    %dma_start3A_82 = tpu.memref_squeeze %dma_start3A_81 : memref<1x128xi32, #tpu.memory_space<vmem>> -> memref<128xi32, #tpu.memory_space<vmem>>
    %dma_start3A_83 = arith.constant 0 : i32
    %dma_start3A_84 = arith.constant 0 : i32
    %dma_start3A_85 = tpu.memref_slice %arg3[%dma_start3A_83, %dma_start3A_84] : memref<1015808x64xf32, #tpu.memory_space<hbm>> -> memref<1015808x64xf32, #tpu.memory_space<hbm>>
    tpu.enqueue_indirect_dma source(%dma_start3A_85 : memref<1015808x64xf32, #tpu.memory_space<hbm>>) target(%dma_start3A_79 : memref<128x64xf32, #tpu.memory_space<vmem>>) offsets(%dma_start3A_82 : memref<128xi32, #tpu.memory_space<vmem>>) semaphore(%arg14 : memref<!tpu.dma_semaphore, #tpu.memory_space<semaphore_mem>>)
    %scan3A_86 = arith.constant 0 : i32
    %scan3A_87 = arith.constant 0 : i32
    %scan3A_88 = arith.constant 25 : i32
    %scan3A_89 = arith.addi %scan3A_87, %scan3A_88 : i32
    %scan3A_90 = arith.constant 1 : i32
    scf.for %scan3A_101 = %scan3A_87 to %scan3A_89 step %scan3A_90  : i32 {
      %mul3A_102 = arith.constant 4 : i32
      %mul3A_103 = arith.muli %mul3A_102, %scan3A_101 : i32
      %add3A_104 = arith.constant 0 : i32
      %add3A_105 = arith.addi %mul3A_103, %add3A_104 : i32
      %mul3A_106 = arith.constant 2 : i32
      %mul3A_107 = arith.muli %mul3A_106, %add3A_105 : i32
      %add3A_108 = arith.constant 0 : i32
      %add3A_109 = arith.addi %mul3A_107, %add3A_108 : i32
      %dma_wait3A = arith.constant 0 : i32
      %dma_wait3A_110 = arith.constant 0 : i32
      %dma_wait3A_111 = tpu.memref_slice %arg6[%dma_wait3A, %dma_wait3A_110] : memref<256x64xf32, #tpu.memory_space<vmem>> -> memref<128x64xf32, #tpu.memory_space<vmem>>
      %dma_wait3A_112 = arith.constant 0 : i32
      %dma_wait3A_113 = tpu.memref_slice %arg5[%add3A_109, %dma_wait3A_112] : memref<200x128xi32, #tpu.memory_space<vmem>> -> memref<1x128xi32, #tpu.memory_space<vmem>>
      %dma_wait3A_114 = tpu.memref_squeeze %dma_wait3A_113 : memref<1x128xi32, #tpu.memory_space<vmem>> -> memref<128xi32, #tpu.memory_space<vmem>>
      %dma_wait3A_115 = arith.constant 0 : i32
      %dma_wait3A_116 = arith.constant 0 : i32
      %dma_wait3A_117 = tpu.memref_slice %arg3[%dma_wait3A_115, %dma_wait3A_116] : memref<1015808x64xf32, #tpu.memory_space<hbm>> -> memref<1015808x64xf32, #tpu.memory_space<hbm>>
      tpu.wait_indirect_dma semaphore(%arg11 : memref<!tpu.dma_semaphore, #tpu.memory_space<semaphore_mem>>) src(%dma_wait3A_117 : memref<1015808x64xf32, #tpu.memory_space<hbm>>) dst(%dma_wait3A_111 : memref<128x64xf32, #tpu.memory_space<vmem>>)
      %mul3A_118 = arith.constant 2 : i32
      %mul3A_119 = arith.muli %mul3A_118, %add3A_105 : i32
      %add3A_120 = arith.constant 1 : i32
      %add3A_121 = arith.addi %mul3A_119, %add3A_120 : i32
      %dma_wait3A_122 = arith.constant 128 : i32
      %dma_wait3A_123 = arith.constant 0 : i32
      %dma_wait3A_124 = tpu.memref_slice %arg6[%dma_wait3A_122, %dma_wait3A_123] : memref<256x64xf32, #tpu.memory_space<vmem>> -> memref<128x64xf32, #tpu.memory_space<vmem>>
      %dma_wait3A_125 = arith.constant 0 : i32
      %dma_wait3A_126 = tpu.memref_slice %arg5[%add3A_121, %dma_wait3A_125] : memref<200x128xi32, #tpu.memory_space<vmem>> -> memref<1x128xi32, #tpu.memory_space<vmem>>
      %dma_wait3A_127 = tpu.memref_squeeze %dma_wait3A_126 : memref<1x128xi32, #tpu.memory_space<vmem>> -> memref<128xi32, #tpu.memory_space<vmem>>
      %dma_wait3A_128 = arith.constant 0 : i32
      %dma_wait3A_129 = arith.constant 0 : i32
      %dma_wait3A_130 = tpu.memref_slice %arg3[%dma_wait3A_128, %dma_wait3A_129] : memref<1015808x64xf32, #tpu.memory_space<hbm>> -> memref<1015808x64xf32, #tpu.memory_space<hbm>>
      tpu.wait_indirect_dma semaphore(%arg11 : memref<!tpu.dma_semaphore, #tpu.memory_space<semaphore_mem>>) src(%dma_wait3A_130 : memref<1015808x64xf32, #tpu.memory_space<hbm>>) dst(%dma_wait3A_124 : memref<128x64xf32, #tpu.memory_space<vmem>>)
      %scan3A_131 = arith.constant 0 : i32
      %scan3A_132 = arith.constant 0 : i32
      %scan3A_133 = arith.constant 16 : i32
      %scan3A_134 = arith.addi %scan3A_132, %scan3A_133 : i32
      %scan3A_135 = arith.constant 1 : i32
      scf.for %scan3A_270 = %scan3A_132 to %scan3A_134 step %scan3A_135  : i32 {
        %mul3A_271 = arith.constant 8 : i32
        %mul3A_272 = arith.muli %scan3A_270, %mul3A_271 : i32
        %add3A_273 = arith.constant 0 : i32
        %add3A_274 = arith.addi %mul3A_272, %add3A_273 : i32
        %get3A = arith.index_cast %add3A_274 : i32 to index
        %get3A_275 = arith.constant 0 : index
        %get3A_276 = tpu.vector_load %arg6[%get3A, %get3A_275] {strides = array<i32>} : memref<256x64xf32, #tpu.memory_space<vmem>>, vector<1x16xf32>,
        %get3A_277 = vector.shape_cast %get3A_276 : vector<1x16xf32> to vector<16xf32>
        %add3A_278 = arith.constant 128 : i32
        %add3A_279 = arith.addi %add3A_278, %add3A_274 : i32
        %get3A_280 = arith.index_cast %add3A_279 : i32 to index
        %get3A_281 = arith.constant 0 : index
        %get3A_282 = tpu.vector_load %arg6[%get3A_280, %get3A_281] {strides = array<i32>} : memref<256x64xf32, #tpu.memory_space<vmem>>, vector<1x16xf32>,
        %get3A_283 = vector.shape_cast %get3A_282 : vector<1x16xf32> to vector<16xf32>
        %add3A_284 = arith.addf %get3A_277, %get3A_283 : vector<16xf32>
        %swap3A = arith.index_cast %add3A_274 : i32 to index
        %swap3A_285 = arith.constant 0 : index
        %swap3A_286 = tpu.vector_load %arg10[%swap3A, %swap3A_285] {strides = array<i32>} : memref<128x64xf32, #tpu.memory_space<vmem>>, vector<1x16xf32>,
        %swap3A_287 = vector.shape_cast %swap3A_286 : vector<1x16xf32> to vector<16xf32>
        %swap3A_288 = vector.shape_cast %add3A_284 : vector<16xf32> to vector<1x16xf32>
        tpu.vector_store %arg10[%swap3A, %swap3A_285], %swap3A_288 {add = true, strides = array<i32>} : memref<128x64xf32, #tpu.memory_space<vmem>>, vector<1x16xf32>,
        %get3A_289 = arith.index_cast %add3A_274 : i32 to index
        %get3A_290 = arith.constant 16 : index
        %get3A_291 = tpu.vector_load %arg6[%get3A_289, %get3A_290] {strides = array<i32>} : memref<256x64xf32, #tpu.memory_space<vmem>>, vector<1x16xf32>,
        %get3A_292 = vector.shape_cast %get3A_291 : vector<1x16xf32> to vector<16xf32>
        %add3A_293 = arith.constant 128 : i32
        %add3A_294 = arith.addi %add3A_293, %add3A_274 : i32
        %get3A_295 = arith.index_cast %add3A_294 : i32 to index
        %get3A_296 = arith.constant 16 : index
        %get3A_297 = tpu.vector_load %arg6[%get3A_295, %get3A_296] {strides = array<i32>} : memref<256x64xf32, #tpu.memory_space<vmem>>, vector<1x16xf32>,
        %get3A_298 = vector.shape_cast %get3A_297 : vector<1x16xf32> to vector<16xf32>
        %add3A_299 = arith.addf %get3A_292, %get3A_298 : vector<16xf32>
        %swap3A_300 = arith.index_cast %add3A_274 : i32 to index
        %swap3A_301 = arith.constant 16 : index
        %swap3A_302 = tpu.vector_load %arg10[%swap3A_300, %swap3A_301] {strides = array<i32>} : memref<128x64xf32, #tpu.memory_space<vmem>>, vector<1x16xf32>,
        %swap3A_303 = vector.shape_cast %swap3A_302 : vector<1x16xf32> to vector<16xf32>
        %swap3A_304 = vector.shape_cast %add3A_299 : vector<16xf32> to vector<1x16xf32>
        tpu.vector_store %arg10[%swap3A_300, %swap3A_301], %swap3A_304 {add = true, strides = array<i32>} : memref<128x64xf32, #tpu.memory_space<vmem>>, vector<1x16xf32>,
        %get3A_305 = arith.index_cast %add3A_274 : i32 to index
        %get3A_306 = arith.constant 32 : index
        %get3A_307 = tpu.vector_load %arg6[%get3A_305, %get3A_306] {strides = array<i32>} : memref<256x64xf32, #tpu.memory_space<vmem>>, vector<1x16xf32>,
        %get3A_308 = vector.shape_cast %get3A_307 : vector<1x16xf32> to vector<16xf32>
        %add3A_309 = arith.constant 128 : i32
        %add3A_310 = arith.addi %add3A_309, %add3A_274 : i32
        %get3A_311 = arith.index_cast %add3A_310 : i32 to index
        %get3A_312 = arith.constant 32 : index
        %get3A_313 = tpu.vector_load %arg6[%get3A_311, %get3A_312] {strides = array<i32>} : memref<256x64xf32, #tpu.memory_space<vmem>>, vector<1x16xf32>,
        %get3A_314 = vector.shape_cast %get3A_313 : vector<1x16xf32> to vector<16xf32>
        %add3A_315 = arith.addf %get3A_308, %get3A_314 : vector<16xf32>
        %swap3A_316 = arith.index_cast %add3A_274 : i32 to index
        %swap3A_317 = arith.constant 32 : index
        %swap3A_318 = tpu.vector_load %arg10[%swap3A_316, %swap3A_317] {strides = array<i32>} : memref<128x64xf32, #tpu.memory_space<vmem>>, vector<1x16xf32>,
        %swap3A_319 = vector.shape_cast %swap3A_318 : vector<1x16xf32> to vector<16xf32>
        %swap3A_320 = vector.shape_cast %add3A_315 : vector<16xf32> to vector<1x16xf32>
        tpu.vector_store %arg10[%swap3A_316, %swap3A_317], %swap3A_320 {add = true, strides = array<i32>} : memref<128x64xf32, #tpu.memory_space<vmem>>, vector<1x16xf32>,
        %get3A_321 = arith.index_cast %add3A_274 : i32 to index
        %get3A_322 = arith.constant 48 : index
        %get3A_323 = tpu.vector_load %arg6[%get3A_321, %get3A_322] {strides = array<i32>} : memref<256x64xf32, #tpu.memory_space<vmem>>, vector<1x16xf32>,
        %get3A_324 = vector.shape_cast %get3A_323 : vector<1x16xf32> to vector<16xf32>
        %add3A_325 = arith.constant 128 : i32
        %add3A_326 = arith.addi %add3A_325, %add3A_274 : i32
        %get3A_327 = arith.index_cast %add3A_326 : i32 to index
        %get3A_328 = arith.constant 48 : index
        %get3A_329 = tpu.vector_load %arg6[%get3A_327, %get3A_328] {strides = array<i32>} : memref<256x64xf32, #tpu.memory_space<vmem>>, vector<1x16xf32>,
        %get3A_330 = vector.shape_cast %get3A_329 : vector<1x16xf32> to vector<16xf32>
        %add3A_331 = arith.addf %get3A_324, %get3A_330 : vector<16xf32>
        %swap3A_332 = arith.index_cast %add3A_274 : i32 to index
        %swap3A_333 = arith.constant 48 : index
        %swap3A_334 = tpu.vector_load %arg10[%swap3A_332, %swap3A_333] {strides = array<i32>} : memref<128x64xf32, #tpu.memory_space<vmem>>, vector<1x16xf32>,
        %swap3A_335 = vector.shape_cast %swap3A_334 : vector<1x16xf32> to vector<16xf32>
        %swap3A_336 = vector.shape_cast %add3A_331 : vector<16xf32> to vector<1x16xf32>
        tpu.vector_store %arg10[%swap3A_332, %swap3A_333], %swap3A_336 {add = true, strides = array<i32>} : memref<128x64xf32, #tpu.memory_space<vmem>>, vector<1x16xf32>,
        %mul3A_337 = arith.constant 8 : i32
        %mul3A_338 = arith.muli %scan3A_270, %mul3A_337 : i32
        %add3A_339 = arith.constant 1 : i32
        %add3A_340 = arith.addi %mul3A_338, %add3A_339 : i32
        %get3A_341 = arith.index_cast %add3A_340 : i32 to index
        %get3A_342 = arith.constant 0 : index
        %get3A_343 = tpu.vector_load %arg6[%get3A_341, %get3A_342] {strides = array<i32>} : memref<256x64xf32, #tpu.memory_space<vmem>>, vector<1x16xf32>,
        %get3A_344 = vector.shape_cast %get3A_343 : vector<1x16xf32> to vector<16xf32>
        %add3A_345 = arith.constant 128 : i32
        %add3A_346 = arith.addi %add3A_345, %add3A_340 : i32
        %get3A_347 = arith.index_cast %add3A_346 : i32 to index
        %get3A_348 = arith.constant 0 : index
        %get3A_349 = tpu.vector_load %arg6[%get3A_347, %get3A_348] {strides = array<i32>} : memref<256x64xf32, #tpu.memory_space<vmem>>, vector<1x16xf32>,
        %get3A_350 = vector.shape_cast %get3A_349 : vector<1x16xf32> to vector<16xf32>
        %add3A_351 = arith.addf %get3A_344, %get3A_350 : vector<16xf32>
        %swap3A_352 = arith.index_cast %add3A_340 : i32 to index
        %swap3A_353 = arith.constant 0 : index
        %swap3A_354 = tpu.vector_load %arg10[%swap3A_352, %swap3A_353] {strides = array<i32>} : memref<128x64xf32, #tpu.memory_space<vmem>>, vector<1x16xf32>,
        %swap3A_355 = vector.shape_cast %swap3A_354 : vector<1x16xf32> to vector<16xf32>
        %swap3A_356 = vector.shape_cast %add3A_351 : vector<16xf32> to vector<1x16xf32>
        tpu.vector_store %arg10[%swap3A_352, %swap3A_353], %swap3A_356 {add = true, strides = array<i32>} : memref<128x64xf32, #tpu.memory_space<vmem>>, vector<1x16xf32>,
        %get3A_357 = arith.index_cast %add3A_340 : i32 to index
        %get3A_358 = arith.constant 16 : index
        %get3A_359 = tpu.vector_load %arg6[%get3A_357, %get3A_358] {strides = array<i32>} : memref<256x64xf32, #tpu.memory_space<vmem>>, vector<1x16xf32>,
        %get3A_360 = vector.shape_cast %get3A_359 : vector<1x16xf32> to vector<16xf32>
        %add3A_361 = arith.constant 128 : i32
        %add3A_362 = arith.addi %add3A_361, %add3A_340 : i32
        %get3A_363 = arith.index_cast %add3A_362 : i32 to index
        %get3A_364 = arith.constant 16 : index
        %get3A_365 = tpu.vector_load %arg6[%get3A_363, %get3A_364] {strides = array<i32>} : memref<256x64xf32, #tpu.memory_space<vmem>>, vector<1x16xf32>,
        %get3A_366 = vector.shape_cast %get3A_365 : vector<1x16xf32> to vector<16xf32>
        %add3A_367 = arith.addf %get3A_360, %get3A_366 : vector<16xf32>
        %swap3A_368 = arith.index_cast %add3A_340 : i32 to index
        %swap3A_369 = arith.constant 16 : index
        %swap3A_370 = tpu.vector_load %arg10[%swap3A_368, %swap3A_369] {strides = array<i32>} : memref<128x64xf32, #tpu.memory_space<vmem>>, vector<1x16xf32>,
        %swap3A_371 = vector.shape_cast %swap3A_370 : vector<1x16xf32> to vector<16xf32>
        %swap3A_372 = vector.shape_cast %add3A_367 : vector<16xf32> to vector<1x16xf32>
        tpu.vector_store %arg10[%swap3A_368, %swap3A_369], %swap3A_372 {add = true, strides = array<i32>} : memref<128x64xf32, #tpu.memory_space<vmem>>, vector<1x16xf32>,
        %get3A_373 = arith.index_cast %add3A_340 : i32 to index
        %get3A_374 = arith.constant 32 : index
        %get3A_375 = tpu.vector_load %arg6[%get3A_373, %get3A_374] {strides = array<i32>} : memref<256x64xf32, #tpu.memory_space<vmem>>, vector<1x16xf32>,
        %get3A_376 = vector.shape_cast %get3A_375 : vector<1x16xf32> to vector<16xf32>
        %add3A_377 = arith.constant 128 : i32
        %add3A_378 = arith.addi %add3A_377, %add3A_340 : i32
        %get3A_379 = arith.index_cast %add3A_378 : i32 to index
        %get3A_380 = arith.constant 32 : index
        %get3A_381 = tpu.vector_load %arg6[%get3A_379, %get3A_380] {strides = array<i32>} : memref<256x64xf32, #tpu.memory_space<vmem>>, vector<1x16xf32>,
        %get3A_382 = vector.shape_cast %get3A_381 : vector<1x16xf32> to vector<16xf32>
        %add3A_383 = arith.addf %get3A_376, %get3A_382 : vector<16xf32>
        %swap3A_384 = arith.index_cast %add3A_340 : i32 to index
        %swap3A_385 = arith.constant 32 : index
        %swap3A_386 = tpu.vector_load %arg10[%swap3A_384, %swap3A_385] {strides = array<i32>} : memref<128x64xf32, #tpu.memory_space<vmem>>, vector<1x16xf32>,
        %swap3A_387 = vector.shape_cast %swap3A_386 : vector<1x16xf32> to vector<16xf32>
        %swap3A_388 = vector.shape_cast %add3A_383 : vector<16xf32> to vector<1x16xf32>
        tpu.vector_store %arg10[%swap3A_384, %swap3A_385], %swap3A_388 {add = true, strides = array<i32>} : memref<128x64xf32, #tpu.memory_space<vmem>>, vector<1x16xf32>,
        %get3A_389 = arith.index_cast %add3A_340 : i32 to index
        %get3A_390 = arith.constant 48 : index
        %get3A_391 = tpu.vector_load %arg6[%get3A_389, %get3A_390] {strides = array<i32>} : memref<256x64xf32, #tpu.memory_space<vmem>>, vector<1x16xf32>,
        %get3A_392 = vector.shape_cast %get3A_391 : vector<1x16xf32> to vector<16xf32>
        %add3A_393 = arith.constant 128 : i32
        %add3A_394 = arith.addi %add3A_393, %add3A_340 : i32
        %get3A_395 = arith.index_cast %add3A_394 : i32 to index
        %get3A_396 = arith.constant 48 : index
        %get3A_397 = tpu.vector_load %arg6[%get3A_395, %get3A_396] {strides = array<i32>} : memref<256x64xf32, #tpu.memory_space<vmem>>, vector<1x16xf32>,
        %get3A_398 = vector.shape_cast %get3A_397 : vector<1x16xf32> to vector<16xf32>
        %add3A_399 = arith.addf %get3A_392, %get3A_398 : vector<16xf32>
        %swap3A_400 = arith.index_cast %add3A_340 : i32 to index
        %swap3A_401 = arith.constant 48 : index
        %swap3A_402 = tpu.vector_load %arg10[%swap3A_400, %swap3A_401] {strides = array<i32>} : memref<128x64xf32, #tpu.memory_space<vmem>>, vector<1x16xf32>,
        %swap3A_403 = vector.shape_cast %swap3A_402 : vector<1x16xf32> to vector<16xf32>
        %swap3A_404 = vector.shape_cast %add3A_399 : vector<16xf32> to vector<1x16xf32>
        tpu.vector_store %arg10[%swap3A_400, %swap3A_401], %swap3A_404 {add = true, strides = array<i32>} : memref<128x64xf32, #tpu.memory_space<vmem>>, vector<1x16xf32>,
        %mul3A_405 = arith.constant 8 : i32
        %mul3A_406 = arith.muli %scan3A_270, %mul3A_405 : i32
        %add3A_407 = arith.constant 2 : i32
        %add3A_408 = arith.addi %mul3A_406, %add3A_407 : i32
        %get3A_409 = arith.index_cast %add3A_408 : i32 to index
        %get3A_410 = arith.constant 0 : index
        %get3A_411 = tpu.vector_load %arg6[%get3A_409, %get3A_410] {strides = array<i32>} : memref<256x64xf32, #tpu.memory_space<vmem>>, vector<1x16xf32>,
        %get3A_412 = vector.shape_cast %get3A_411 : vector<1x16xf32> to vector<16xf32>
        %add3A_413 = arith.constant 128 : i32
        %add3A_414 = arith.addi %add3A_413, %add3A_408 : i32
        %get3A_415 = arith.index_cast %add3A_414 : i32 to index
        %get3A_416 = arith.constant 0 : index
        %get3A_417 = tpu.vector_load %arg6[%get3A_415, %get3A_416] {strides = array<i32>} : memref<256x64xf32, #tpu.memory_space<vmem>>, vector<1x16xf32>,
        %get3A_418 = vector.shape_cast %get3A_417 : vector<1x16xf32> to vector<16xf32>
        %add3A_419 = arith.addf %get3A_412, %get3A_418 : vector<16xf32>
        %swap3A_420 = arith.index_cast %add3A_408 : i32 to index
        %swap3A_421 = arith.constant 0 : index
        %swap3A_422 = tpu.vector_load %arg10[%swap3A_420, %swap3A_421] {strides = array<i32>} : memref<128x64xf32, #tpu.memory_space<vmem>>, vector<1x16xf32>,
        %swap3A_423 = vector.shape_cast %swap3A_422 : vector<1x16xf32> to vector<16xf32>
        %swap3A_424 = vector.shape_cast %add3A_419 : vector<16xf32> to vector<1x16xf32>
        tpu.vector_store %arg10[%swap3A_420, %swap3A_421], %swap3A_424 {add = true, strides = array<i32>} : memref<128x64xf32, #tpu.memory_space<vmem>>, vector<1x16xf32>,
        %get3A_425 = arith.index_cast %add3A_408 : i32 to index
        %get3A_426 = arith.constant 16 : index
        %get3A_427 = tpu.vector_load %arg6[%get3A_425, %get3A_426] {strides = array<i32>} : memref<256x64xf32, #tpu.memory_space<vmem>>, vector<1x16xf32>,
        %get3A_428 = vector.shape_cast %get3A_427 : vector<1x16xf32> to vector<16xf32>
        %add3A_429 = arith.constant 128 : i32
        %add3A_430 = arith.addi %add3A_429, %add3A_408 : i32
        %get3A_431 = arith.index_cast %add3A_430 : i32 to index
        %get3A_432 = arith.constant 16 : index
        %get3A_433 = tpu.vector_load %arg6[%get3A_431, %get3A_432] {strides = array<i32>} : memref<256x64xf32, #tpu.memory_space<vmem>>, vector<1x16xf32>,
        %get3A_434 = vector.shape_cast %get3A_433 : vector<1x16xf32> to vector<16xf32>
        %add3A_435 = arith.addf %get3A_428, %get3A_434 : vector<16xf32>
        %swap3A_436 = arith.index_cast %add3A_408 : i32 to index
        %swap3A_437 = arith.constant 16 : index
        %swap3A_438 = tpu.vector_load %arg10[%swap3A_436, %swap3A_437] {strides = array<i32>} : memref<128x64xf32, #tpu.memory_space<vmem>>, vector<1x16xf32>,
        %swap3A_439 = vector.shape_cast %swap3A_438 : vector<1x16xf32> to vector<16xf32>
        %swap3A_440 = vector.shape_cast %add3A_435 : vector<16xf32> to vector<1x16xf32>
        tpu.vector_store %arg10[%swap3A_436, %swap3A_437], %swap3A_440 {add = true, strides = array<i32>} : memref<128x64xf32, #tpu.memory_space<vmem>>, vector<1x16xf32>,
        %get3A_441 = arith.index_cast %add3A_408 : i32 to index
        %get3A_442 = arith.constant 32 : index
        %get3A_443 = tpu.vector_load %arg6[%get3A_441, %get3A_442] {strides = array<i32>} : memref<256x64xf32, #tpu.memory_space<vmem>>, vector<1x16xf32>,
        %get3A_444 = vector.shape_cast %get3A_443 : vector<1x16xf32> to vector<16xf32>
        %add3A_445 = arith.constant 128 : i32
        %add3A_446 = arith.addi %add3A_445, %add3A_408 : i32
        %get3A_447 = arith.index_cast %add3A_446 : i32 to index
        %get3A_448 = arith.constant 32 : index
        %get3A_449 = tpu.vector_load %arg6[%get3A_447, %get3A_448] {strides = array<i32>} : memref<256x64xf32, #tpu.memory_space<vmem>>, vector<1x16xf32>,
        %get3A_450 = vector.shape_cast %get3A_449 : vector<1x16xf32> to vector<16xf32>
        %add3A_451 = arith.addf %get3A_444, %get3A_450 : vector<16xf32>
        %swap3A_452 = arith.index_cast %add3A_408 : i32 to index
        %swap3A_453 = arith.constant 32 : index
        %swap3A_454 = tpu.vector_load %arg10[%swap3A_452, %swap3A_453] {strides = array<i32>} : memref<128x64xf32, #tpu.memory_space<vmem>>, vector<1x16xf32>,
        %swap3A_455 = vector.shape_cast %swap3A_454 : vector<1x16xf32> to vector<16xf32>
        %swap3A_456 = vector.shape_cast %add3A_451 : vector<16xf32> to vector<1x16xf32>
        tpu.vector_store %arg10[%swap3A_452, %swap3A_453], %swap3A_456 {add = true, strides = array<i32>} : memref<128x64xf32, #tpu.memory_space<vmem>>, vector<1x16xf32>,
        %get3A_457 = arith.index_cast %add3A_408 : i32 to index
        %get3A_458 = arith.constant 48 : index
        %get3A_459 = tpu.vector_load %arg6[%get3A_457, %get3A_458] {strides = array<i32>} : memref<256x64xf32, #tpu.memory_space<vmem>>, vector<1x16xf32>,
        %get3A_460 = vector.shape_cast %get3A_459 : vector<1x16xf32> to vector<16xf32>
        %add3A_461 = arith.constant 128 : i32
        %add3A_462 = arith.addi %add3A_461, %add3A_408 : i32
        %get3A_463 = arith.index_cast %add3A_462 : i32 to index
        %get3A_464 = arith.constant 48 : index
        %get3A_465 = tpu.vector_load %arg6[%get3A_463, %get3A_464] {strides = array<i32>} : memref<256x64xf32, #tpu.memory_space<vmem>>, vector<1x16xf32>,
        %get3A_466 = vector.shape_cast %get3A_465 : vector<1x16xf32> to vector<16xf32>
        %add3A_467 = arith.addf %get3A_460, %get3A_466 : vector<16xf32>
        %swap3A_468 = arith.index_cast %add3A_408 : i32 to index
        %swap3A_469 = arith.constant 48 : index
        %swap3A_470 = tpu.vector_load %arg10[%swap3A_468, %swap3A_469] {strides = array<i32>} : memref<128x64xf32, #tpu.memory_space<vmem>>, vector<1x16xf32>,
        %swap3A_471 = vector.shape_cast %swap3A_470 : vector<1x16xf32> to vector<16xf32>
        %swap3A_472 = vector.shape_cast %add3A_467 : vector<16xf32> to vector<1x16xf32>
        tpu.vector_store %arg10[%swap3A_468, %swap3A_469], %swap3A_472 {add = true, strides = array<i32>} : memref<128x64xf32, #tpu.memory_space<vmem>>, vector<1x16xf32>,
        %mul3A_473 = arith.constant 8 : i32
        %mul3A_474 = arith.muli %scan3A_270, %mul3A_473 : i32
        %add3A_475 = arith.constant 3 : i32
        %add3A_476 = arith.addi %mul3A_474, %add3A_475 : i32
        %get3A_477 = arith.index_cast %add3A_476 : i32 to index
        %get3A_478 = arith.constant 0 : index
        %get3A_479 = tpu.vector_load %arg6[%get3A_477, %get3A_478] {strides = array<i32>} : memref<256x64xf32, #tpu.memory_space<vmem>>, vector<1x16xf32>,
        %get3A_480 = vector.shape_cast %get3A_479 : vector<1x16xf32> to vector<16xf32>
        %add3A_481 = arith.constant 128 : i32
        %add3A_482 = arith.addi %add3A_481, %add3A_476 : i32
        %get3A_483 = arith.index_cast %add3A_482 : i32 to index
        %get3A_484 = arith.constant 0 : index
        %get3A_485 = tpu.vector_load %arg6[%get3A_483, %get3A_484] {strides = array<i32>} : memref<256x64xf32, #tpu.memory_space<vmem>>, vector<1x16xf32>,
        %get3A_486 = vector.shape_cast %get3A_485 : vector<1x16xf32> to vector<16xf32>
        %add3A_487 = arith.addf %get3A_480, %get3A_486 : vector<16xf32>
        %swap3A_488 = arith.index_cast %add3A_476 : i32 to index
        %swap3A_489 = arith.constant 0 : index
        %swap3A_490 = tpu.vector_load %arg10[%swap3A_488, %swap3A_489] {strides = array<i32>} : memref<128x64xf32, #tpu.memory_space<vmem>>, vector<1x16xf32>,
        %swap3A_491 = vector.shape_cast %swap3A_490 : vector<1x16xf32> to vector<16xf32>
        %swap3A_492 = vector.shape_cast %add3A_487 : vector<16xf32> to vector<1x16xf32>
        tpu.vector_store %arg10[%swap3A_488, %swap3A_489], %swap3A_492 {add = true, strides = array<i32>} : memref<128x64xf32, #tpu.memory_space<vmem>>, vector<1x16xf32>,
        %get3A_493 = arith.index_cast %add3A_476 : i32 to index
        %get3A_494 = arith.constant 16 : index
        %get3A_495 = tpu.vector_load %arg6[%get3A_493, %get3A_494] {strides = array<i32>} : memref<256x64xf32, #tpu.memory_space<vmem>>, vector<1x16xf32>,
        %get3A_496 = vector.shape_cast %get3A_495 : vector<1x16xf32> to vector<16xf32>
        %add3A_497 = arith.constant 128 : i32
        %add3A_498 = arith.addi %add3A_497, %add3A_476 : i32
        %get3A_499 = arith.index_cast %add3A_498 : i32 to index
        %get3A_500 = arith.constant 16 : index
        %get3A_501 = tpu.vector_load %arg6[%get3A_499, %get3A_500] {strides = array<i32>} : memref<256x64xf32, #tpu.memory_space<vmem>>, vector<1x16xf32>,
        %get3A_502 = vector.shape_cast %get3A_501 : vector<1x16xf32> to vector<16xf32>
        %add3A_503 = arith.addf %get3A_496, %get3A_502 : vector<16xf32>
        %swap3A_504 = arith.index_cast %add3A_476 : i32 to index
        %swap3A_505 = arith.constant 16 : index
        %swap3A_506 = tpu.vector_load %arg10[%swap3A_504, %swap3A_505] {strides = array<i32>} : memref<128x64xf32, #tpu.memory_space<vmem>>, vector<1x16xf32>,
        %swap3A_507 = vector.shape_cast %swap3A_506 : vector<1x16xf32> to vector<16xf32>
        %swap3A_508 = vector.shape_cast %add3A_503 : vector<16xf32> to vector<1x16xf32>
        tpu.vector_store %arg10[%swap3A_504, %swap3A_505], %swap3A_508 {add = true, strides = array<i32>} : memref<128x64xf32, #tpu.memory_space<vmem>>, vector<1x16xf32>,
        %get3A_509 = arith.index_cast %add3A_476 : i32 to index
        %get3A_510 = arith.constant 32 : index
        %get3A_511 = tpu.vector_load %arg6[%get3A_509, %get3A_510] {strides = array<i32>} : memref<256x64xf32, #tpu.memory_space<vmem>>, vector<1x16xf32>,
        %get3A_512 = vector.shape_cast %get3A_511 : vector<1x16xf32> to vector<16xf32>
        %add3A_513 = arith.constant 128 : i32
        %add3A_514 = arith.addi %add3A_513, %add3A_476 : i32
        %get3A_515 = arith.index_cast %add3A_514 : i32 to index
        %get3A_516 = arith.constant 32 : index
        %get3A_517 = tpu.vector_load %arg6[%get3A_515, %get3A_516] {strides = array<i32>} : memref<256x64xf32, #tpu.memory_space<vmem>>, vector<1x16xf32>,
        %get3A_518 = vector.shape_cast %get3A_517 : vector<1x16xf32> to vector<16xf32>
        %add3A_519 = arith.addf %get3A_512, %get3A_518 : vector<16xf32>
        %swap3A_520 = arith.index_cast %add3A_476 : i32 to index
        %swap3A_521 = arith.constant 32 : index
        %swap3A_522 = tpu.vector_load %arg10[%swap3A_520, %swap3A_521] {strides = array<i32>} : memref<128x64xf32, #tpu.memory_space<vmem>>, vector<1x16xf32>,
        %swap3A_523 = vector.shape_cast %swap3A_522 : vector<1x16xf32> to vector<16xf32>
        %swap3A_524 = vector.shape_cast %add3A_519 : vector<16xf32> to vector<1x16xf32>
        tpu.vector_store %arg10[%swap3A_520, %swap3A_521], %swap3A_524 {add = true, strides = array<i32>} : memref<128x64xf32, #tpu.memory_space<vmem>>, vector<1x16xf32>,
        %get3A_525 = arith.index_cast %add3A_476 : i32 to index
        %get3A_526 = arith.constant 48 : index
        %get3A_527 = tpu.vector_load %arg6[%get3A_525, %get3A_526] {strides = array<i32>} : memref<256x64xf32, #tpu.memory_space<vmem>>, vector<1x16xf32>,
        %get3A_528 = vector.shape_cast %get3A_527 : vector<1x16xf32> to vector<16xf32>
        %add3A_529 = arith.constant 128 : i32
        %add3A_530 = arith.addi %add3A_529, %add3A_476 : i32
        %get3A_531 = arith.index_cast %add3A_530 : i32 to index
        %get3A_532 = arith.constant 48 : index
        %get3A_533 = tpu.vector_load %arg6[%get3A_531, %get3A_532] {strides = array<i32>} : memref<256x64xf32, #tpu.memory_space<vmem>>, vector<1x16xf32>,
        %get3A_534 = vector.shape_cast %get3A_533 : vector<1x16xf32> to vector<16xf32>
        %add3A_535 = arith.addf %get3A_528, %get3A_534 : vector<16xf32>
        %swap3A_536 = arith.index_cast %add3A_476 : i32 to index
        %swap3A_537 = arith.constant 48 : index
        %swap3A_538 = tpu.vector_load %arg10[%swap3A_536, %swap3A_537] {strides = array<i32>} : memref<128x64xf32, #tpu.memory_space<vmem>>, vector<1x16xf32>,
        %swap3A_539 = vector.shape_cast %swap3A_538 : vector<1x16xf32> to vector<16xf32>
        %swap3A_540 = vector.shape_cast %add3A_535 : vector<16xf32> to vector<1x16xf32>
        tpu.vector_store %arg10[%swap3A_536, %swap3A_537], %swap3A_540 {add = true, strides = array<i32>} : memref<128x64xf32, #tpu.memory_space<vmem>>, vector<1x16xf32>,
        %mul3A_541 = arith.constant 8 : i32
        %mul3A_542 = arith.muli %scan3A_270, %mul3A_541 : i32
        %add3A_543 = arith.constant 4 : i32
        %add3A_544 = arith.addi %mul3A_542, %add3A_543 : i32
        %get3A_545 = arith.index_cast %add3A_544 : i32 to index
        %get3A_546 = arith.constant 0 : index
        %get3A_547 = tpu.vector_load %arg6[%get3A_545, %get3A_546] {strides = array<i32>} : memref<256x64xf32, #tpu.memory_space<vmem>>, vector<1x16xf32>,
        %get3A_548 = vector.shape_cast %get3A_547 : vector<1x16xf32> to vector<16xf32>
        %add3A_549 = arith.constant 128 : i32
        %add3A_550 = arith.addi %add3A_549, %add3A_544 : i32
        %get3A_551 = arith.index_cast %add3A_550 : i32 to index
        %get3A_552 = arith.constant 0 : index
        %get3A_553 = tpu.vector_load %arg6[%get3A_551, %get3A_552] {strides = array<i32>} : memref<256x64xf32, #tpu.memory_space<vmem>>, vector<1x16xf32>,
        %get3A_554 = vector.shape_cast %get3A_553 : vector<1x16xf32> to vector<16xf32>
        %add3A_555 = arith.addf %get3A_548, %get3A_554 : vector<16xf32>
        %swap3A_556 = arith.index_cast %add3A_544 : i32 to index
        %swap3A_557 = arith.constant 0 : index
        %swap3A_558 = tpu.vector_load %arg10[%swap3A_556, %swap3A_557] {strides = array<i32>} : memref<128x64xf32, #tpu.memory_space<vmem>>, vector<1x16xf32>,
        %swap3A_559 = vector.shape_cast %swap3A_558 : vector<1x16xf32> to vector<16xf32>
        %swap3A_560 = vector.shape_cast %add3A_555 : vector<16xf32> to vector<1x16xf32>
        tpu.vector_store %arg10[%swap3A_556, %swap3A_557], %swap3A_560 {add = true, strides = array<i32>} : memref<128x64xf32, #tpu.memory_space<vmem>>, vector<1x16xf32>,
        %get3A_561 = arith.index_cast %add3A_544 : i32 to index
        %get3A_562 = arith.constant 16 : index
        %get3A_563 = tpu.vector_load %arg6[%get3A_561, %get3A_562] {strides = array<i32>} : memref<256x64xf32, #tpu.memory_space<vmem>>, vector<1x16xf32>,
        %get3A_564 = vector.shape_cast %get3A_563 : vector<1x16xf32> to vector<16xf32>
        %add3A_565 = arith.constant 128 : i32
        %add3A_566 = arith.addi %add3A_565, %add3A_544 : i32
        %get3A_567 = arith.index_cast %add3A_566 : i32 to index
        %get3A_568 = arith.constant 16 : index
        %get3A_569 = tpu.vector_load %arg6[%get3A_567, %get3A_568] {strides = array<i32>} : memref<256x64xf32, #tpu.memory_space<vmem>>, vector<1x16xf32>,
        %get3A_570 = vector.shape_cast %get3A_569 : vector<1x16xf32> to vector<16xf32>
        %add3A_571 = arith.addf %get3A_564, %get3A_570 : vector<16xf32>
        %swap3A_572 = arith.index_cast %add3A_544 : i32 to index
        %swap3A_573 = arith.constant 16 : index
        %swap3A_574 = tpu.vector_load %arg10[%swap3A_572, %swap3A_573] {strides = array<i32>} : memref<128x64xf32, #tpu.memory_space<vmem>>, vector<1x16xf32>,
        %swap3A_575 = vector.shape_cast %swap3A_574 : vector<1x16xf32> to vector<16xf32>
        %swap3A_576 = vector.shape_cast %add3A_571 : vector<16xf32> to vector<1x16xf32>
        tpu.vector_store %arg10[%swap3A_572, %swap3A_573], %swap3A_576 {add = true, strides = array<i32>} : memref<128x64xf32, #tpu.memory_space<vmem>>, vector<1x16xf32>,
        %get3A_577 = arith.index_cast %add3A_544 : i32 to index
        %get3A_578 = arith.constant 32 : index
        %get3A_579 = tpu.vector_load %arg6[%get3A_577, %get3A_578] {strides = array<i32>} : memref<256x64xf32, #tpu.memory_space<vmem>>, vector<1x16xf32>,
        %get3A_580 = vector.shape_cast %get3A_579 : vector<1x16xf32> to vector<16xf32>
        %add3A_581 = arith.constant 128 : i32
        %add3A_582 = arith.addi %add3A_581, %add3A_544 : i32
        %get3A_583 = arith.index_cast %add3A_582 : i32 to index
        %get3A_584 = arith.constant 32 : index
        %get3A_585 = tpu.vector_load %arg6[%get3A_583, %get3A_584] {strides = array<i32>} : memref<256x64xf32, #tpu.memory_space<vmem>>, vector<1x16xf32>,
        %get3A_586 = vector.shape_cast %get3A_585 : vector<1x16xf32> to vector<16xf32>
        %add3A_587 = arith.addf %get3A_580, %get3A_586 : vector<16xf32>
        %swap3A_588 = arith.index_cast %add3A_544 : i32 to index
        %swap3A_589 = arith.constant 32 : index
        %swap3A_590 = tpu.vector_load %arg10[%swap3A_588, %swap3A_589] {strides = array<i32>} : memref<128x64xf32, #tpu.memory_space<vmem>>, vector<1x16xf32>,
        %swap3A_591 = vector.shape_cast %swap3A_590 : vector<1x16xf32> to vector<16xf32>
        %swap3A_592 = vector.shape_cast %add3A_587 : vector<16xf32> to vector<1x16xf32>
        tpu.vector_store %arg10[%swap3A_588, %swap3A_589], %swap3A_592 {add = true, strides = array<i32>} : memref<128x64xf32, #tpu.memory_space<vmem>>, vector<1x16xf32>,
        %get3A_593 = arith.index_cast %add3A_544 : i32 to index
        %get3A_594 = arith.constant 48 : index
        %get3A_595 = tpu.vector_load %arg6[%get3A_593, %get3A_594] {strides = array<i32>} : memref<256x64xf32, #tpu.memory_space<vmem>>, vector<1x16xf32>,
        %get3A_596 = vector.shape_cast %get3A_595 : vector<1x16xf32> to vector<16xf32>
        %add3A_597 = arith.constant 128 : i32
        %add3A_598 = arith.addi %add3A_597, %add3A_544 : i32
        %get3A_599 = arith.index_cast %add3A_598 : i32 to index
        %get3A_600 = arith.constant 48 : index
        %get3A_601 = tpu.vector_load %arg6[%get3A_599, %get3A_600] {strides = array<i32>} : memref<256x64xf32, #tpu.memory_space<vmem>>, vector<1x16xf32>,
        %get3A_602 = vector.shape_cast %get3A_601 : vector<1x16xf32> to vector<16xf32>
        %add3A_603 = arith.addf %get3A_596, %get3A_602 : vector<16xf32>
        %swap3A_604 = arith.index_cast %add3A_544 : i32 to index
        %swap3A_605 = arith.constant 48 : index
        %swap3A_606 = tpu.vector_load %arg10[%swap3A_604, %swap3A_605] {strides = array<i32>} : memref<128x64xf32, #tpu.memory_space<vmem>>, vector<1x16xf32>,
        %swap3A_607 = vector.shape_cast %swap3A_606 : vector<1x16xf32> to vector<16xf32>
        %swap3A_608 = vector.shape_cast %add3A_603 : vector<16xf32> to vector<1x16xf32>
        tpu.vector_store %arg10[%swap3A_604, %swap3A_605], %swap3A_608 {add = true, strides = array<i32>} : memref<128x64xf32, #tpu.memory_space<vmem>>, vector<1x16xf32>,
        %mul3A_609 = arith.constant 8 : i32
        %mul3A_610 = arith.muli %scan3A_270, %mul3A_609 : i32
        %add3A_611 = arith.constant 5 : i32
        %add3A_612 = arith.addi %mul3A_610, %add3A_611 : i32
        %get3A_613 = arith.index_cast %add3A_612 : i32 to index
        %get3A_614 = arith.constant 0 : index
        %get3A_615 = tpu.vector_load %arg6[%get3A_613, %get3A_614] {strides = array<i32>} : memref<256x64xf32, #tpu.memory_space<vmem>>, vector<1x16xf32>,
        %get3A_616 = vector.shape_cast %get3A_615 : vector<1x16xf32> to vector<16xf32>
        %add3A_617 = arith.constant 128 : i32
        %add3A_618 = arith.addi %add3A_617, %add3A_612 : i32
        %get3A_619 = arith.index_cast %add3A_618 : i32 to index
        %get3A_620 = arith.constant 0 : index
        %get3A_621 = tpu.vector_load %arg6[%get3A_619, %get3A_620] {strides = array<i32>} : memref<256x64xf32, #tpu.memory_space<vmem>>, vector<1x16xf32>,
        %get3A_622 = vector.shape_cast %get3A_621 : vector<1x16xf32> to vector<16xf32>
        %add3A_623 = arith.addf %get3A_616, %get3A_622 : vector<16xf32>
        %swap3A_624 = arith.index_cast %add3A_612 : i32 to index
        %swap3A_625 = arith.constant 0 : index
        %swap3A_626 = tpu.vector_load %arg10[%swap3A_624, %swap3A_625] {strides = array<i32>} : memref<128x64xf32, #tpu.memory_space<vmem>>, vector<1x16xf32>,
        %swap3A_627 = vector.shape_cast %swap3A_626 : vector<1x16xf32> to vector<16xf32>
        %swap3A_628 = vector.shape_cast %add3A_623 : vector<16xf32> to vector<1x16xf32>
        tpu.vector_store %arg10[%swap3A_624, %swap3A_625], %swap3A_628 {add = true, strides = array<i32>} : memref<128x64xf32, #tpu.memory_space<vmem>>, vector<1x16xf32>,
        %get3A_629 = arith.index_cast %add3A_612 : i32 to index
        %get3A_630 = arith.constant 16 : index
        %get3A_631 = tpu.vector_load %arg6[%get3A_629, %get3A_630] {strides = array<i32>} : memref<256x64xf32, #tpu.memory_space<vmem>>, vector<1x16xf32>,
        %get3A_632 = vector.shape_cast %get3A_631 : vector<1x16xf32> to vector<16xf32>
        %add3A_633 = arith.constant 128 : i32
        %add3A_634 = arith.addi %add3A_633, %add3A_612 : i32
        %get3A_635 = arith.index_cast %add3A_634 : i32 to index
        %get3A_636 = arith.constant 16 : index
        %get3A_637 = tpu.vector_load %arg6[%get3A_635, %get3A_636] {strides = array<i32>} : memref<256x64xf32, #tpu.memory_space<vmem>>, vector<1x16xf32>,
        %get3A_638 = vector.shape_cast %get3A_637 : vector<1x16xf32> to vector<16xf32>
        %add3A_639 = arith.addf %get3A_632, %get3A_638 : vector<16xf32>
        %swap3A_640 = arith.index_cast %add3A_612 : i32 to index
        %swap3A_641 = arith.constant 16 : index
        %swap3A_642 = tpu.vector_load %arg10[%swap3A_640, %swap3A_641] {strides = array<i32>} : memref<128x64xf32, #tpu.memory_space<vmem>>, vector<1x16xf32>,
        %swap3A_643 = vector.shape_cast %swap3A_642 : vector<1x16xf32> to vector<16xf32>
        %swap3A_644 = vector.shape_cast %add3A_639 : vector<16xf32> to vector<1x16xf32>
        tpu.vector_store %arg10[%swap3A_640, %swap3A_641], %swap3A_644 {add = true, strides = array<i32>} : memref<128x64xf32, #tpu.memory_space<vmem>>, vector<1x16xf32>,
        %get3A_645 = arith.index_cast %add3A_612 : i32 to index
        %get3A_646 = arith.constant 32 : index
        %get3A_647 = tpu.vector_load %arg6[%get3A_645, %get3A_646] {strides = array<i32>} : memref<256x64xf32, #tpu.memory_space<vmem>>, vector<1x16xf32>,
        %get3A_648 = vector.shape_cast %get3A_647 : vector<1x16xf32> to vector<16xf32>
        %add3A_649 = arith.constant 128 : i32
        %add3A_650 = arith.addi %add3A_649, %add3A_612 : i32
        %get3A_651 = arith.index_cast %add3A_650 : i32 to index
        %get3A_652 = arith.constant 32 : index
        %get3A_653 = tpu.vector_load %arg6[%get3A_651, %get3A_652] {strides = array<i32>} : memref<256x64xf32, #tpu.memory_space<vmem>>, vector<1x16xf32>,
        %get3A_654 = vector.shape_cast %get3A_653 : vector<1x16xf32> to vector<16xf32>
        %add3A_655 = arith.addf %get3A_648, %get3A_654 : vector<16xf32>
        %swap3A_656 = arith.index_cast %add3A_612 : i32 to index
        %swap3A_657 = arith.constant 32 : index
        %swap3A_658 = tpu.vector_load %arg10[%swap3A_656, %swap3A_657] {strides = array<i32>} : memref<128x64xf32, #tpu.memory_space<vmem>>, vector<1x16xf32>,
        %swap3A_659 = vector.shape_cast %swap3A_658 : vector<1x16xf32> to vector<16xf32>
        %swap3A_660 = vector.shape_cast %add3A_655 : vector<16xf32> to vector<1x16xf32>
        tpu.vector_store %arg10[%swap3A_656, %swap3A_657], %swap3A_660 {add = true, strides = array<i32>} : memref<128x64xf32, #tpu.memory_space<vmem>>, vector<1x16xf32>,
        %get3A_661 = arith.index_cast %add3A_612 : i32 to index
        %get3A_662 = arith.constant 48 : index
        %get3A_663 = tpu.vector_load %arg6[%get3A_661, %get3A_662] {strides = array<i32>} : memref<256x64xf32, #tpu.memory_space<vmem>>, vector<1x16xf32>,
        %get3A_664 = vector.shape_cast %get3A_663 : vector<1x16xf32> to vector<16xf32>
        %add3A_665 = arith.constant 128 : i32
        %add3A_666 = arith.addi %add3A_665, %add3A_612 : i32
        %get3A_667 = arith.index_cast %add3A_666 : i32 to index
        %get3A_668 = arith.constant 48 : index
        %get3A_669 = tpu.vector_load %arg6[%get3A_667, %get3A_668] {strides = array<i32>} : memref<256x64xf32, #tpu.memory_space<vmem>>, vector<1x16xf32>,
        %get3A_670 = vector.shape_cast %get3A_669 : vector<1x16xf32> to vector<16xf32>
        %add3A_671 = arith.addf %get3A_664, %get3A_670 : vector<16xf32>
        %swap3A_672 = arith.index_cast %add3A_612 : i32 to index
        %swap3A_673 = arith.constant 48 : index
        %swap3A_674 = tpu.vector_load %arg10[%swap3A_672, %swap3A_673] {strides = array<i32>} : memref<128x64xf32, #tpu.memory_space<vmem>>, vector<1x16xf32>,
        %swap3A_675 = vector.shape_cast %swap3A_674 : vector<1x16xf32> to vector<16xf32>
        %swap3A_676 = vector.shape_cast %add3A_671 : vector<16xf32> to vector<1x16xf32>
        tpu.vector_store %arg10[%swap3A_672, %swap3A_673], %swap3A_676 {add = true, strides = array<i32>} : memref<128x64xf32, #tpu.memory_space<vmem>>, vector<1x16xf32>,
        %mul3A_677 = arith.constant 8 : i32
        %mul3A_678 = arith.muli %scan3A_270, %mul3A_677 : i32
        %add3A_679 = arith.constant 6 : i32
        %add3A_680 = arith.addi %mul3A_678, %add3A_679 : i32
        %get3A_681 = arith.index_cast %add3A_680 : i32 to index
        %get3A_682 = arith.constant 0 : index
        %get3A_683 = tpu.vector_load %arg6[%get3A_681, %get3A_682] {strides = array<i32>} : memref<256x64xf32, #tpu.memory_space<vmem>>, vector<1x16xf32>,
        %get3A_684 = vector.shape_cast %get3A_683 : vector<1x16xf32> to vector<16xf32>
        %add3A_685 = arith.constant 128 : i32
        %add3A_686 = arith.addi %add3A_685, %add3A_680 : i32
        %get3A_687 = arith.index_cast %add3A_686 : i32 to index
        %get3A_688 = arith.constant 0 : index
        %get3A_689 = tpu.vector_load %arg6[%get3A_687, %get3A_688] {strides = array<i32>} : memref<256x64xf32, #tpu.memory_space<vmem>>, vector<1x16xf32>,
        %get3A_690 = vector.shape_cast %get3A_689 : vector<1x16xf32> to vector<16xf32>
        %add3A_691 = arith.addf %get3A_684, %get3A_690 : vector<16xf32>
        %swap3A_692 = arith.index_cast %add3A_680 : i32 to index
        %swap3A_693 = arith.constant 0 : index
        %swap3A_694 = tpu.vector_load %arg10[%swap3A_692, %swap3A_693] {strides = array<i32>} : memref<128x64xf32, #tpu.memory_space<vmem>>, vector<1x16xf32>,
        %swap3A_695 = vector.shape_cast %swap3A_694 : vector<1x16xf32> to vector<16xf32>
        %swap3A_696 = vector.shape_cast %add3A_691 : vector<16xf32> to vector<1x16xf32>
        tpu.vector_store %arg10[%swap3A_692, %swap3A_693], %swap3A_696 {add = true, strides = array<i32>} : memref<128x64xf32, #tpu.memory_space<vmem>>, vector<1x16xf32>,
        %get3A_697 = arith.index_cast %add3A_680 : i32 to index
        %get3A_698 = arith.constant 16 : index
        %get3A_699 = tpu.vector_load %arg6[%get3A_697, %get3A_698] {strides = array<i32>} : memref<256x64xf32, #tpu.memory_space<vmem>>, vector<1x16xf32>,
        %get3A_700 = vector.shape_cast %get3A_699 : vector<1x16xf32> to vector<16xf32>
        %add3A_701 = arith.constant 128 : i32
        %add3A_702 = arith.addi %add3A_701, %add3A_680 : i32
        %get3A_703 = arith.index_cast %add3A_702 : i32 to index
        %get3A_704 = arith.constant 16 : index
        %get3A_705 = tpu.vector_load %arg6[%get3A_703, %get3A_704] {strides = array<i32>} : memref<256x64xf32, #tpu.memory_space<vmem>>, vector<1x16xf32>,
        %get3A_706 = vector.shape_cast %get3A_705 : vector<1x16xf32> to vector<16xf32>
        %add3A_707 = arith.addf %get3A_700, %get3A_706 : vector<16xf32>
        %swap3A_708 = arith.index_cast %add3A_680 : i32 to index
        %swap3A_709 = arith.constant 16 : index
        %swap3A_710 = tpu.vector_load %arg10[%swap3A_708, %swap3A_709] {strides = array<i32>} : memref<128x64xf32, #tpu.memory_space<vmem>>, vector<1x16xf32>,
        %swap3A_711 = vector.shape_cast %swap3A_710 : vector<1x16xf32> to vector<16xf32>
        %swap3A_712 = vector.shape_cast %add3A_707 : vector<16xf32> to vector<1x16xf32>
        tpu.vector_store %arg10[%swap3A_708, %swap3A_709], %swap3A_712 {add = true, strides = array<i32>} : memref<128x64xf32, #tpu.memory_space<vmem>>, vector<1x16xf32>,
        %get3A_713 = arith.index_cast %add3A_680 : i32 to index
        %get3A_714 = arith.constant 32 : index
        %get3A_715 = tpu.vector_load %arg6[%get3A_713, %get3A_714] {strides = array<i32>} : memref<256x64xf32, #tpu.memory_space<vmem>>, vector<1x16xf32>,
        %get3A_716 = vector.shape_cast %get3A_715 : vector<1x16xf32> to vector<16xf32>
        %add3A_717 = arith.constant 128 : i32
        %add3A_718 = arith.addi %add3A_717, %add3A_680 : i32
        %get3A_719 = arith.index_cast %add3A_718 : i32 to index
        %get3A_720 = arith.constant 32 : index
        %get3A_721 = tpu.vector_load %arg6[%get3A_719, %get3A_720] {strides = array<i32>} : memref<256x64xf32, #tpu.memory_space<vmem>>, vector<1x16xf32>,
        %get3A_722 = vector.shape_cast %get3A_721 : vector<1x16xf32> to vector<16xf32>
        %add3A_723 = arith.addf %get3A_716, %get3A_722 : vector<16xf32>
        %swap3A_724 = arith.index_cast %add3A_680 : i32 to index
        %swap3A_725 = arith.constant 32 : index
        %swap3A_726 = tpu.vector_load %arg10[%swap3A_724, %swap3A_725] {strides = array<i32>} : memref<128x64xf32, #tpu.memory_space<vmem>>, vector<1x16xf32>,
        %swap3A_727 = vector.shape_cast %swap3A_726 : vector<1x16xf32> to vector<16xf32>
        %swap3A_728 = vector.shape_cast %add3A_723 : vector<16xf32> to vector<1x16xf32>
        tpu.vector_store %arg10[%swap3A_724, %swap3A_725], %swap3A_728 {add = true, strides = array<i32>} : memref<128x64xf32, #tpu.memory_space<vmem>>, vector<1x16xf32>,
        %get3A_729 = arith.index_cast %add3A_680 : i32 to index
        %get3A_730 = arith.constant 48 : index
        %get3A_731 = tpu.vector_load %arg6[%get3A_729, %get3A_730] {strides = array<i32>} : memref<256x64xf32, #tpu.memory_space<vmem>>, vector<1x16xf32>,
        %get3A_732 = vector.shape_cast %get3A_731 : vector<1x16xf32> to vector<16xf32>
        %add3A_733 = arith.constant 128 : i32
        %add3A_734 = arith.addi %add3A_733, %add3A_680 : i32
        %get3A_735 = arith.index_cast %add3A_734 : i32 to index
        %get3A_736 = arith.constant 48 : index
        %get3A_737 = tpu.vector_load %arg6[%get3A_735, %get3A_736] {strides = array<i32>} : memref<256x64xf32, #tpu.memory_space<vmem>>, vector<1x16xf32>,
        %get3A_738 = vector.shape_cast %get3A_737 : vector<1x16xf32> to vector<16xf32>
        %add3A_739 = arith.addf %get3A_732, %get3A_738 : vector<16xf32>
        %swap3A_740 = arith.index_cast %add3A_680 : i32 to index
        %swap3A_741 = arith.constant 48 : index
        %swap3A_742 = tpu.vector_load %arg10[%swap3A_740, %swap3A_741] {strides = array<i32>} : memref<128x64xf32, #tpu.memory_space<vmem>>, vector<1x16xf32>,
        %swap3A_743 = vector.shape_cast %swap3A_742 : vector<1x16xf32> to vector<16xf32>
        %swap3A_744 = vector.shape_cast %add3A_739 : vector<16xf32> to vector<1x16xf32>
        tpu.vector_store %arg10[%swap3A_740, %swap3A_741], %swap3A_744 {add = true, strides = array<i32>} : memref<128x64xf32, #tpu.memory_space<vmem>>, vector<1x16xf32>,
        %mul3A_745 = arith.constant 8 : i32
        %mul3A_746 = arith.muli %scan3A_270, %mul3A_745 : i32
        %add3A_747 = arith.constant 7 : i32
        %add3A_748 = arith.addi %mul3A_746, %add3A_747 : i32
        %get3A_749 = arith.index_cast %add3A_748 : i32 to index
        %get3A_750 = arith.constant 0 : index
        %get3A_751 = tpu.vector_load %arg6[%get3A_749, %get3A_750] {strides = array<i32>} : memref<256x64xf32, #tpu.memory_space<vmem>>, vector<1x16xf32>,
        %get3A_752 = vector.shape_cast %get3A_751 : vector<1x16xf32> to vector<16xf32>
        %add3A_753 = arith.constant 128 : i32
        %add3A_754 = arith.addi %add3A_753, %add3A_748 : i32
        %get3A_755 = arith.index_cast %add3A_754 : i32 to index
        %get3A_756 = arith.constant 0 : index
        %get3A_757 = tpu.vector_load %arg6[%get3A_755, %get3A_756] {strides = array<i32>} : memref<256x64xf32, #tpu.memory_space<vmem>>, vector<1x16xf32>,
        %get3A_758 = vector.shape_cast %get3A_757 : vector<1x16xf32> to vector<16xf32>
        %add3A_759 = arith.addf %get3A_752, %get3A_758 : vector<16xf32>
        %swap3A_760 = arith.index_cast %add3A_748 : i32 to index
        %swap3A_761 = arith.constant 0 : index
        %swap3A_762 = tpu.vector_load %arg10[%swap3A_760, %swap3A_761] {strides = array<i32>} : memref<128x64xf32, #tpu.memory_space<vmem>>, vector<1x16xf32>,
        %swap3A_763 = vector.shape_cast %swap3A_762 : vector<1x16xf32> to vector<16xf32>
        %swap3A_764 = vector.shape_cast %add3A_759 : vector<16xf32> to vector<1x16xf32>
        tpu.vector_store %arg10[%swap3A_760, %swap3A_761], %swap3A_764 {add = true, strides = array<i32>} : memref<128x64xf32, #tpu.memory_space<vmem>>, vector<1x16xf32>,
        %get3A_765 = arith.index_cast %add3A_748 : i32 to index
        %get3A_766 = arith.constant 16 : index
        %get3A_767 = tpu.vector_load %arg6[%get3A_765, %get3A_766] {strides = array<i32>} : memref<256x64xf32, #tpu.memory_space<vmem>>, vector<1x16xf32>,
        %get3A_768 = vector.shape_cast %get3A_767 : vector<1x16xf32> to vector<16xf32>
        %add3A_769 = arith.constant 128 : i32
        %add3A_770 = arith.addi %add3A_769, %add3A_748 : i32
        %get3A_771 = arith.index_cast %add3A_770 : i32 to index
        %get3A_772 = arith.constant 16 : index
        %get3A_773 = tpu.vector_load %arg6[%get3A_771, %get3A_772] {strides = array<i32>} : memref<256x64xf32, #tpu.memory_space<vmem>>, vector<1x16xf32>,
        %get3A_774 = vector.shape_cast %get3A_773 : vector<1x16xf32> to vector<16xf32>
        %add3A_775 = arith.addf %get3A_768, %get3A_774 : vector<16xf32>
        %swap3A_776 = arith.index_cast %add3A_748 : i32 to index
        %swap3A_777 = arith.constant 16 : index
        %swap3A_778 = tpu.vector_load %arg10[%swap3A_776, %swap3A_777] {strides = array<i32>} : memref<128x64xf32, #tpu.memory_space<vmem>>, vector<1x16xf32>,
        %swap3A_779 = vector.shape_cast %swap3A_778 : vector<1x16xf32> to vector<16xf32>
        %swap3A_780 = vector.shape_cast %add3A_775 : vector<16xf32> to vector<1x16xf32>
        tpu.vector_store %arg10[%swap3A_776, %swap3A_777], %swap3A_780 {add = true, strides = array<i32>} : memref<128x64xf32, #tpu.memory_space<vmem>>, vector<1x16xf32>,
        %get3A_781 = arith.index_cast %add3A_748 : i32 to index
        %get3A_782 = arith.constant 32 : index
        %get3A_783 = tpu.vector_load %arg6[%get3A_781, %get3A_782] {strides = array<i32>} : memref<256x64xf32, #tpu.memory_space<vmem>>, vector<1x16xf32>,
        %get3A_784 = vector.shape_cast %get3A_783 : vector<1x16xf32> to vector<16xf32>
        %add3A_785 = arith.constant 128 : i32
        %add3A_786 = arith.addi %add3A_785, %add3A_748 : i32
        %get3A_787 = arith.index_cast %add3A_786 : i32 to index
        %get3A_788 = arith.constant 32 : index
        %get3A_789 = tpu.vector_load %arg6[%get3A_787, %get3A_788] {strides = array<i32>} : memref<256x64xf32, #tpu.memory_space<vmem>>, vector<1x16xf32>,
        %get3A_790 = vector.shape_cast %get3A_789 : vector<1x16xf32> to vector<16xf32>
        %add3A_791 = arith.addf %get3A_784, %get3A_790 : vector<16xf32>
        %swap3A_792 = arith.index_cast %add3A_748 : i32 to index
        %swap3A_793 = arith.constant 32 : index
        %swap3A_794 = tpu.vector_load %arg10[%swap3A_792, %swap3A_793] {strides = array<i32>} : memref<128x64xf32, #tpu.memory_space<vmem>>, vector<1x16xf32>,
        %swap3A_795 = vector.shape_cast %swap3A_794 : vector<1x16xf32> to vector<16xf32>
        %swap3A_796 = vector.shape_cast %add3A_791 : vector<16xf32> to vector<1x16xf32>
        tpu.vector_store %arg10[%swap3A_792, %swap3A_793], %swap3A_796 {add = true, strides = array<i32>} : memref<128x64xf32, #tpu.memory_space<vmem>>, vector<1x16xf32>,
        %get3A_797 = arith.index_cast %add3A_748 : i32 to index
        %get3A_798 = arith.constant 48 : index
        %get3A_799 = tpu.vector_load %arg6[%get3A_797, %get3A_798] {strides = array<i32>} : memref<256x64xf32, #tpu.memory_space<vmem>>, vector<1x16xf32>,
        %get3A_800 = vector.shape_cast %get3A_799 : vector<1x16xf32> to vector<16xf32>
        %add3A_801 = arith.constant 128 : i32
        %add3A_802 = arith.addi %add3A_801, %add3A_748 : i32
        %get3A_803 = arith.index_cast %add3A_802 : i32 to index
        %get3A_804 = arith.constant 48 : index
        %get3A_805 = tpu.vector_load %arg6[%get3A_803, %get3A_804] {strides = array<i32>} : memref<256x64xf32, #tpu.memory_space<vmem>>, vector<1x16xf32>,
        %get3A_806 = vector.shape_cast %get3A_805 : vector<1x16xf32> to vector<16xf32>
        %add3A_807 = arith.addf %get3A_800, %get3A_806 : vector<16xf32>
        %swap3A_808 = arith.index_cast %add3A_748 : i32 to index
        %swap3A_809 = arith.constant 48 : index
        %swap3A_810 = tpu.vector_load %arg10[%swap3A_808, %swap3A_809] {strides = array<i32>} : memref<128x64xf32, #tpu.memory_space<vmem>>, vector<1x16xf32>,
        %swap3A_811 = vector.shape_cast %swap3A_810 : vector<1x16xf32> to vector<16xf32>
        %swap3A_812 = vector.shape_cast %add3A_807 : vector<16xf32> to vector<1x16xf32>
        tpu.vector_store %arg10[%swap3A_808, %swap3A_809], %swap3A_812 {add = true, strides = array<i32>} : memref<128x64xf32, #tpu.memory_space<vmem>>, vector<1x16xf32>,
      }
      %scan3A_136 = arith.constant 16 : i32
      %add3A_137 = arith.constant 4 : i32
      %add3A_138 = arith.addi %add3A_105, %add3A_137 : i32
      %lt3A = arith.constant 100 : i32
      %lt3A_139 = arith.cmpi slt, %add3A_138, %lt3A : i32
      %convert_element_type3A = arith.extui %lt3A_139 : i1 to i32
      %cond3A = arith.constant 0 : i32
      %cond3A_140 = arith.cmpi ne, %convert_element_type3A, %cond3A : i32
      scf.if %cond3A_140 {
        %add3A_270 = arith.constant 4 : i32
        %add3A_271 = arith.addi %add3A_105, %add3A_270 : i32
        %mul3A_272 = arith.constant 2 : i32
        %mul3A_273 = arith.muli %mul3A_272, %add3A_271 : i32
        %add3A_274 = arith.constant 0 : i32
        %add3A_275 = arith.addi %mul3A_273, %add3A_274 : i32
        %dma_start3A_276 = arith.constant 0 : i32
        %dma_start3A_277 = arith.constant 0 : i32
        %dma_start3A_278 = tpu.memref_slice %arg6[%dma_start3A_276, %dma_start3A_277] : memref<256x64xf32, #tpu.memory_space<vmem>> -> memref<128x64xf32, #tpu.memory_space<vmem>>
        %dma_start3A_279 = arith.constant 0 : i32
        %dma_start3A_280 = tpu.memref_slice %arg5[%add3A_275, %dma_start3A_279] : memref<200x128xi32, #tpu.memory_space<vmem>> -> memref<1x128xi32, #tpu.memory_space<vmem>>
        %dma_start3A_281 = tpu.memref_squeeze %dma_start3A_280 : memref<1x128xi32, #tpu.memory_space<vmem>> -> memref<128xi32, #tpu.memory_space<vmem>>
        %dma_start3A_282 = arith.constant 0 : i32
        %dma_start3A_283 = arith.constant 0 : i32
        %dma_start3A_284 = tpu.memref_slice %arg3[%dma_start3A_282, %dma_start3A_283] : memref<1015808x64xf32, #tpu.memory_space<hbm>> -> memref<1015808x64xf32, #tpu.memory_space<hbm>>
        tpu.enqueue_indirect_dma source(%dma_start3A_284 : memref<1015808x64xf32, #tpu.memory_space<hbm>>) target(%dma_start3A_278 : memref<128x64xf32, #tpu.memory_space<vmem>>) offsets(%dma_start3A_281 : memref<128xi32, #tpu.memory_space<vmem>>) semaphore(%arg11 : memref<!tpu.dma_semaphore, #tpu.memory_space<semaphore_mem>>)
        %mul3A_285 = arith.constant 2 : i32
        %mul3A_286 = arith.muli %mul3A_285, %add3A_271 : i32
        %add3A_287 = arith.constant 1 : i32
        %add3A_288 = arith.addi %mul3A_286, %add3A_287 : i32
        %dma_start3A_289 = arith.constant 128 : i32
        %dma_start3A_290 = arith.constant 0 : i32
        %dma_start3A_291 = tpu.memref_slice %arg6[%dma_start3A_289, %dma_start3A_290] : memref<256x64xf32, #tpu.memory_space<vmem>> -> memref<128x64xf32, #tpu.memory_space<vmem>>
        %dma_start3A_292 = arith.constant 0 : i32
        %dma_start3A_293 = tpu.memref_slice %arg5[%add3A_288, %dma_start3A_292] : memref<200x128xi32, #tpu.memory_space<vmem>> -> memref<1x128xi32, #tpu.memory_space<vmem>>
        %dma_start3A_294 = tpu.memref_squeeze %dma_start3A_293 : memref<1x128xi32, #tpu.memory_space<vmem>> -> memref<128xi32, #tpu.memory_space<vmem>>
        %dma_start3A_295 = arith.constant 0 : i32
        %dma_start3A_296 = arith.constant 0 : i32
        %dma_start3A_297 = tpu.memref_slice %arg3[%dma_start3A_295, %dma_start3A_296] : memref<1015808x64xf32, #tpu.memory_space<hbm>> -> memref<1015808x64xf32, #tpu.memory_space<hbm>>
        tpu.enqueue_indirect_dma source(%dma_start3A_297 : memref<1015808x64xf32, #tpu.memory_space<hbm>>) target(%dma_start3A_291 : memref<128x64xf32, #tpu.memory_space<vmem>>) offsets(%dma_start3A_294 : memref<128xi32, #tpu.memory_space<vmem>>) semaphore(%arg11 : memref<!tpu.dma_semaphore, #tpu.memory_space<semaphore_mem>>)
      } else {
      }
      %mul3A_141 = arith.constant 4 : i32
      %mul3A_142 = arith.muli %mul3A_141, %scan3A_101 : i32
      %add3A_143 = arith.constant 1 : i32
      %add3A_144 = arith.addi %mul3A_142, %add3A_143 : i32
      %mul3A_145 = arith.constant 2 : i32
      %mul3A_146 = arith.muli %mul3A_145, %add3A_144 : i32
      %add3A_147 = arith.constant 0 : i32
      %add3A_148 = arith.addi %mul3A_146, %add3A_147 : i32
      %dma_wait3A_149 = arith.constant 0 : i32
      %dma_wait3A_150 = arith.constant 0 : i32
      %dma_wait3A_151 = tpu.memref_slice %arg7[%dma_wait3A_149, %dma_wait3A_150] : memref<256x64xf32, #tpu.memory_space<vmem>> -> memref<128x64xf32, #tpu.memory_space<vmem>>
      %dma_wait3A_152 = arith.constant 0 : i32
      %dma_wait3A_153 = tpu.memref_slice %arg5[%add3A_148, %dma_wait3A_152] : memref<200x128xi32, #tpu.memory_space<vmem>> -> memref<1x128xi32, #tpu.memory_space<vmem>>
      %dma_wait3A_154 = tpu.memref_squeeze %dma_wait3A_153 : memref<1x128xi32, #tpu.memory_space<vmem>> -> memref<128xi32, #tpu.memory_space<vmem>>
      %dma_wait3A_155 = arith.constant 0 : i32
      %dma_wait3A_156 = arith.constant 0 : i32
      %dma_wait3A_157 = tpu.memref_slice %arg3[%dma_wait3A_155, %dma_wait3A_156] : memref<1015808x64xf32, #tpu.memory_space<hbm>> -> memref<1015808x64xf32, #tpu.memory_space<hbm>>
      tpu.wait_indirect_dma semaphore(%arg12 : memref<!tpu.dma_semaphore, #tpu.memory_space<semaphore_mem>>) src(%dma_wait3A_157 : memref<1015808x64xf32, #tpu.memory_space<hbm>>) dst(%dma_wait3A_151 : memref<128x64xf32, #tpu.memory_space<vmem>>)
      %mul3A_158 = arith.constant 2 : i32
      %mul3A_159 = arith.muli %mul3A_158, %add3A_144 : i32
      %add3A_160 = arith.constant 1 : i32
      %add3A_161 = arith.addi %mul3A_159, %add3A_160 : i32
      %dma_wait3A_162 = arith.constant 128 : i32
      %dma_wait3A_163 = arith.constant 0 : i32
      %dma_wait3A_164 = tpu.memref_slice %arg7[%dma_wait3A_162, %dma_wait3A_163] : memref<256x64xf32, #tpu.memory_space<vmem>> -> memref<128x64xf32, #tpu.memory_space<vmem>>
      %dma_wait3A_165 = arith.constant 0 : i32
      %dma_wait3A_166 = tpu.memref_slice %arg5[%add3A_161, %dma_wait3A_165] : memref<200x128xi32, #tpu.memory_space<vmem>> -> memref<1x128xi32, #tpu.memory_space<vmem>>
      %dma_wait3A_167 = tpu.memref_squeeze %dma_wait3A_166 : memref<1x128xi32, #tpu.memory_space<vmem>> -> memref<128xi32, #tpu.memory_space<vmem>>
      %dma_wait3A_168 = arith.constant 0 : i32
      %dma_wait3A_169 = arith.constant 0 : i32
      %dma_wait3A_170 = tpu.memref_slice %arg3[%dma_wait3A_168, %dma_wait3A_169] : memref<1015808x64xf32, #tpu.memory_space<hbm>> -> memref<1015808x64xf32, #tpu.memory_space<hbm>>
      tpu.wait_indirect_dma semaphore(%arg12 : memref<!tpu.dma_semaphore, #tpu.memory_space<semaphore_mem>>) src(%dma_wait3A_170 : memref<1015808x64xf32, #tpu.memory_space<hbm>>) dst(%dma_wait3A_164 : memref<128x64xf32, #tpu.memory_space<vmem>>)
      %scan3A_171 = arith.constant 0 : i32
      %scan3A_172 = arith.constant 0 : i32
      %scan3A_173 = arith.constant 16 : i32
      %scan3A_174 = arith.addi %scan3A_172, %scan3A_173 : i32
      %scan3A_175 = arith.constant 1 : i32
      scf.for %scan3A_270 = %scan3A_172 to %scan3A_174 step %scan3A_175  : i32 {
        %mul3A_271 = arith.constant 8 : i32
        %mul3A_272 = arith.muli %scan3A_270, %mul3A_271 : i32
        %add3A_273 = arith.constant 0 : i32
        %add3A_274 = arith.addi %mul3A_272, %add3A_273 : i32
        %get3A = arith.index_cast %add3A_274 : i32 to index
        %get3A_275 = arith.constant 0 : index
        %get3A_276 = tpu.vector_load %arg7[%get3A, %get3A_275] {strides = array<i32>} : memref<256x64xf32, #tpu.memory_space<vmem>>, vector<1x16xf32>,
        %get3A_277 = vector.shape_cast %get3A_276 : vector<1x16xf32> to vector<16xf32>
        %add3A_278 = arith.constant 128 : i32
        %add3A_279 = arith.addi %add3A_278, %add3A_274 : i32
        %get3A_280 = arith.index_cast %add3A_279 : i32 to index
        %get3A_281 = arith.constant 0 : index
        %get3A_282 = tpu.vector_load %arg7[%get3A_280, %get3A_281] {strides = array<i32>} : memref<256x64xf32, #tpu.memory_space<vmem>>, vector<1x16xf32>,
        %get3A_283 = vector.shape_cast %get3A_282 : vector<1x16xf32> to vector<16xf32>
        %add3A_284 = arith.addf %get3A_277, %get3A_283 : vector<16xf32>
        %swap3A = arith.index_cast %add3A_274 : i32 to index
        %swap3A_285 = arith.constant 0 : index
        %swap3A_286 = tpu.vector_load %arg10[%swap3A, %swap3A_285] {strides = array<i32>} : memref<128x64xf32, #tpu.memory_space<vmem>>, vector<1x16xf32>,
        %swap3A_287 = vector.shape_cast %swap3A_286 : vector<1x16xf32> to vector<16xf32>
        %swap3A_288 = vector.shape_cast %add3A_284 : vector<16xf32> to vector<1x16xf32>
        tpu.vector_store %arg10[%swap3A, %swap3A_285], %swap3A_288 {add = true, strides = array<i32>} : memref<128x64xf32, #tpu.memory_space<vmem>>, vector<1x16xf32>,
        %get3A_289 = arith.index_cast %add3A_274 : i32 to index
        %get3A_290 = arith.constant 16 : index
        %get3A_291 = tpu.vector_load %arg7[%get3A_289, %get3A_290] {strides = array<i32>} : memref<256x64xf32, #tpu.memory_space<vmem>>, vector<1x16xf32>,
        %get3A_292 = vector.shape_cast %get3A_291 : vector<1x16xf32> to vector<16xf32>
        %add3A_293 = arith.constant 128 : i32
        %add3A_294 = arith.addi %add3A_293, %add3A_274 : i32
        %get3A_295 = arith.index_cast %add3A_294 : i32 to index
        %get3A_296 = arith.constant 16 : index
        %get3A_297 = tpu.vector_load %arg7[%get3A_295, %get3A_296] {strides = array<i32>} : memref<256x64xf32, #tpu.memory_space<vmem>>, vector<1x16xf32>,
        %get3A_298 = vector.shape_cast %get3A_297 : vector<1x16xf32> to vector<16xf32>
        %add3A_299 = arith.addf %get3A_292, %get3A_298 : vector<16xf32>
        %swap3A_300 = arith.index_cast %add3A_274 : i32 to index
        %swap3A_301 = arith.constant 16 : index
        %swap3A_302 = tpu.vector_load %arg10[%swap3A_300, %swap3A_301] {strides = array<i32>} : memref<128x64xf32, #tpu.memory_space<vmem>>, vector<1x16xf32>,
        %swap3A_303 = vector.shape_cast %swap3A_302 : vector<1x16xf32> to vector<16xf32>
        %swap3A_304 = vector.shape_cast %add3A_299 : vector<16xf32> to vector<1x16xf32>
        tpu.vector_store %arg10[%swap3A_300, %swap3A_301], %swap3A_304 {add = true, strides = array<i32>} : memref<128x64xf32, #tpu.memory_space<vmem>>, vector<1x16xf32>,
        %get3A_305 = arith.index_cast %add3A_274 : i32 to index
        %get3A_306 = arith.constant 32 : index
        %get3A_307 = tpu.vector_load %arg7[%get3A_305, %get3A_306] {strides = array<i32>} : memref<256x64xf32, #tpu.memory_space<vmem>>, vector<1x16xf32>,
        %get3A_308 = vector.shape_cast %get3A_307 : vector<1x16xf32> to vector<16xf32>
        %add3A_309 = arith.constant 128 : i32
        %add3A_310 = arith.addi %add3A_309, %add3A_274 : i32
        %get3A_311 = arith.index_cast %add3A_310 : i32 to index
        %get3A_312 = arith.constant 32 : index
        %get3A_313 = tpu.vector_load %arg7[%get3A_311, %get3A_312] {strides = array<i32>} : memref<256x64xf32, #tpu.memory_space<vmem>>, vector<1x16xf32>,
        %get3A_314 = vector.shape_cast %get3A_313 : vector<1x16xf32> to vector<16xf32>
        %add3A_315 = arith.addf %get3A_308, %get3A_314 : vector<16xf32>
        %swap3A_316 = arith.index_cast %add3A_274 : i32 to index
        %swap3A_317 = arith.constant 32 : index
        %swap3A_318 = tpu.vector_load %arg10[%swap3A_316, %swap3A_317] {strides = array<i32>} : memref<128x64xf32, #tpu.memory_space<vmem>>, vector<1x16xf32>,
        %swap3A_319 = vector.shape_cast %swap3A_318 : vector<1x16xf32> to vector<16xf32>
        %swap3A_320 = vector.shape_cast %add3A_315 : vector<16xf32> to vector<1x16xf32>
        tpu.vector_store %arg10[%swap3A_316, %swap3A_317], %swap3A_320 {add = true, strides = array<i32>} : memref<128x64xf32, #tpu.memory_space<vmem>>, vector<1x16xf32>,
        %get3A_321 = arith.index_cast %add3A_274 : i32 to index
        %get3A_322 = arith.constant 48 : index
        %get3A_323 = tpu.vector_load %arg7[%get3A_321, %get3A_322] {strides = array<i32>} : memref<256x64xf32, #tpu.memory_space<vmem>>, vector<1x16xf32>,
        %get3A_324 = vector.shape_cast %get3A_323 : vector<1x16xf32> to vector<16xf32>
        %add3A_325 = arith.constant 128 : i32
        %add3A_326 = arith.addi %add3A_325, %add3A_274 : i32
        %get3A_327 = arith.index_cast %add3A_326 : i32 to index
        %get3A_328 = arith.constant 48 : index
        %get3A_329 = tpu.vector_load %arg7[%get3A_327, %get3A_328] {strides = array<i32>} : memref<256x64xf32, #tpu.memory_space<vmem>>, vector<1x16xf32>,
        %get3A_330 = vector.shape_cast %get3A_329 : vector<1x16xf32> to vector<16xf32>
        %add3A_331 = arith.addf %get3A_324, %get3A_330 : vector<16xf32>
        %swap3A_332 = arith.index_cast %add3A_274 : i32 to index
        %swap3A_333 = arith.constant 48 : index
        %swap3A_334 = tpu.vector_load %arg10[%swap3A_332, %swap3A_333] {strides = array<i32>} : memref<128x64xf32, #tpu.memory_space<vmem>>, vector<1x16xf32>,
        %swap3A_335 = vector.shape_cast %swap3A_334 : vector<1x16xf32> to vector<16xf32>
        %swap3A_336 = vector.shape_cast %add3A_331 : vector<16xf32> to vector<1x16xf32>
        tpu.vector_store %arg10[%swap3A_332, %swap3A_333], %swap3A_336 {add = true, strides = array<i32>} : memref<128x64xf32, #tpu.memory_space<vmem>>, vector<1x16xf32>,
        %mul3A_337 = arith.constant 8 : i32
        %mul3A_338 = arith.muli %scan3A_270, %mul3A_337 : i32
        %add3A_339 = arith.constant 1 : i32
        %add3A_340 = arith.addi %mul3A_338, %add3A_339 : i32
        %get3A_341 = arith.index_cast %add3A_340 : i32 to index
        %get3A_342 = arith.constant 0 : index
        %get3A_343 = tpu.vector_load %arg7[%get3A_341, %get3A_342] {strides = array<i32>} : memref<256x64xf32, #tpu.memory_space<vmem>>, vector<1x16xf32>,
        %get3A_344 = vector.shape_cast %get3A_343 : vector<1x16xf32> to vector<16xf32>
        %add3A_345 = arith.constant 128 : i32
        %add3A_346 = arith.addi %add3A_345, %add3A_340 : i32
        %get3A_347 = arith.index_cast %add3A_346 : i32 to index
        %get3A_348 = arith.constant 0 : index
        %get3A_349 = tpu.vector_load %arg7[%get3A_347, %get3A_348] {strides = array<i32>} : memref<256x64xf32, #tpu.memory_space<vmem>>, vector<1x16xf32>,
        %get3A_350 = vector.shape_cast %get3A_349 : vector<1x16xf32> to vector<16xf32>
        %add3A_351 = arith.addf %get3A_344, %get3A_350 : vector<16xf32>
        %swap3A_352 = arith.index_cast %add3A_340 : i32 to index
        %swap3A_353 = arith.constant 0 : index
        %swap3A_354 = tpu.vector_load %arg10[%swap3A_352, %swap3A_353] {strides = array<i32>} : memref<128x64xf32, #tpu.memory_space<vmem>>, vector<1x16xf32>,
        %swap3A_355 = vector.shape_cast %swap3A_354 : vector<1x16xf32> to vector<16xf32>
        %swap3A_356 = vector.shape_cast %add3A_351 : vector<16xf32> to vector<1x16xf32>
        tpu.vector_store %arg10[%swap3A_352, %swap3A_353], %swap3A_356 {add = true, strides = array<i32>} : memref<128x64xf32, #tpu.memory_space<vmem>>, vector<1x16xf32>,
        %get3A_357 = arith.index_cast %add3A_340 : i32 to index
        %get3A_358 = arith.constant 16 : index
        %get3A_359 = tpu.vector_load %arg7[%get3A_357, %get3A_358] {strides = array<i32>} : memref<256x64xf32, #tpu.memory_space<vmem>>, vector<1x16xf32>,
        %get3A_360 = vector.shape_cast %get3A_359 : vector<1x16xf32> to vector<16xf32>
        %add3A_361 = arith.constant 128 : i32
        %add3A_362 = arith.addi %add3A_361, %add3A_340 : i32
        %get3A_363 = arith.index_cast %add3A_362 : i32 to index
        %get3A_364 = arith.constant 16 : index
        %get3A_365 = tpu.vector_load %arg7[%get3A_363, %get3A_364] {strides = array<i32>} : memref<256x64xf32, #tpu.memory_space<vmem>>, vector<1x16xf32>,
        %get3A_366 = vector.shape_cast %get3A_365 : vector<1x16xf32> to vector<16xf32>
        %add3A_367 = arith.addf %get3A_360, %get3A_366 : vector<16xf32>
        %swap3A_368 = arith.index_cast %add3A_340 : i32 to index
        %swap3A_369 = arith.constant 16 : index
        %swap3A_370 = tpu.vector_load %arg10[%swap3A_368, %swap3A_369] {strides = array<i32>} : memref<128x64xf32, #tpu.memory_space<vmem>>, vector<1x16xf32>,
        %swap3A_371 = vector.shape_cast %swap3A_370 : vector<1x16xf32> to vector<16xf32>
        %swap3A_372 = vector.shape_cast %add3A_367 : vector<16xf32> to vector<1x16xf32>
        tpu.vector_store %arg10[%swap3A_368, %swap3A_369], %swap3A_372 {add = true, strides = array<i32>} : memref<128x64xf32, #tpu.memory_space<vmem>>, vector<1x16xf32>,
        %get3A_373 = arith.index_cast %add3A_340 : i32 to index
        %get3A_374 = arith.constant 32 : index
        %get3A_375 = tpu.vector_load %arg7[%get3A_373, %get3A_374] {strides = array<i32>} : memref<256x64xf32, #tpu.memory_space<vmem>>, vector<1x16xf32>,
        %get3A_376 = vector.shape_cast %get3A_375 : vector<1x16xf32> to vector<16xf32>
        %add3A_377 = arith.constant 128 : i32
        %add3A_378 = arith.addi %add3A_377, %add3A_340 : i32
        %get3A_379 = arith.index_cast %add3A_378 : i32 to index
        %get3A_380 = arith.constant 32 : index
        %get3A_381 = tpu.vector_load %arg7[%get3A_379, %get3A_380] {strides = array<i32>} : memref<256x64xf32, #tpu.memory_space<vmem>>, vector<1x16xf32>,
        %get3A_382 = vector.shape_cast %get3A_381 : vector<1x16xf32> to vector<16xf32>
        %add3A_383 = arith.addf %get3A_376, %get3A_382 : vector<16xf32>
        %swap3A_384 = arith.index_cast %add3A_340 : i32 to index
        %swap3A_385 = arith.constant 32 : index
        %swap3A_386 = tpu.vector_load %arg10[%swap3A_384, %swap3A_385] {strides = array<i32>} : memref<128x64xf32, #tpu.memory_space<vmem>>, vector<1x16xf32>,
        %swap3A_387 = vector.shape_cast %swap3A_386 : vector<1x16xf32> to vector<16xf32>
        %swap3A_388 = vector.shape_cast %add3A_383 : vector<16xf32> to vector<1x16xf32>
        tpu.vector_store %arg10[%swap3A_384, %swap3A_385], %swap3A_388 {add = true, strides = array<i32>} : memref<128x64xf32, #tpu.memory_space<vmem>>, vector<1x16xf32>,
        %get3A_389 = arith.index_cast %add3A_340 : i32 to index
        %get3A_390 = arith.constant 48 : index
        %get3A_391 = tpu.vector_load %arg7[%get3A_389, %get3A_390] {strides = array<i32>} : memref<256x64xf32, #tpu.memory_space<vmem>>, vector<1x16xf32>,
        %get3A_392 = vector.shape_cast %get3A_391 : vector<1x16xf32> to vector<16xf32>
        %add3A_393 = arith.constant 128 : i32
        %add3A_394 = arith.addi %add3A_393, %add3A_340 : i32
        %get3A_395 = arith.index_cast %add3A_394 : i32 to index
        %get3A_396 = arith.constant 48 : index
        %get3A_397 = tpu.vector_load %arg7[%get3A_395, %get3A_396] {strides = array<i32>} : memref<256x64xf32, #tpu.memory_space<vmem>>, vector<1x16xf32>,
        %get3A_398 = vector.shape_cast %get3A_397 : vector<1x16xf32> to vector<16xf32>
        %add3A_399 = arith.addf %get3A_392, %get3A_398 : vector<16xf32>
        %swap3A_400 = arith.index_cast %add3A_340 : i32 to index
        %swap3A_401 = arith.constant 48 : index
        %swap3A_402 = tpu.vector_load %arg10[%swap3A_400, %swap3A_401] {strides = array<i32>} : memref<128x64xf32, #tpu.memory_space<vmem>>, vector<1x16xf32>,
        %swap3A_403 = vector.shape_cast %swap3A_402 : vector<1x16xf32> to vector<16xf32>
        %swap3A_404 = vector.shape_cast %add3A_399 : vector<16xf32> to vector<1x16xf32>
        tpu.vector_store %arg10[%swap3A_400, %swap3A_401], %swap3A_404 {add = true, strides = array<i32>} : memref<128x64xf32, #tpu.memory_space<vmem>>, vector<1x16xf32>,
        %mul3A_405 = arith.constant 8 : i32
        %mul3A_406 = arith.muli %scan3A_270, %mul3A_405 : i32
        %add3A_407 = arith.constant 2 : i32
        %add3A_408 = arith.addi %mul3A_406, %add3A_407 : i32
        %get3A_409 = arith.index_cast %add3A_408 : i32 to index
        %get3A_410 = arith.constant 0 : index
        %get3A_411 = tpu.vector_load %arg7[%get3A_409, %get3A_410] {strides = array<i32>} : memref<256x64xf32, #tpu.memory_space<vmem>>, vector<1x16xf32>,
        %get3A_412 = vector.shape_cast %get3A_411 : vector<1x16xf32> to vector<16xf32>
        %add3A_413 = arith.constant 128 : i32
        %add3A_414 = arith.addi %add3A_413, %add3A_408 : i32
        %get3A_415 = arith.index_cast %add3A_414 : i32 to index
        %get3A_416 = arith.constant 0 : index
        %get3A_417 = tpu.vector_load %arg7[%get3A_415, %get3A_416] {strides = array<i32>} : memref<256x64xf32, #tpu.memory_space<vmem>>, vector<1x16xf32>,
        %get3A_418 = vector.shape_cast %get3A_417 : vector<1x16xf32> to vector<16xf32>
        %add3A_419 = arith.addf %get3A_412, %get3A_418 : vector<16xf32>
        %swap3A_420 = arith.index_cast %add3A_408 : i32 to index
        %swap3A_421 = arith.constant 0 : index
        %swap3A_422 = tpu.vector_load %arg10[%swap3A_420, %swap3A_421] {strides = array<i32>} : memref<128x64xf32, #tpu.memory_space<vmem>>, vector<1x16xf32>,
        %swap3A_423 = vector.shape_cast %swap3A_422 : vector<1x16xf32> to vector<16xf32>
        %swap3A_424 = vector.shape_cast %add3A_419 : vector<16xf32> to vector<1x16xf32>
        tpu.vector_store %arg10[%swap3A_420, %swap3A_421], %swap3A_424 {add = true, strides = array<i32>} : memref<128x64xf32, #tpu.memory_space<vmem>>, vector<1x16xf32>,
        %get3A_425 = arith.index_cast %add3A_408 : i32 to index
        %get3A_426 = arith.constant 16 : index
        %get3A_427 = tpu.vector_load %arg7[%get3A_425, %get3A_426] {strides = array<i32>} : memref<256x64xf32, #tpu.memory_space<vmem>>, vector<1x16xf32>,
        %get3A_428 = vector.shape_cast %get3A_427 : vector<1x16xf32> to vector<16xf32>
        %add3A_429 = arith.constant 128 : i32
        %add3A_430 = arith.addi %add3A_429, %add3A_408 : i32
        %get3A_431 = arith.index_cast %add3A_430 : i32 to index
        %get3A_432 = arith.constant 16 : index
        %get3A_433 = tpu.vector_load %arg7[%get3A_431, %get3A_432] {strides = array<i32>} : memref<256x64xf32, #tpu.memory_space<vmem>>, vector<1x16xf32>,
        %get3A_434 = vector.shape_cast %get3A_433 : vector<1x16xf32> to vector<16xf32>
        %add3A_435 = arith.addf %get3A_428, %get3A_434 : vector<16xf32>
        %swap3A_436 = arith.index_cast %add3A_408 : i32 to index
        %swap3A_437 = arith.constant 16 : index
        %swap3A_438 = tpu.vector_load %arg10[%swap3A_436, %swap3A_437] {strides = array<i32>} : memref<128x64xf32, #tpu.memory_space<vmem>>, vector<1x16xf32>,
        %swap3A_439 = vector.shape_cast %swap3A_438 : vector<1x16xf32> to vector<16xf32>
        %swap3A_440 = vector.shape_cast %add3A_435 : vector<16xf32> to vector<1x16xf32>
        tpu.vector_store %arg10[%swap3A_436, %swap3A_437], %swap3A_440 {add = true, strides = array<i32>} : memref<128x64xf32, #tpu.memory_space<vmem>>, vector<1x16xf32>,
        %get3A_441 = arith.index_cast %add3A_408 : i32 to index
        %get3A_442 = arith.constant 32 : index
        %get3A_443 = tpu.vector_load %arg7[%get3A_441, %get3A_442] {strides = array<i32>} : memref<256x64xf32, #tpu.memory_space<vmem>>, vector<1x16xf32>,
        %get3A_444 = vector.shape_cast %get3A_443 : vector<1x16xf32> to vector<16xf32>
        %add3A_445 = arith.constant 128 : i32
        %add3A_446 = arith.addi %add3A_445, %add3A_408 : i32
        %get3A_447 = arith.index_cast %add3A_446 : i32 to index
        %get3A_448 = arith.constant 32 : index
        %get3A_449 = tpu.vector_load %arg7[%get3A_447, %get3A_448] {strides = array<i32>} : memref<256x64xf32, #tpu.memory_space<vmem>>, vector<1x16xf32>,
        %get3A_450 = vector.shape_cast %get3A_449 : vector<1x16xf32> to vector<16xf32>
        %add3A_451 = arith.addf %get3A_444, %get3A_450 : vector<16xf32>
        %swap3A_452 = arith.index_cast %add3A_408 : i32 to index
        %swap3A_453 = arith.constant 32 : index
        %swap3A_454 = tpu.vector_load %arg10[%swap3A_452, %swap3A_453] {strides = array<i32>} : memref<128x64xf32, #tpu.memory_space<vmem>>, vector<1x16xf32>,
        %swap3A_455 = vector.shape_cast %swap3A_454 : vector<1x16xf32> to vector<16xf32>
        %swap3A_456 = vector.shape_cast %add3A_451 : vector<16xf32> to vector<1x16xf32>
        tpu.vector_store %arg10[%swap3A_452, %swap3A_453], %swap3A_456 {add = true, strides = array<i32>} : memref<128x64xf32, #tpu.memory_space<vmem>>, vector<1x16xf32>,
        %get3A_457 = arith.index_cast %add3A_408 : i32 to index
        %get3A_458 = arith.constant 48 : index
        %get3A_459 = tpu.vector_load %arg7[%get3A_457, %get3A_458] {strides = array<i32>} : memref<256x64xf32, #tpu.memory_space<vmem>>, vector<1x16xf32>,
        %get3A_460 = vector.shape_cast %get3A_459 : vector<1x16xf32> to vector<16xf32>
        %add3A_461 = arith.constant 128 : i32
        %add3A_462 = arith.addi %add3A_461, %add3A_408 : i32
        %get3A_463 = arith.index_cast %add3A_462 : i32 to index
        %get3A_464 = arith.constant 48 : index
        %get3A_465 = tpu.vector_load %arg7[%get3A_463, %get3A_464] {strides = array<i32>} : memref<256x64xf32, #tpu.memory_space<vmem>>, vector<1x16xf32>,
        %get3A_466 = vector.shape_cast %get3A_465 : vector<1x16xf32> to vector<16xf32>
        %add3A_467 = arith.addf %get3A_460, %get3A_466 : vector<16xf32>
        %swap3A_468 = arith.index_cast %add3A_408 : i32 to index
        %swap3A_469 = arith.constant 48 : index
        %swap3A_470 = tpu.vector_load %arg10[%swap3A_468, %swap3A_469] {strides = array<i32>} : memref<128x64xf32, #tpu.memory_space<vmem>>, vector<1x16xf32>,
        %swap3A_471 = vector.shape_cast %swap3A_470 : vector<1x16xf32> to vector<16xf32>
        %swap3A_472 = vector.shape_cast %add3A_467 : vector<16xf32> to vector<1x16xf32>
        tpu.vector_store %arg10[%swap3A_468, %swap3A_469], %swap3A_472 {add = true, strides = array<i32>} : memref<128x64xf32, #tpu.memory_space<vmem>>, vector<1x16xf32>,
        %mul3A_473 = arith.constant 8 : i32
        %mul3A_474 = arith.muli %scan3A_270, %mul3A_473 : i32
        %add3A_475 = arith.constant 3 : i32
        %add3A_476 = arith.addi %mul3A_474, %add3A_475 : i32
        %get3A_477 = arith.index_cast %add3A_476 : i32 to index
        %get3A_478 = arith.constant 0 : index
        %get3A_479 = tpu.vector_load %arg7[%get3A_477, %get3A_478] {strides = array<i32>} : memref<256x64xf32, #tpu.memory_space<vmem>>, vector<1x16xf32>,
        %get3A_480 = vector.shape_cast %get3A_479 : vector<1x16xf32> to vector<16xf32>
        %add3A_481 = arith.constant 128 : i32
        %add3A_482 = arith.addi %add3A_481, %add3A_476 : i32
        %get3A_483 = arith.index_cast %add3A_482 : i32 to index
        %get3A_484 = arith.constant 0 : index
        %get3A_485 = tpu.vector_load %arg7[%get3A_483, %get3A_484] {strides = array<i32>} : memref<256x64xf32, #tpu.memory_space<vmem>>, vector<1x16xf32>,
        %get3A_486 = vector.shape_cast %get3A_485 : vector<1x16xf32> to vector<16xf32>
        %add3A_487 = arith.addf %get3A_480, %get3A_486 : vector<16xf32>
        %swap3A_488 = arith.index_cast %add3A_476 : i32 to index
        %swap3A_489 = arith.constant 0 : index
        %swap3A_490 = tpu.vector_load %arg10[%swap3A_488, %swap3A_489] {strides = array<i32>} : memref<128x64xf32, #tpu.memory_space<vmem>>, vector<1x16xf32>,
        %swap3A_491 = vector.shape_cast %swap3A_490 : vector<1x16xf32> to vector<16xf32>
        %swap3A_492 = vector.shape_cast %add3A_487 : vector<16xf32> to vector<1x16xf32>
        tpu.vector_store %arg10[%swap3A_488, %swap3A_489], %swap3A_492 {add = true, strides = array<i32>} : memref<128x64xf32, #tpu.memory_space<vmem>>, vector<1x16xf32>,
        %get3A_493 = arith.index_cast %add3A_476 : i32 to index
        %get3A_494 = arith.constant 16 : index
        %get3A_495 = tpu.vector_load %arg7[%get3A_493, %get3A_494] {strides = array<i32>} : memref<256x64xf32, #tpu.memory_space<vmem>>, vector<1x16xf32>,
        %get3A_496 = vector.shape_cast %get3A_495 : vector<1x16xf32> to vector<16xf32>
        %add3A_497 = arith.constant 128 : i32
        %add3A_498 = arith.addi %add3A_497, %add3A_476 : i32
        %get3A_499 = arith.index_cast %add3A_498 : i32 to index
        %get3A_500 = arith.constant 16 : index
        %get3A_501 = tpu.vector_load %arg7[%get3A_499, %get3A_500] {strides = array<i32>} : memref<256x64xf32, #tpu.memory_space<vmem>>, vector<1x16xf32>,
        %get3A_502 = vector.shape_cast %get3A_501 : vector<1x16xf32> to vector<16xf32>
        %add3A_503 = arith.addf %get3A_496, %get3A_502 : vector<16xf32>
        %swap3A_504 = arith.index_cast %add3A_476 : i32 to index
        %swap3A_505 = arith.constant 16 : index
        %swap3A_506 = tpu.vector_load %arg10[%swap3A_504, %swap3A_505] {strides = array<i32>} : memref<128x64xf32, #tpu.memory_space<vmem>>, vector<1x16xf32>,
        %swap3A_507 = vector.shape_cast %swap3A_506 : vector<1x16xf32> to vector<16xf32>
        %swap3A_508 = vector.shape_cast %add3A_503 : vector<16xf32> to vector<1x16xf32>
        tpu.vector_store %arg10[%swap3A_504, %swap3A_505], %swap3A_508 {add = true, strides = array<i32>} : memref<128x64xf32, #tpu.memory_space<vmem>>, vector<1x16xf32>,
        %get3A_509 = arith.index_cast %add3A_476 : i32 to index
        %get3A_510 = arith.constant 32 : index
        %get3A_511 = tpu.vector_load %arg7[%get3A_509, %get3A_510] {strides = array<i32>} : memref<256x64xf32, #tpu.memory_space<vmem>>, vector<1x16xf32>,
        %get3A_512 = vector.shape_cast %get3A_511 : vector<1x16xf32> to vector<16xf32>
        %add3A_513 = arith.constant 128 : i32
        %add3A_514 = arith.addi %add3A_513, %add3A_476 : i32
        %get3A_515 = arith.index_cast %add3A_514 : i32 to index
        %get3A_516 = arith.constant 32 : index
        %get3A_517 = tpu.vector_load %arg7[%get3A_515, %get3A_516] {strides = array<i32>} : memref<256x64xf32, #tpu.memory_space<vmem>>, vector<1x16xf32>,
        %get3A_518 = vector.shape_cast %get3A_517 : vector<1x16xf32> to vector<16xf32>
        %add3A_519 = arith.addf %get3A_512, %get3A_518 : vector<16xf32>
        %swap3A_520 = arith.index_cast %add3A_476 : i32 to index
        %swap3A_521 = arith.constant 32 : index
        %swap3A_522 = tpu.vector_load %arg10[%swap3A_520, %swap3A_521] {strides = array<i32>} : memref<128x64xf32, #tpu.memory_space<vmem>>, vector<1x16xf32>,
        %swap3A_523 = vector.shape_cast %swap3A_522 : vector<1x16xf32> to vector<16xf32>
        %swap3A_524 = vector.shape_cast %add3A_519 : vector<16xf32> to vector<1x16xf32>
        tpu.vector_store %arg10[%swap3A_520, %swap3A_521], %swap3A_524 {add = true, strides = array<i32>} : memref<128x64xf32, #tpu.memory_space<vmem>>, vector<1x16xf32>,
        %get3A_525 = arith.index_cast %add3A_476 : i32 to index
        %get3A_526 = arith.constant 48 : index
        %get3A_527 = tpu.vector_load %arg7[%get3A_525, %get3A_526] {strides = array<i32>} : memref<256x64xf32, #tpu.memory_space<vmem>>, vector<1x16xf32>,
        %get3A_528 = vector.shape_cast %get3A_527 : vector<1x16xf32> to vector<16xf32>
        %add3A_529 = arith.constant 128 : i32
        %add3A_530 = arith.addi %add3A_529, %add3A_476 : i32
        %get3A_531 = arith.index_cast %add3A_530 : i32 to index
        %get3A_532 = arith.constant 48 : index
        %get3A_533 = tpu.vector_load %arg7[%get3A_531, %get3A_532] {strides = array<i32>} : memref<256x64xf32, #tpu.memory_space<vmem>>, vector<1x16xf32>,
        %get3A_534 = vector.shape_cast %get3A_533 : vector<1x16xf32> to vector<16xf32>
        %add3A_535 = arith.addf %get3A_528, %get3A_534 : vector<16xf32>
        %swap3A_536 = arith.index_cast %add3A_476 : i32 to index
        %swap3A_537 = arith.constant 48 : index
        %swap3A_538 = tpu.vector_load %arg10[%swap3A_536, %swap3A_537] {strides = array<i32>} : memref<128x64xf32, #tpu.memory_space<vmem>>, vector<1x16xf32>,
        %swap3A_539 = vector.shape_cast %swap3A_538 : vector<1x16xf32> to vector<16xf32>
        %swap3A_540 = vector.shape_cast %add3A_535 : vector<16xf32> to vector<1x16xf32>
        tpu.vector_store %arg10[%swap3A_536, %swap3A_537], %swap3A_540 {add = true, strides = array<i32>} : memref<128x64xf32, #tpu.memory_space<vmem>>, vector<1x16xf32>,
        %mul3A_541 = arith.constant 8 : i32
        %mul3A_542 = arith.muli %scan3A_270, %mul3A_541 : i32
        %add3A_543 = arith.constant 4 : i32
        %add3A_544 = arith.addi %mul3A_542, %add3A_543 : i32
        %get3A_545 = arith.index_cast %add3A_544 : i32 to index
        %get3A_546 = arith.constant 0 : index
        %get3A_547 = tpu.vector_load %arg7[%get3A_545, %get3A_546] {strides = array<i32>} : memref<256x64xf32, #tpu.memory_space<vmem>>, vector<1x16xf32>,
        %get3A_548 = vector.shape_cast %get3A_547 : vector<1x16xf32> to vector<16xf32>
        %add3A_549 = arith.constant 128 : i32
        %add3A_550 = arith.addi %add3A_549, %add3A_544 : i32
        %get3A_551 = arith.index_cast %add3A_550 : i32 to index
        %get3A_552 = arith.constant 0 : index
        %get3A_553 = tpu.vector_load %arg7[%get3A_551, %get3A_552] {strides = array<i32>} : memref<256x64xf32, #tpu.memory_space<vmem>>, vector<1x16xf32>,
        %get3A_554 = vector.shape_cast %get3A_553 : vector<1x16xf32> to vector<16xf32>
        %add3A_555 = arith.addf %get3A_548, %get3A_554 : vector<16xf32>
        %swap3A_556 = arith.index_cast %add3A_544 : i32 to index
        %swap3A_557 = arith.constant 0 : index
        %swap3A_558 = tpu.vector_load %arg10[%swap3A_556, %swap3A_557] {strides = array<i32>} : memref<128x64xf32, #tpu.memory_space<vmem>>, vector<1x16xf32>,
        %swap3A_559 = vector.shape_cast %swap3A_558 : vector<1x16xf32> to vector<16xf32>
        %swap3A_560 = vector.shape_cast %add3A_555 : vector<16xf32> to vector<1x16xf32>
        tpu.vector_store %arg10[%swap3A_556, %swap3A_557], %swap3A_560 {add = true, strides = array<i32>} : memref<128x64xf32, #tpu.memory_space<vmem>>, vector<1x16xf32>,
        %get3A_561 = arith.index_cast %add3A_544 : i32 to index
        %get3A_562 = arith.constant 16 : index
        %get3A_563 = tpu.vector_load %arg7[%get3A_561, %get3A_562] {strides = array<i32>} : memref<256x64xf32, #tpu.memory_space<vmem>>, vector<1x16xf32>,
        %get3A_564 = vector.shape_cast %get3A_563 : vector<1x16xf32> to vector<16xf32>
        %add3A_565 = arith.constant 128 : i32
        %add3A_566 = arith.addi %add3A_565, %add3A_544 : i32
        %get3A_567 = arith.index_cast %add3A_566 : i32 to index
        %get3A_568 = arith.constant 16 : index
        %get3A_569 = tpu.vector_load %arg7[%get3A_567, %get3A_568] {strides = array<i32>} : memref<256x64xf32, #tpu.memory_space<vmem>>, vector<1x16xf32>,
        %get3A_570 = vector.shape_cast %get3A_569 : vector<1x16xf32> to vector<16xf32>
        %add3A_571 = arith.addf %get3A_564, %get3A_570 : vector<16xf32>
        %swap3A_572 = arith.index_cast %add3A_544 : i32 to index
        %swap3A_573 = arith.constant 16 : index
        %swap3A_574 = tpu.vector_load %arg10[%swap3A_572, %swap3A_573] {strides = array<i32>} : memref<128x64xf32, #tpu.memory_space<vmem>>, vector<1x16xf32>,
        %swap3A_575 = vector.shape_cast %swap3A_574 : vector<1x16xf32> to vector<16xf32>
        %swap3A_576 = vector.shape_cast %add3A_571 : vector<16xf32> to vector<1x16xf32>
        tpu.vector_store %arg10[%swap3A_572, %swap3A_573], %swap3A_576 {add = true, strides = array<i32>} : memref<128x64xf32, #tpu.memory_space<vmem>>, vector<1x16xf32>,
        %get3A_577 = arith.index_cast %add3A_544 : i32 to index
        %get3A_578 = arith.constant 32 : index
        %get3A_579 = tpu.vector_load %arg7[%get3A_577, %get3A_578] {strides = array<i32>} : memref<256x64xf32, #tpu.memory_space<vmem>>, vector<1x16xf32>,
        %get3A_580 = vector.shape_cast %get3A_579 : vector<1x16xf32> to vector<16xf32>
        %add3A_581 = arith.constant 128 : i32
        %add3A_582 = arith.addi %add3A_581, %add3A_544 : i32
        %get3A_583 = arith.index_cast %add3A_582 : i32 to index
        %get3A_584 = arith.constant 32 : index
        %get3A_585 = tpu.vector_load %arg7[%get3A_583, %get3A_584] {strides = array<i32>} : memref<256x64xf32, #tpu.memory_space<vmem>>, vector<1x16xf32>,
        %get3A_586 = vector.shape_cast %get3A_585 : vector<1x16xf32> to vector<16xf32>
        %add3A_587 = arith.addf %get3A_580, %get3A_586 : vector<16xf32>
        %swap3A_588 = arith.index_cast %add3A_544 : i32 to index
        %swap3A_589 = arith.constant 32 : index
        %swap3A_590 = tpu.vector_load %arg10[%swap3A_588, %swap3A_589] {strides = array<i32>} : memref<128x64xf32, #tpu.memory_space<vmem>>, vector<1x16xf32>,
        %swap3A_591 = vector.shape_cast %swap3A_590 : vector<1x16xf32> to vector<16xf32>
        %swap3A_592 = vector.shape_cast %add3A_587 : vector<16xf32> to vector<1x16xf32>
        tpu.vector_store %arg10[%swap3A_588, %swap3A_589], %swap3A_592 {add = true, strides = array<i32>} : memref<128x64xf32, #tpu.memory_space<vmem>>, vector<1x16xf32>,
        %get3A_593 = arith.index_cast %add3A_544 : i32 to index
        %get3A_594 = arith.constant 48 : index
        %get3A_595 = tpu.vector_load %arg7[%get3A_593, %get3A_594] {strides = array<i32>} : memref<256x64xf32, #tpu.memory_space<vmem>>, vector<1x16xf32>,
        %get3A_596 = vector.shape_cast %get3A_595 : vector<1x16xf32> to vector<16xf32>
        %add3A_597 = arith.constant 128 : i32
        %add3A_598 = arith.addi %add3A_597, %add3A_544 : i32
        %get3A_599 = arith.index_cast %add3A_598 : i32 to index
        %get3A_600 = arith.constant 48 : index
        %get3A_601 = tpu.vector_load %arg7[%get3A_599, %get3A_600] {strides = array<i32>} : memref<256x64xf32, #tpu.memory_space<vmem>>, vector<1x16xf32>,
        %get3A_602 = vector.shape_cast %get3A_601 : vector<1x16xf32> to vector<16xf32>
        %add3A_603 = arith.addf %get3A_596, %get3A_602 : vector<16xf32>
        %swap3A_604 = arith.index_cast %add3A_544 : i32 to index
        %swap3A_605 = arith.constant 48 : index
        %swap3A_606 = tpu.vector_load %arg10[%swap3A_604, %swap3A_605] {strides = array<i32>} : memref<128x64xf32, #tpu.memory_space<vmem>>, vector<1x16xf32>,
        %swap3A_607 = vector.shape_cast %swap3A_606 : vector<1x16xf32> to vector<16xf32>
        %swap3A_608 = vector.shape_cast %add3A_603 : vector<16xf32> to vector<1x16xf32>
        tpu.vector_store %arg10[%swap3A_604, %swap3A_605], %swap3A_608 {add = true, strides = array<i32>} : memref<128x64xf32, #tpu.memory_space<vmem>>, vector<1x16xf32>,
        %mul3A_609 = arith.constant 8 : i32
        %mul3A_610 = arith.muli %scan3A_270, %mul3A_609 : i32
        %add3A_611 = arith.constant 5 : i32
        %add3A_612 = arith.addi %mul3A_610, %add3A_611 : i32
        %get3A_613 = arith.index_cast %add3A_612 : i32 to index
        %get3A_614 = arith.constant 0 : index
        %get3A_615 = tpu.vector_load %arg7[%get3A_613, %get3A_614] {strides = array<i32>} : memref<256x64xf32, #tpu.memory_space<vmem>>, vector<1x16xf32>,
        %get3A_616 = vector.shape_cast %get3A_615 : vector<1x16xf32> to vector<16xf32>
        %add3A_617 = arith.constant 128 : i32
        %add3A_618 = arith.addi %add3A_617, %add3A_612 : i32
        %get3A_619 = arith.index_cast %add3A_618 : i32 to index
        %get3A_620 = arith.constant 0 : index
        %get3A_621 = tpu.vector_load %arg7[%get3A_619, %get3A_620] {strides = array<i32>} : memref<256x64xf32, #tpu.memory_space<vmem>>, vector<1x16xf32>,
        %get3A_622 = vector.shape_cast %get3A_621 : vector<1x16xf32> to vector<16xf32>
        %add3A_623 = arith.addf %get3A_616, %get3A_622 : vector<16xf32>
        %swap3A_624 = arith.index_cast %add3A_612 : i32 to index
        %swap3A_625 = arith.constant 0 : index
        %swap3A_626 = tpu.vector_load %arg10[%swap3A_624, %swap3A_625] {strides = array<i32>} : memref<128x64xf32, #tpu.memory_space<vmem>>, vector<1x16xf32>,
        %swap3A_627 = vector.shape_cast %swap3A_626 : vector<1x16xf32> to vector<16xf32>
        %swap3A_628 = vector.shape_cast %add3A_623 : vector<16xf32> to vector<1x16xf32>
        tpu.vector_store %arg10[%swap3A_624, %swap3A_625], %swap3A_628 {add = true, strides = array<i32>} : memref<128x64xf32, #tpu.memory_space<vmem>>, vector<1x16xf32>,
        %get3A_629 = arith.index_cast %add3A_612 : i32 to index
        %get3A_630 = arith.constant 16 : index
        %get3A_631 = tpu.vector_load %arg7[%get3A_629, %get3A_630] {strides = array<i32>} : memref<256x64xf32, #tpu.memory_space<vmem>>, vector<1x16xf32>,
        %get3A_632 = vector.shape_cast %get3A_631 : vector<1x16xf32> to vector<16xf32>
        %add3A_633 = arith.constant 128 : i32
        %add3A_634 = arith.addi %add3A_633, %add3A_612 : i32
        %get3A_635 = arith.index_cast %add3A_634 : i32 to index
        %get3A_636 = arith.constant 16 : index
        %get3A_637 = tpu.vector_load %arg7[%get3A_635, %get3A_636] {strides = array<i32>} : memref<256x64xf32, #tpu.memory_space<vmem>>, vector<1x16xf32>,
        %get3A_638 = vector.shape_cast %get3A_637 : vector<1x16xf32> to vector<16xf32>
        %add3A_639 = arith.addf %get3A_632, %get3A_638 : vector<16xf32>
        %swap3A_640 = arith.index_cast %add3A_612 : i32 to index
        %swap3A_641 = arith.constant 16 : index
        %swap3A_642 = tpu.vector_load %arg10[%swap3A_640, %swap3A_641] {strides = array<i32>} : memref<128x64xf32, #tpu.memory_space<vmem>>, vector<1x16xf32>,
        %swap3A_643 = vector.shape_cast %swap3A_642 : vector<1x16xf32> to vector<16xf32>
        %swap3A_644 = vector.shape_cast %add3A_639 : vector<16xf32> to vector<1x16xf32>
        tpu.vector_store %arg10[%swap3A_640, %swap3A_641], %swap3A_644 {add = true, strides = array<i32>} : memref<128x64xf32, #tpu.memory_space<vmem>>, vector<1x16xf32>,
        %get3A_645 = arith.index_cast %add3A_612 : i32 to index
        %get3A_646 = arith.constant 32 : index
        %get3A_647 = tpu.vector_load %arg7[%get3A_645, %get3A_646] {strides = array<i32>} : memref<256x64xf32, #tpu.memory_space<vmem>>, vector<1x16xf32>,
        %get3A_648 = vector.shape_cast %get3A_647 : vector<1x16xf32> to vector<16xf32>
        %add3A_649 = arith.constant 128 : i32
        %add3A_650 = arith.addi %add3A_649, %add3A_612 : i32
        %get3A_651 = arith.index_cast %add3A_650 : i32 to index
        %get3A_652 = arith.constant 32 : index
        %get3A_653 = tpu.vector_load %arg7[%get3A_651, %get3A_652] {strides = array<i32>} : memref<256x64xf32, #tpu.memory_space<vmem>>, vector<1x16xf32>,
        %get3A_654 = vector.shape_cast %get3A_653 : vector<1x16xf32> to vector<16xf32>
        %add3A_655 = arith.addf %get3A_648, %get3A_654 : vector<16xf32>
        %swap3A_656 = arith.index_cast %add3A_612 : i32 to index
        %swap3A_657 = arith.constant 32 : index
        %swap3A_658 = tpu.vector_load %arg10[%swap3A_656, %swap3A_657] {strides = array<i32>} : memref<128x64xf32, #tpu.memory_space<vmem>>, vector<1x16xf32>,
        %swap3A_659 = vector.shape_cast %swap3A_658 : vector<1x16xf32> to vector<16xf32>
        %swap3A_660 = vector.shape_cast %add3A_655 : vector<16xf32> to vector<1x16xf32>
        tpu.vector_store %arg10[%swap3A_656, %swap3A_657], %swap3A_660 {add = true, strides = array<i32>} : memref<128x64xf32, #tpu.memory_space<vmem>>, vector<1x16xf32>,
        %get3A_661 = arith.index_cast %add3A_612 : i32 to index
        %get3A_662 = arith.constant 48 : index
        %get3A_663 = tpu.vector_load %arg7[%get3A_661, %get3A_662] {strides = array<i32>} : memref<256x64xf32, #tpu.memory_space<vmem>>, vector<1x16xf32>,
        %get3A_664 = vector.shape_cast %get3A_663 : vector<1x16xf32> to vector<16xf32>
        %add3A_665 = arith.constant 128 : i32
        %add3A_666 = arith.addi %add3A_665, %add3A_612 : i32
        %get3A_667 = arith.index_cast %add3A_666 : i32 to index
        %get3A_668 = arith.constant 48 : index
        %get3A_669 = tpu.vector_load %arg7[%get3A_667, %get3A_668] {strides = array<i32>} : memref<256x64xf32, #tpu.memory_space<vmem>>, vector<1x16xf32>,
        %get3A_670 = vector.shape_cast %get3A_669 : vector<1x16xf32> to vector<16xf32>
        %add3A_671 = arith.addf %get3A_664, %get3A_670 : vector<16xf32>
        %swap3A_672 = arith.index_cast %add3A_612 : i32 to index
        %swap3A_673 = arith.constant 48 : index
        %swap3A_674 = tpu.vector_load %arg10[%swap3A_672, %swap3A_673] {strides = array<i32>} : memref<128x64xf32, #tpu.memory_space<vmem>>, vector<1x16xf32>,
        %swap3A_675 = vector.shape_cast %swap3A_674 : vector<1x16xf32> to vector<16xf32>
        %swap3A_676 = vector.shape_cast %add3A_671 : vector<16xf32> to vector<1x16xf32>
        tpu.vector_store %arg10[%swap3A_672, %swap3A_673], %swap3A_676 {add = true, strides = array<i32>} : memref<128x64xf32, #tpu.memory_space<vmem>>, vector<1x16xf32>,
        %mul3A_677 = arith.constant 8 : i32
        %mul3A_678 = arith.muli %scan3A_270, %mul3A_677 : i32
        %add3A_679 = arith.constant 6 : i32
        %add3A_680 = arith.addi %mul3A_678, %add3A_679 : i32
        %get3A_681 = arith.index_cast %add3A_680 : i32 to index
        %get3A_682 = arith.constant 0 : index
        %get3A_683 = tpu.vector_load %arg7[%get3A_681, %get3A_682] {strides = array<i32>} : memref<256x64xf32, #tpu.memory_space<vmem>>, vector<1x16xf32>,
        %get3A_684 = vector.shape_cast %get3A_683 : vector<1x16xf32> to vector<16xf32>
        %add3A_685 = arith.constant 128 : i32
        %add3A_686 = arith.addi %add3A_685, %add3A_680 : i32
        %get3A_687 = arith.index_cast %add3A_686 : i32 to index
        %get3A_688 = arith.constant 0 : index
        %get3A_689 = tpu.vector_load %arg7[%get3A_687, %get3A_688] {strides = array<i32>} : memref<256x64xf32, #tpu.memory_space<vmem>>, vector<1x16xf32>,
        %get3A_690 = vector.shape_cast %get3A_689 : vector<1x16xf32> to vector<16xf32>
        %add3A_691 = arith.addf %get3A_684, %get3A_690 : vector<16xf32>
        %swap3A_692 = arith.index_cast %add3A_680 : i32 to index
        %swap3A_693 = arith.constant 0 : index
        %swap3A_694 = tpu.vector_load %arg10[%swap3A_692, %swap3A_693] {strides = array<i32>} : memref<128x64xf32, #tpu.memory_space<vmem>>, vector<1x16xf32>,
        %swap3A_695 = vector.shape_cast %swap3A_694 : vector<1x16xf32> to vector<16xf32>
        %swap3A_696 = vector.shape_cast %add3A_691 : vector<16xf32> to vector<1x16xf32>
        tpu.vector_store %arg10[%swap3A_692, %swap3A_693], %swap3A_696 {add = true, strides = array<i32>} : memref<128x64xf32, #tpu.memory_space<vmem>>, vector<1x16xf32>,
        %get3A_697 = arith.index_cast %add3A_680 : i32 to index
        %get3A_698 = arith.constant 16 : index
        %get3A_699 = tpu.vector_load %arg7[%get3A_697, %get3A_698] {strides = array<i32>} : memref<256x64xf32, #tpu.memory_space<vmem>>, vector<1x16xf32>,
        %get3A_700 = vector.shape_cast %get3A_699 : vector<1x16xf32> to vector<16xf32>
        %add3A_701 = arith.constant 128 : i32
        %add3A_702 = arith.addi %add3A_701, %add3A_680 : i32
        %get3A_703 = arith.index_cast %add3A_702 : i32 to index
        %get3A_704 = arith.constant 16 : index
        %get3A_705 = tpu.vector_load %arg7[%get3A_703, %get3A_704] {strides = array<i32>} : memref<256x64xf32, #tpu.memory_space<vmem>>, vector<1x16xf32>,
        %get3A_706 = vector.shape_cast %get3A_705 : vector<1x16xf32> to vector<16xf32>
        %add3A_707 = arith.addf %get3A_700, %get3A_706 : vector<16xf32>
        %swap3A_708 = arith.index_cast %add3A_680 : i32 to index
        %swap3A_709 = arith.constant 16 : index
        %swap3A_710 = tpu.vector_load %arg10[%swap3A_708, %swap3A_709] {strides = array<i32>} : memref<128x64xf32, #tpu.memory_space<vmem>>, vector<1x16xf32>,
        %swap3A_711 = vector.shape_cast %swap3A_710 : vector<1x16xf32> to vector<16xf32>
        %swap3A_712 = vector.shape_cast %add3A_707 : vector<16xf32> to vector<1x16xf32>
        tpu.vector_store %arg10[%swap3A_708, %swap3A_709], %swap3A_712 {add = true, strides = array<i32>} : memref<128x64xf32, #tpu.memory_space<vmem>>, vector<1x16xf32>,
        %get3A_713 = arith.index_cast %add3A_680 : i32 to index
        %get3A_714 = arith.constant 32 : index
        %get3A_715 = tpu.vector_load %arg7[%get3A_713, %get3A_714] {strides = array<i32>} : memref<256x64xf32, #tpu.memory_space<vmem>>, vector<1x16xf32>,
        %get3A_716 = vector.shape_cast %get3A_715 : vector<1x16xf32> to vector<16xf32>
        %add3A_717 = arith.constant 128 : i32
        %add3A_718 = arith.addi %add3A_717, %add3A_680 : i32
        %get3A_719 = arith.index_cast %add3A_718 : i32 to index
        %get3A_720 = arith.constant 32 : index
        %get3A_721 = tpu.vector_load %arg7[%get3A_719, %get3A_720] {strides = array<i32>} : memref<256x64xf32, #tpu.memory_space<vmem>>, vector<1x16xf32>,
        %get3A_722 = vector.shape_cast %get3A_721 : vector<1x16xf32> to vector<16xf32>
        %add3A_723 = arith.addf %get3A_716, %get3A_722 : vector<16xf32>
        %swap3A_724 = arith.index_cast %add3A_680 : i32 to index
        %swap3A_725 = arith.constant 32 : index
        %swap3A_726 = tpu.vector_load %arg10[%swap3A_724, %swap3A_725] {strides = array<i32>} : memref<128x64xf32, #tpu.memory_space<vmem>>, vector<1x16xf32>,
        %swap3A_727 = vector.shape_cast %swap3A_726 : vector<1x16xf32> to vector<16xf32>
        %swap3A_728 = vector.shape_cast %add3A_723 : vector<16xf32> to vector<1x16xf32>
        tpu.vector_store %arg10[%swap3A_724, %swap3A_725], %swap3A_728 {add = true, strides = array<i32>} : memref<128x64xf32, #tpu.memory_space<vmem>>, vector<1x16xf32>,
        %get3A_729 = arith.index_cast %add3A_680 : i32 to index
        %get3A_730 = arith.constant 48 : index
        %get3A_731 = tpu.vector_load %arg7[%get3A_729, %get3A_730] {strides = array<i32>} : memref<256x64xf32, #tpu.memory_space<vmem>>, vector<1x16xf32>,
        %get3A_732 = vector.shape_cast %get3A_731 : vector<1x16xf32> to vector<16xf32>
        %add3A_733 = arith.constant 128 : i32
        %add3A_734 = arith.addi %add3A_733, %add3A_680 : i32
        %get3A_735 = arith.index_cast %add3A_734 : i32 to index
        %get3A_736 = arith.constant 48 : index
        %get3A_737 = tpu.vector_load %arg7[%get3A_735, %get3A_736] {strides = array<i32>} : memref<256x64xf32, #tpu.memory_space<vmem>>, vector<1x16xf32>,
        %get3A_738 = vector.shape_cast %get3A_737 : vector<1x16xf32> to vector<16xf32>
        %add3A_739 = arith.addf %get3A_732, %get3A_738 : vector<16xf32>
        %swap3A_740 = arith.index_cast %add3A_680 : i32 to index
        %swap3A_741 = arith.constant 48 : index
        %swap3A_742 = tpu.vector_load %arg10[%swap3A_740, %swap3A_741] {strides = array<i32>} : memref<128x64xf32, #tpu.memory_space<vmem>>, vector<1x16xf32>,
        %swap3A_743 = vector.shape_cast %swap3A_742 : vector<1x16xf32> to vector<16xf32>
        %swap3A_744 = vector.shape_cast %add3A_739 : vector<16xf32> to vector<1x16xf32>
        tpu.vector_store %arg10[%swap3A_740, %swap3A_741], %swap3A_744 {add = true, strides = array<i32>} : memref<128x64xf32, #tpu.memory_space<vmem>>, vector<1x16xf32>,
        %mul3A_745 = arith.constant 8 : i32
        %mul3A_746 = arith.muli %scan3A_270, %mul3A_745 : i32
        %add3A_747 = arith.constant 7 : i32
        %add3A_748 = arith.addi %mul3A_746, %add3A_747 : i32
        %get3A_749 = arith.index_cast %add3A_748 : i32 to index
        %get3A_750 = arith.constant 0 : index
        %get3A_751 = tpu.vector_load %arg7[%get3A_749, %get3A_750] {strides = array<i32>} : memref<256x64xf32, #tpu.memory_space<vmem>>, vector<1x16xf32>,
        %get3A_752 = vector.shape_cast %get3A_751 : vector<1x16xf32> to vector<16xf32>
        %add3A_753 = arith.constant 128 : i32
        %add3A_754 = arith.addi %add3A_753, %add3A_748 : i32
        %get3A_755 = arith.index_cast %add3A_754 : i32 to index
        %get3A_756 = arith.constant 0 : index
        %get3A_757 = tpu.vector_load %arg7[%get3A_755, %get3A_756] {strides = array<i32>} : memref<256x64xf32, #tpu.memory_space<vmem>>, vector<1x16xf32>,
        %get3A_758 = vector.shape_cast %get3A_757 : vector<1x16xf32> to vector<16xf32>
        %add3A_759 = arith.addf %get3A_752, %get3A_758 : vector<16xf32>
        %swap3A_760 = arith.index_cast %add3A_748 : i32 to index
        %swap3A_761 = arith.constant 0 : index
        %swap3A_762 = tpu.vector_load %arg10[%swap3A_760, %swap3A_761] {strides = array<i32>} : memref<128x64xf32, #tpu.memory_space<vmem>>, vector<1x16xf32>,
        %swap3A_763 = vector.shape_cast %swap3A_762 : vector<1x16xf32> to vector<16xf32>
        %swap3A_764 = vector.shape_cast %add3A_759 : vector<16xf32> to vector<1x16xf32>
        tpu.vector_store %arg10[%swap3A_760, %swap3A_761], %swap3A_764 {add = true, strides = array<i32>} : memref<128x64xf32, #tpu.memory_space<vmem>>, vector<1x16xf32>,
        %get3A_765 = arith.index_cast %add3A_748 : i32 to index
        %get3A_766 = arith.constant 16 : index
        %get3A_767 = tpu.vector_load %arg7[%get3A_765, %get3A_766] {strides = array<i32>} : memref<256x64xf32, #tpu.memory_space<vmem>>, vector<1x16xf32>,
        %get3A_768 = vector.shape_cast %get3A_767 : vector<1x16xf32> to vector<16xf32>
        %add3A_769 = arith.constant 128 : i32
        %add3A_770 = arith.addi %add3A_769, %add3A_748 : i32
        %get3A_771 = arith.index_cast %add3A_770 : i32 to index
        %get3A_772 = arith.constant 16 : index
        %get3A_773 = tpu.vector_load %arg7[%get3A_771, %get3A_772] {strides = array<i32>} : memref<256x64xf32, #tpu.memory_space<vmem>>, vector<1x16xf32>,
        %get3A_774 = vector.shape_cast %get3A_773 : vector<1x16xf32> to vector<16xf32>
        %add3A_775 = arith.addf %get3A_768, %get3A_774 : vector<16xf32>
        %swap3A_776 = arith.index_cast %add3A_748 : i32 to index
        %swap3A_777 = arith.constant 16 : index
        %swap3A_778 = tpu.vector_load %arg10[%swap3A_776, %swap3A_777] {strides = array<i32>} : memref<128x64xf32, #tpu.memory_space<vmem>>, vector<1x16xf32>,
        %swap3A_779 = vector.shape_cast %swap3A_778 : vector<1x16xf32> to vector<16xf32>
        %swap3A_780 = vector.shape_cast %add3A_775 : vector<16xf32> to vector<1x16xf32>
        tpu.vector_store %arg10[%swap3A_776, %swap3A_777], %swap3A_780 {add = true, strides = array<i32>} : memref<128x64xf32, #tpu.memory_space<vmem>>, vector<1x16xf32>,
        %get3A_781 = arith.index_cast %add3A_748 : i32 to index
        %get3A_782 = arith.constant 32 : index
        %get3A_783 = tpu.vector_load %arg7[%get3A_781, %get3A_782] {strides = array<i32>} : memref<256x64xf32, #tpu.memory_space<vmem>>, vector<1x16xf32>,
        %get3A_784 = vector.shape_cast %get3A_783 : vector<1x16xf32> to vector<16xf32>
        %add3A_785 = arith.constant 128 : i32
        %add3A_786 = arith.addi %add3A_785, %add3A_748 : i32
        %get3A_787 = arith.index_cast %add3A_786 : i32 to index
        %get3A_788 = arith.constant 32 : index
        %get3A_789 = tpu.vector_load %arg7[%get3A_787, %get3A_788] {strides = array<i32>} : memref<256x64xf32, #tpu.memory_space<vmem>>, vector<1x16xf32>,
        %get3A_790 = vector.shape_cast %get3A_789 : vector<1x16xf32> to vector<16xf32>
        %add3A_791 = arith.addf %get3A_784, %get3A_790 : vector<16xf32>
        %swap3A_792 = arith.index_cast %add3A_748 : i32 to index
        %swap3A_793 = arith.constant 32 : index
        %swap3A_794 = tpu.vector_load %arg10[%swap3A_792, %swap3A_793] {strides = array<i32>} : memref<128x64xf32, #tpu.memory_space<vmem>>, vector<1x16xf32>,
        %swap3A_795 = vector.shape_cast %swap3A_794 : vector<1x16xf32> to vector<16xf32>
        %swap3A_796 = vector.shape_cast %add3A_791 : vector<16xf32> to vector<1x16xf32>
        tpu.vector_store %arg10[%swap3A_792, %swap3A_793], %swap3A_796 {add = true, strides = array<i32>} : memref<128x64xf32, #tpu.memory_space<vmem>>, vector<1x16xf32>,
        %get3A_797 = arith.index_cast %add3A_748 : i32 to index
        %get3A_798 = arith.constant 48 : index
        %get3A_799 = tpu.vector_load %arg7[%get3A_797, %get3A_798] {strides = array<i32>} : memref<256x64xf32, #tpu.memory_space<vmem>>, vector<1x16xf32>,
        %get3A_800 = vector.shape_cast %get3A_799 : vector<1x16xf32> to vector<16xf32>
        %add3A_801 = arith.constant 128 : i32
        %add3A_802 = arith.addi %add3A_801, %add3A_748 : i32
        %get3A_803 = arith.index_cast %add3A_802 : i32 to index
        %get3A_804 = arith.constant 48 : index
        %get3A_805 = tpu.vector_load %arg7[%get3A_803, %get3A_804] {strides = array<i32>} : memref<256x64xf32, #tpu.memory_space<vmem>>, vector<1x16xf32>,
        %get3A_806 = vector.shape_cast %get3A_805 : vector<1x16xf32> to vector<16xf32>
        %add3A_807 = arith.addf %get3A_800, %get3A_806 : vector<16xf32>
        %swap3A_808 = arith.index_cast %add3A_748 : i32 to index
        %swap3A_809 = arith.constant 48 : index
        %swap3A_810 = tpu.vector_load %arg10[%swap3A_808, %swap3A_809] {strides = array<i32>} : memref<128x64xf32, #tpu.memory_space<vmem>>, vector<1x16xf32>,
        %swap3A_811 = vector.shape_cast %swap3A_810 : vector<1x16xf32> to vector<16xf32>
        %swap3A_812 = vector.shape_cast %add3A_807 : vector<16xf32> to vector<1x16xf32>
        tpu.vector_store %arg10[%swap3A_808, %swap3A_809], %swap3A_812 {add = true, strides = array<i32>} : memref<128x64xf32, #tpu.memory_space<vmem>>, vector<1x16xf32>,
      }
      %scan3A_176 = arith.constant 16 : i32
      %add3A_177 = arith.constant 4 : i32
      %add3A_178 = arith.addi %add3A_144, %add3A_177 : i32
      %lt3A_179 = arith.constant 100 : i32
      %lt3A_180 = arith.cmpi slt, %add3A_178, %lt3A_179 : i32
      %convert_element_type3A_181 = arith.extui %lt3A_180 : i1 to i32
      %cond3A_182 = arith.constant 0 : i32
      %cond3A_183 = arith.cmpi ne, %convert_element_type3A_181, %cond3A_182 : i32
      scf.if %cond3A_183 {
        %add3A_270 = arith.constant 4 : i32
        %add3A_271 = arith.addi %add3A_144, %add3A_270 : i32
        %mul3A_272 = arith.constant 2 : i32
        %mul3A_273 = arith.muli %mul3A_272, %add3A_271 : i32
        %add3A_274 = arith.constant 0 : i32
        %add3A_275 = arith.addi %mul3A_273, %add3A_274 : i32
        %dma_start3A_276 = arith.constant 0 : i32
        %dma_start3A_277 = arith.constant 0 : i32
        %dma_start3A_278 = tpu.memref_slice %arg7[%dma_start3A_276, %dma_start3A_277] : memref<256x64xf32, #tpu.memory_space<vmem>> -> memref<128x64xf32, #tpu.memory_space<vmem>>
        %dma_start3A_279 = arith.constant 0 : i32
        %dma_start3A_280 = tpu.memref_slice %arg5[%add3A_275, %dma_start3A_279] : memref<200x128xi32, #tpu.memory_space<vmem>> -> memref<1x128xi32, #tpu.memory_space<vmem>>
        %dma_start3A_281 = tpu.memref_squeeze %dma_start3A_280 : memref<1x128xi32, #tpu.memory_space<vmem>> -> memref<128xi32, #tpu.memory_space<vmem>>
        %dma_start3A_282 = arith.constant 0 : i32
        %dma_start3A_283 = arith.constant 0 : i32
        %dma_start3A_284 = tpu.memref_slice %arg3[%dma_start3A_282, %dma_start3A_283] : memref<1015808x64xf32, #tpu.memory_space<hbm>> -> memref<1015808x64xf32, #tpu.memory_space<hbm>>
        tpu.enqueue_indirect_dma source(%dma_start3A_284 : memref<1015808x64xf32, #tpu.memory_space<hbm>>) target(%dma_start3A_278 : memref<128x64xf32, #tpu.memory_space<vmem>>) offsets(%dma_start3A_281 : memref<128xi32, #tpu.memory_space<vmem>>) semaphore(%arg12 : memref<!tpu.dma_semaphore, #tpu.memory_space<semaphore_mem>>)
        %mul3A_285 = arith.constant 2 : i32
        %mul3A_286 = arith.muli %mul3A_285, %add3A_271 : i32
        %add3A_287 = arith.constant 1 : i32
        %add3A_288 = arith.addi %mul3A_286, %add3A_287 : i32
        %dma_start3A_289 = arith.constant 128 : i32
        %dma_start3A_290 = arith.constant 0 : i32
        %dma_start3A_291 = tpu.memref_slice %arg7[%dma_start3A_289, %dma_start3A_290] : memref<256x64xf32, #tpu.memory_space<vmem>> -> memref<128x64xf32, #tpu.memory_space<vmem>>
        %dma_start3A_292 = arith.constant 0 : i32
        %dma_start3A_293 = tpu.memref_slice %arg5[%add3A_288, %dma_start3A_292] : memref<200x128xi32, #tpu.memory_space<vmem>> -> memref<1x128xi32, #tpu.memory_space<vmem>>
        %dma_start3A_294 = tpu.memref_squeeze %dma_start3A_293 : memref<1x128xi32, #tpu.memory_space<vmem>> -> memref<128xi32, #tpu.memory_space<vmem>>
        %dma_start3A_295 = arith.constant 0 : i32
        %dma_start3A_296 = arith.constant 0 : i32
        %dma_start3A_297 = tpu.memref_slice %arg3[%dma_start3A_295, %dma_start3A_296] : memref<1015808x64xf32, #tpu.memory_space<hbm>> -> memref<1015808x64xf32, #tpu.memory_space<hbm>>
        tpu.enqueue_indirect_dma source(%dma_start3A_297 : memref<1015808x64xf32, #tpu.memory_space<hbm>>) target(%dma_start3A_291 : memref<128x64xf32, #tpu.memory_space<vmem>>) offsets(%dma_start3A_294 : memref<128xi32, #tpu.memory_space<vmem>>) semaphore(%arg12 : memref<!tpu.dma_semaphore, #tpu.memory_space<semaphore_mem>>)
      } else {
      }
      %mul3A_184 = arith.constant 4 : i32
      %mul3A_185 = arith.muli %mul3A_184, %scan3A_101 : i32
      %add3A_186 = arith.constant 2 : i32
      %add3A_187 = arith.addi %mul3A_185, %add3A_186 : i32
      %mul3A_188 = arith.constant 2 : i32
      %mul3A_189 = arith.muli %mul3A_188, %add3A_187 : i32
      %add3A_190 = arith.constant 0 : i32
      %add3A_191 = arith.addi %mul3A_189, %add3A_190 : i32
      %dma_wait3A_192 = arith.constant 0 : i32
      %dma_wait3A_193 = arith.constant 0 : i32
      %dma_wait3A_194 = tpu.memref_slice %arg8[%dma_wait3A_192, %dma_wait3A_193] : memref<256x64xf32, #tpu.memory_space<vmem>> -> memref<128x64xf32, #tpu.memory_space<vmem>>
      %dma_wait3A_195 = arith.constant 0 : i32
      %dma_wait3A_196 = tpu.memref_slice %arg5[%add3A_191, %dma_wait3A_195] : memref<200x128xi32, #tpu.memory_space<vmem>> -> memref<1x128xi32, #tpu.memory_space<vmem>>
      %dma_wait3A_197 = tpu.memref_squeeze %dma_wait3A_196 : memref<1x128xi32, #tpu.memory_space<vmem>> -> memref<128xi32, #tpu.memory_space<vmem>>
      %dma_wait3A_198 = arith.constant 0 : i32
      %dma_wait3A_199 = arith.constant 0 : i32
      %dma_wait3A_200 = tpu.memref_slice %arg3[%dma_wait3A_198, %dma_wait3A_199] : memref<1015808x64xf32, #tpu.memory_space<hbm>> -> memref<1015808x64xf32, #tpu.memory_space<hbm>>
      tpu.wait_indirect_dma semaphore(%arg13 : memref<!tpu.dma_semaphore, #tpu.memory_space<semaphore_mem>>) src(%dma_wait3A_200 : memref<1015808x64xf32, #tpu.memory_space<hbm>>) dst(%dma_wait3A_194 : memref<128x64xf32, #tpu.memory_space<vmem>>)
      %mul3A_201 = arith.constant 2 : i32
      %mul3A_202 = arith.muli %mul3A_201, %add3A_187 : i32
      %add3A_203 = arith.constant 1 : i32
      %add3A_204 = arith.addi %mul3A_202, %add3A_203 : i32
      %dma_wait3A_205 = arith.constant 128 : i32
      %dma_wait3A_206 = arith.constant 0 : i32
      %dma_wait3A_207 = tpu.memref_slice %arg8[%dma_wait3A_205, %dma_wait3A_206] : memref<256x64xf32, #tpu.memory_space<vmem>> -> memref<128x64xf32, #tpu.memory_space<vmem>>
      %dma_wait3A_208 = arith.constant 0 : i32
      %dma_wait3A_209 = tpu.memref_slice %arg5[%add3A_204, %dma_wait3A_208] : memref<200x128xi32, #tpu.memory_space<vmem>> -> memref<1x128xi32, #tpu.memory_space<vmem>>
      %dma_wait3A_210 = tpu.memref_squeeze %dma_wait3A_209 : memref<1x128xi32, #tpu.memory_space<vmem>> -> memref<128xi32, #tpu.memory_space<vmem>>
      %dma_wait3A_211 = arith.constant 0 : i32
      %dma_wait3A_212 = arith.constant 0 : i32
      %dma_wait3A_213 = tpu.memref_slice %arg3[%dma_wait3A_211, %dma_wait3A_212] : memref<1015808x64xf32, #tpu.memory_space<hbm>> -> memref<1015808x64xf32, #tpu.memory_space<hbm>>
      tpu.wait_indirect_dma semaphore(%arg13 : memref<!tpu.dma_semaphore, #tpu.memory_space<semaphore_mem>>) src(%dma_wait3A_213 : memref<1015808x64xf32, #tpu.memory_space<hbm>>) dst(%dma_wait3A_207 : memref<128x64xf32, #tpu.memory_space<vmem>>)
      %scan3A_214 = arith.constant 0 : i32
      %scan3A_215 = arith.constant 0 : i32
      %scan3A_216 = arith.constant 16 : i32
      %scan3A_217 = arith.addi %scan3A_215, %scan3A_216 : i32
      %scan3A_218 = arith.constant 1 : i32
      scf.for %scan3A_270 = %scan3A_215 to %scan3A_217 step %scan3A_218  : i32 {
        %mul3A_271 = arith.constant 8 : i32
        %mul3A_272 = arith.muli %scan3A_270, %mul3A_271 : i32
        %add3A_273 = arith.constant 0 : i32
        %add3A_274 = arith.addi %mul3A_272, %add3A_273 : i32
        %get3A = arith.index_cast %add3A_274 : i32 to index
        %get3A_275 = arith.constant 0 : index
        %get3A_276 = tpu.vector_load %arg8[%get3A, %get3A_275] {strides = array<i32>} : memref<256x64xf32, #tpu.memory_space<vmem>>, vector<1x16xf32>,
        %get3A_277 = vector.shape_cast %get3A_276 : vector<1x16xf32> to vector<16xf32>
        %add3A_278 = arith.constant 128 : i32
        %add3A_279 = arith.addi %add3A_278, %add3A_274 : i32
        %get3A_280 = arith.index_cast %add3A_279 : i32 to index
        %get3A_281 = arith.constant 0 : index
        %get3A_282 = tpu.vector_load %arg8[%get3A_280, %get3A_281] {strides = array<i32>} : memref<256x64xf32, #tpu.memory_space<vmem>>, vector<1x16xf32>,
        %get3A_283 = vector.shape_cast %get3A_282 : vector<1x16xf32> to vector<16xf32>
        %add3A_284 = arith.addf %get3A_277, %get3A_283 : vector<16xf32>
        %swap3A = arith.index_cast %add3A_274 : i32 to index
        %swap3A_285 = arith.constant 0 : index
        %swap3A_286 = tpu.vector_load %arg10[%swap3A, %swap3A_285] {strides = array<i32>} : memref<128x64xf32, #tpu.memory_space<vmem>>, vector<1x16xf32>,
        %swap3A_287 = vector.shape_cast %swap3A_286 : vector<1x16xf32> to vector<16xf32>
        %swap3A_288 = vector.shape_cast %add3A_284 : vector<16xf32> to vector<1x16xf32>
        tpu.vector_store %arg10[%swap3A, %swap3A_285], %swap3A_288 {add = true, strides = array<i32>} : memref<128x64xf32, #tpu.memory_space<vmem>>, vector<1x16xf32>,
        %get3A_289 = arith.index_cast %add3A_274 : i32 to index
        %get3A_290 = arith.constant 16 : index
        %get3A_291 = tpu.vector_load %arg8[%get3A_289, %get3A_290] {strides = array<i32>} : memref<256x64xf32, #tpu.memory_space<vmem>>, vector<1x16xf32>,
        %get3A_292 = vector.shape_cast %get3A_291 : vector<1x16xf32> to vector<16xf32>
        %add3A_293 = arith.constant 128 : i32
        %add3A_294 = arith.addi %add3A_293, %add3A_274 : i32
        %get3A_295 = arith.index_cast %add3A_294 : i32 to index
        %get3A_296 = arith.constant 16 : index
        %get3A_297 = tpu.vector_load %arg8[%get3A_295, %get3A_296] {strides = array<i32>} : memref<256x64xf32, #tpu.memory_space<vmem>>, vector<1x16xf32>,
        %get3A_298 = vector.shape_cast %get3A_297 : vector<1x16xf32> to vector<16xf32>
        %add3A_299 = arith.addf %get3A_292, %get3A_298 : vector<16xf32>
        %swap3A_300 = arith.index_cast %add3A_274 : i32 to index
        %swap3A_301 = arith.constant 16 : index
        %swap3A_302 = tpu.vector_load %arg10[%swap3A_300, %swap3A_301] {strides = array<i32>} : memref<128x64xf32, #tpu.memory_space<vmem>>, vector<1x16xf32>,
        %swap3A_303 = vector.shape_cast %swap3A_302 : vector<1x16xf32> to vector<16xf32>
        %swap3A_304 = vector.shape_cast %add3A_299 : vector<16xf32> to vector<1x16xf32>
        tpu.vector_store %arg10[%swap3A_300, %swap3A_301], %swap3A_304 {add = true, strides = array<i32>} : memref<128x64xf32, #tpu.memory_space<vmem>>, vector<1x16xf32>,
        %get3A_305 = arith.index_cast %add3A_274 : i32 to index
        %get3A_306 = arith.constant 32 : index
        %get3A_307 = tpu.vector_load %arg8[%get3A_305, %get3A_306] {strides = array<i32>} : memref<256x64xf32, #tpu.memory_space<vmem>>, vector<1x16xf32>,
        %get3A_308 = vector.shape_cast %get3A_307 : vector<1x16xf32> to vector<16xf32>
        %add3A_309 = arith.constant 128 : i32
        %add3A_310 = arith.addi %add3A_309, %add3A_274 : i32
        %get3A_311 = arith.index_cast %add3A_310 : i32 to index
        %get3A_312 = arith.constant 32 : index
        %get3A_313 = tpu.vector_load %arg8[%get3A_311, %get3A_312] {strides = array<i32>} : memref<256x64xf32, #tpu.memory_space<vmem>>, vector<1x16xf32>,
        %get3A_314 = vector.shape_cast %get3A_313 : vector<1x16xf32> to vector<16xf32>
        %add3A_315 = arith.addf %get3A_308, %get3A_314 : vector<16xf32>
        %swap3A_316 = arith.index_cast %add3A_274 : i32 to index
        %swap3A_317 = arith.constant 32 : index
        %swap3A_318 = tpu.vector_load %arg10[%swap3A_316, %swap3A_317] {strides = array<i32>} : memref<128x64xf32, #tpu.memory_space<vmem>>, vector<1x16xf32>,
        %swap3A_319 = vector.shape_cast %swap3A_318 : vector<1x16xf32> to vector<16xf32>
        %swap3A_320 = vector.shape_cast %add3A_315 : vector<16xf32> to vector<1x16xf32>
        tpu.vector_store %arg10[%swap3A_316, %swap3A_317], %swap3A_320 {add = true, strides = array<i32>} : memref<128x64xf32, #tpu.memory_space<vmem>>, vector<1x16xf32>,
        %get3A_321 = arith.index_cast %add3A_274 : i32 to index
        %get3A_322 = arith.constant 48 : index
        %get3A_323 = tpu.vector_load %arg8[%get3A_321, %get3A_322] {strides = array<i32>} : memref<256x64xf32, #tpu.memory_space<vmem>>, vector<1x16xf32>,
        %get3A_324 = vector.shape_cast %get3A_323 : vector<1x16xf32> to vector<16xf32>
        %add3A_325 = arith.constant 128 : i32
        %add3A_326 = arith.addi %add3A_325, %add3A_274 : i32
        %get3A_327 = arith.index_cast %add3A_326 : i32 to index
        %get3A_328 = arith.constant 48 : index
        %get3A_329 = tpu.vector_load %arg8[%get3A_327, %get3A_328] {strides = array<i32>} : memref<256x64xf32, #tpu.memory_space<vmem>>, vector<1x16xf32>,
        %get3A_330 = vector.shape_cast %get3A_329 : vector<1x16xf32> to vector<16xf32>
        %add3A_331 = arith.addf %get3A_324, %get3A_330 : vector<16xf32>
        %swap3A_332 = arith.index_cast %add3A_274 : i32 to index
        %swap3A_333 = arith.constant 48 : index
        %swap3A_334 = tpu.vector_load %arg10[%swap3A_332, %swap3A_333] {strides = array<i32>} : memref<128x64xf32, #tpu.memory_space<vmem>>, vector<1x16xf32>,
        %swap3A_335 = vector.shape_cast %swap3A_334 : vector<1x16xf32> to vector<16xf32>
        %swap3A_336 = vector.shape_cast %add3A_331 : vector<16xf32> to vector<1x16xf32>
        tpu.vector_store %arg10[%swap3A_332, %swap3A_333], %swap3A_336 {add = true, strides = array<i32>} : memref<128x64xf32, #tpu.memory_space<vmem>>, vector<1x16xf32>,
        %mul3A_337 = arith.constant 8 : i32
        %mul3A_338 = arith.muli %scan3A_270, %mul3A_337 : i32
        %add3A_339 = arith.constant 1 : i32
        %add3A_340 = arith.addi %mul3A_338, %add3A_339 : i32
        %get3A_341 = arith.index_cast %add3A_340 : i32 to index
        %get3A_342 = arith.constant 0 : index
        %get3A_343 = tpu.vector_load %arg8[%get3A_341, %get3A_342] {strides = array<i32>} : memref<256x64xf32, #tpu.memory_space<vmem>>, vector<1x16xf32>,
        %get3A_344 = vector.shape_cast %get3A_343 : vector<1x16xf32> to vector<16xf32>
        %add3A_345 = arith.constant 128 : i32
        %add3A_346 = arith.addi %add3A_345, %add3A_340 : i32
        %get3A_347 = arith.index_cast %add3A_346 : i32 to index
        %get3A_348 = arith.constant 0 : index
        %get3A_349 = tpu.vector_load %arg8[%get3A_347, %get3A_348] {strides = array<i32>} : memref<256x64xf32, #tpu.memory_space<vmem>>, vector<1x16xf32>,
        %get3A_350 = vector.shape_cast %get3A_349 : vector<1x16xf32> to vector<16xf32>
        %add3A_351 = arith.addf %get3A_344, %get3A_350 : vector<16xf32>
        %swap3A_352 = arith.index_cast %add3A_340 : i32 to index
        %swap3A_353 = arith.constant 0 : index
        %swap3A_354 = tpu.vector_load %arg10[%swap3A_352, %swap3A_353] {strides = array<i32>} : memref<128x64xf32, #tpu.memory_space<vmem>>, vector<1x16xf32>,
        %swap3A_355 = vector.shape_cast %swap3A_354 : vector<1x16xf32> to vector<16xf32>
        %swap3A_356 = vector.shape_cast %add3A_351 : vector<16xf32> to vector<1x16xf32>
        tpu.vector_store %arg10[%swap3A_352, %swap3A_353], %swap3A_356 {add = true, strides = array<i32>} : memref<128x64xf32, #tpu.memory_space<vmem>>, vector<1x16xf32>,
        %get3A_357 = arith.index_cast %add3A_340 : i32 to index
        %get3A_358 = arith.constant 16 : index
        %get3A_359 = tpu.vector_load %arg8[%get3A_357, %get3A_358] {strides = array<i32>} : memref<256x64xf32, #tpu.memory_space<vmem>>, vector<1x16xf32>,
        %get3A_360 = vector.shape_cast %get3A_359 : vector<1x16xf32> to vector<16xf32>
        %add3A_361 = arith.constant 128 : i32
        %add3A_362 = arith.addi %add3A_361, %add3A_340 : i32
        %get3A_363 = arith.index_cast %add3A_362 : i32 to index
        %get3A_364 = arith.constant 16 : index
        %get3A_365 = tpu.vector_load %arg8[%get3A_363, %get3A_364] {strides = array<i32>} : memref<256x64xf32, #tpu.memory_space<vmem>>, vector<1x16xf32>,
        %get3A_366 = vector.shape_cast %get3A_365 : vector<1x16xf32> to vector<16xf32>
        %add3A_367 = arith.addf %get3A_360, %get3A_366 : vector<16xf32>
        %swap3A_368 = arith.index_cast %add3A_340 : i32 to index
        %swap3A_369 = arith.constant 16 : index
        %swap3A_370 = tpu.vector_load %arg10[%swap3A_368, %swap3A_369] {strides = array<i32>} : memref<128x64xf32, #tpu.memory_space<vmem>>, vector<1x16xf32>,
        %swap3A_371 = vector.shape_cast %swap3A_370 : vector<1x16xf32> to vector<16xf32>
        %swap3A_372 = vector.shape_cast %add3A_367 : vector<16xf32> to vector<1x16xf32>
        tpu.vector_store %arg10[%swap3A_368, %swap3A_369], %swap3A_372 {add = true, strides = array<i32>} : memref<128x64xf32, #tpu.memory_space<vmem>>, vector<1x16xf32>,
        %get3A_373 = arith.index_cast %add3A_340 : i32 to index
        %get3A_374 = arith.constant 32 : index
        %get3A_375 = tpu.vector_load %arg8[%get3A_373, %get3A_374] {strides = array<i32>} : memref<256x64xf32, #tpu.memory_space<vmem>>, vector<1x16xf32>,
        %get3A_376 = vector.shape_cast %get3A_375 : vector<1x16xf32> to vector<16xf32>
        %add3A_377 = arith.constant 128 : i32
        %add3A_378 = arith.addi %add3A_377, %add3A_340 : i32
        %get3A_379 = arith.index_cast %add3A_378 : i32 to index
        %get3A_380 = arith.constant 32 : index
        %get3A_381 = tpu.vector_load %arg8[%get3A_379, %get3A_380] {strides = array<i32>} : memref<256x64xf32, #tpu.memory_space<vmem>>, vector<1x16xf32>,
        %get3A_382 = vector.shape_cast %get3A_381 : vector<1x16xf32> to vector<16xf32>
        %add3A_383 = arith.addf %get3A_376, %get3A_382 : vector<16xf32>
        %swap3A_384 = arith.index_cast %add3A_340 : i32 to index
        %swap3A_385 = arith.constant 32 : index
        %swap3A_386 = tpu.vector_load %arg10[%swap3A_384, %swap3A_385] {strides = array<i32>} : memref<128x64xf32, #tpu.memory_space<vmem>>, vector<1x16xf32>,
        %swap3A_387 = vector.shape_cast %swap3A_386 : vector<1x16xf32> to vector<16xf32>
        %swap3A_388 = vector.shape_cast %add3A_383 : vector<16xf32> to vector<1x16xf32>
        tpu.vector_store %arg10[%swap3A_384, %swap3A_385], %swap3A_388 {add = true, strides = array<i32>} : memref<128x64xf32, #tpu.memory_space<vmem>>, vector<1x16xf32>,
        %get3A_389 = arith.index_cast %add3A_340 : i32 to index
        %get3A_390 = arith.constant 48 : index
        %get3A_391 = tpu.vector_load %arg8[%get3A_389, %get3A_390] {strides = array<i32>} : memref<256x64xf32, #tpu.memory_space<vmem>>, vector<1x16xf32>,
        %get3A_392 = vector.shape_cast %get3A_391 : vector<1x16xf32> to vector<16xf32>
        %add3A_393 = arith.constant 128 : i32
        %add3A_394 = arith.addi %add3A_393, %add3A_340 : i32
        %get3A_395 = arith.index_cast %add3A_394 : i32 to index
        %get3A_396 = arith.constant 48 : index
        %get3A_397 = tpu.vector_load %arg8[%get3A_395, %get3A_396] {strides = array<i32>} : memref<256x64xf32, #tpu.memory_space<vmem>>, vector<1x16xf32>,
        %get3A_398 = vector.shape_cast %get3A_397 : vector<1x16xf32> to vector<16xf32>
        %add3A_399 = arith.addf %get3A_392, %get3A_398 : vector<16xf32>
        %swap3A_400 = arith.index_cast %add3A_340 : i32 to index
        %swap3A_401 = arith.constant 48 : index
        %swap3A_402 = tpu.vector_load %arg10[%swap3A_400, %swap3A_401] {strides = array<i32>} : memref<128x64xf32, #tpu.memory_space<vmem>>, vector<1x16xf32>,
        %swap3A_403 = vector.shape_cast %swap3A_402 : vector<1x16xf32> to vector<16xf32>
        %swap3A_404 = vector.shape_cast %add3A_399 : vector<16xf32> to vector<1x16xf32>
        tpu.vector_store %arg10[%swap3A_400, %swap3A_401], %swap3A_404 {add = true, strides = array<i32>} : memref<128x64xf32, #tpu.memory_space<vmem>>, vector<1x16xf32>,
        %mul3A_405 = arith.constant 8 : i32
        %mul3A_406 = arith.muli %scan3A_270, %mul3A_405 : i32
        %add3A_407 = arith.constant 2 : i32
        %add3A_408 = arith.addi %mul3A_406, %add3A_407 : i32
        %get3A_409 = arith.index_cast %add3A_408 : i32 to index
        %get3A_410 = arith.constant 0 : index
        %get3A_411 = tpu.vector_load %arg8[%get3A_409, %get3A_410] {strides = array<i32>} : memref<256x64xf32, #tpu.memory_space<vmem>>, vector<1x16xf32>,
        %get3A_412 = vector.shape_cast %get3A_411 : vector<1x16xf32> to vector<16xf32>
        %add3A_413 = arith.constant 128 : i32
        %add3A_414 = arith.addi %add3A_413, %add3A_408 : i32
        %get3A_415 = arith.index_cast %add3A_414 : i32 to index
        %get3A_416 = arith.constant 0 : index
        %get3A_417 = tpu.vector_load %arg8[%get3A_415, %get3A_416] {strides = array<i32>} : memref<256x64xf32, #tpu.memory_space<vmem>>, vector<1x16xf32>,
        %get3A_418 = vector.shape_cast %get3A_417 : vector<1x16xf32> to vector<16xf32>
        %add3A_419 = arith.addf %get3A_412, %get3A_418 : vector<16xf32>
        %swap3A_420 = arith.index_cast %add3A_408 : i32 to index
        %swap3A_421 = arith.constant 0 : index
        %swap3A_422 = tpu.vector_load %arg10[%swap3A_420, %swap3A_421] {strides = array<i32>} : memref<128x64xf32, #tpu.memory_space<vmem>>, vector<1x16xf32>,
        %swap3A_423 = vector.shape_cast %swap3A_422 : vector<1x16xf32> to vector<16xf32>
        %swap3A_424 = vector.shape_cast %add3A_419 : vector<16xf32> to vector<1x16xf32>
        tpu.vector_store %arg10[%swap3A_420, %swap3A_421], %swap3A_424 {add = true, strides = array<i32>} : memref<128x64xf32, #tpu.memory_space<vmem>>, vector<1x16xf32>,
        %get3A_425 = arith.index_cast %add3A_408 : i32 to index
        %get3A_426 = arith.constant 16 : index
        %get3A_427 = tpu.vector_load %arg8[%get3A_425, %get3A_426] {strides = array<i32>} : memref<256x64xf32, #tpu.memory_space<vmem>>, vector<1x16xf32>,
        %get3A_428 = vector.shape_cast %get3A_427 : vector<1x16xf32> to vector<16xf32>
        %add3A_429 = arith.constant 128 : i32
        %add3A_430 = arith.addi %add3A_429, %add3A_408 : i32
        %get3A_431 = arith.index_cast %add3A_430 : i32 to index
        %get3A_432 = arith.constant 16 : index
        %get3A_433 = tpu.vector_load %arg8[%get3A_431, %get3A_432] {strides = array<i32>} : memref<256x64xf32, #tpu.memory_space<vmem>>, vector<1x16xf32>,
        %get3A_434 = vector.shape_cast %get3A_433 : vector<1x16xf32> to vector<16xf32>
        %add3A_435 = arith.addf %get3A_428, %get3A_434 : vector<16xf32>
        %swap3A_436 = arith.index_cast %add3A_408 : i32 to index
        %swap3A_437 = arith.constant 16 : index
        %swap3A_438 = tpu.vector_load %arg10[%swap3A_436, %swap3A_437] {strides = array<i32>} : memref<128x64xf32, #tpu.memory_space<vmem>>, vector<1x16xf32>,
        %swap3A_439 = vector.shape_cast %swap3A_438 : vector<1x16xf32> to vector<16xf32>
        %swap3A_440 = vector.shape_cast %add3A_435 : vector<16xf32> to vector<1x16xf32>
        tpu.vector_store %arg10[%swap3A_436, %swap3A_437], %swap3A_440 {add = true, strides = array<i32>} : memref<128x64xf32, #tpu.memory_space<vmem>>, vector<1x16xf32>,
        %get3A_441 = arith.index_cast %add3A_408 : i32 to index
        %get3A_442 = arith.constant 32 : index
        %get3A_443 = tpu.vector_load %arg8[%get3A_441, %get3A_442] {strides = array<i32>} : memref<256x64xf32, #tpu.memory_space<vmem>>, vector<1x16xf32>,
        %get3A_444 = vector.shape_cast %get3A_443 : vector<1x16xf32> to vector<16xf32>
        %add3A_445 = arith.constant 128 : i32
        %add3A_446 = arith.addi %add3A_445, %add3A_408 : i32
        %get3A_447 = arith.index_cast %add3A_446 : i32 to index
        %get3A_448 = arith.constant 32 : index
        %get3A_449 = tpu.vector_load %arg8[%get3A_447, %get3A_448] {strides = array<i32>} : memref<256x64xf32, #tpu.memory_space<vmem>>, vector<1x16xf32>,
        %get3A_450 = vector.shape_cast %get3A_449 : vector<1x16xf32> to vector<16xf32>
        %add3A_451 = arith.addf %get3A_444, %get3A_450 : vector<16xf32>
        %swap3A_452 = arith.index_cast %add3A_408 : i32 to index
        %swap3A_453 = arith.constant 32 : index
        %swap3A_454 = tpu.vector_load %arg10[%swap3A_452, %swap3A_453] {strides = array<i32>} : memref<128x64xf32, #tpu.memory_space<vmem>>, vector<1x16xf32>,
        %swap3A_455 = vector.shape_cast %swap3A_454 : vector<1x16xf32> to vector<16xf32>
        %swap3A_456 = vector.shape_cast %add3A_451 : vector<16xf32> to vector<1x16xf32>
        tpu.vector_store %arg10[%swap3A_452, %swap3A_453], %swap3A_456 {add = true, strides = array<i32>} : memref<128x64xf32, #tpu.memory_space<vmem>>, vector<1x16xf32>,
        %get3A_457 = arith.index_cast %add3A_408 : i32 to index
        %get3A_458 = arith.constant 48 : index
        %get3A_459 = tpu.vector_load %arg8[%get3A_457, %get3A_458] {strides = array<i32>} : memref<256x64xf32, #tpu.memory_space<vmem>>, vector<1x16xf32>,
        %get3A_460 = vector.shape_cast %get3A_459 : vector<1x16xf32> to vector<16xf32>
        %add3A_461 = arith.constant 128 : i32
        %add3A_462 = arith.addi %add3A_461, %add3A_408 : i32
        %get3A_463 = arith.index_cast %add3A_462 : i32 to index
        %get3A_464 = arith.constant 48 : index
        %get3A_465 = tpu.vector_load %arg8[%get3A_463, %get3A_464] {strides = array<i32>} : memref<256x64xf32, #tpu.memory_space<vmem>>, vector<1x16xf32>,
        %get3A_466 = vector.shape_cast %get3A_465 : vector<1x16xf32> to vector<16xf32>
        %add3A_467 = arith.addf %get3A_460, %get3A_466 : vector<16xf32>
        %swap3A_468 = arith.index_cast %add3A_408 : i32 to index
        %swap3A_469 = arith.constant 48 : index
        %swap3A_470 = tpu.vector_load %arg10[%swap3A_468, %swap3A_469] {strides = array<i32>} : memref<128x64xf32, #tpu.memory_space<vmem>>, vector<1x16xf32>,
        %swap3A_471 = vector.shape_cast %swap3A_470 : vector<1x16xf32> to vector<16xf32>
        %swap3A_472 = vector.shape_cast %add3A_467 : vector<16xf32> to vector<1x16xf32>
        tpu.vector_store %arg10[%swap3A_468, %swap3A_469], %swap3A_472 {add = true, strides = array<i32>} : memref<128x64xf32, #tpu.memory_space<vmem>>, vector<1x16xf32>,
        %mul3A_473 = arith.constant 8 : i32
        %mul3A_474 = arith.muli %scan3A_270, %mul3A_473 : i32
        %add3A_475 = arith.constant 3 : i32
        %add3A_476 = arith.addi %mul3A_474, %add3A_475 : i32
        %get3A_477 = arith.index_cast %add3A_476 : i32 to index
        %get3A_478 = arith.constant 0 : index
        %get3A_479 = tpu.vector_load %arg8[%get3A_477, %get3A_478] {strides = array<i32>} : memref<256x64xf32, #tpu.memory_space<vmem>>, vector<1x16xf32>,
        %get3A_480 = vector.shape_cast %get3A_479 : vector<1x16xf32> to vector<16xf32>
        %add3A_481 = arith.constant 128 : i32
        %add3A_482 = arith.addi %add3A_481, %add3A_476 : i32
        %get3A_483 = arith.index_cast %add3A_482 : i32 to index
        %get3A_484 = arith.constant 0 : index
        %get3A_485 = tpu.vector_load %arg8[%get3A_483, %get3A_484] {strides = array<i32>} : memref<256x64xf32, #tpu.memory_space<vmem>>, vector<1x16xf32>,
        %get3A_486 = vector.shape_cast %get3A_485 : vector<1x16xf32> to vector<16xf32>
        %add3A_487 = arith.addf %get3A_480, %get3A_486 : vector<16xf32>
        %swap3A_488 = arith.index_cast %add3A_476 : i32 to index
        %swap3A_489 = arith.constant 0 : index
        %swap3A_490 = tpu.vector_load %arg10[%swap3A_488, %swap3A_489] {strides = array<i32>} : memref<128x64xf32, #tpu.memory_space<vmem>>, vector<1x16xf32>,
        %swap3A_491 = vector.shape_cast %swap3A_490 : vector<1x16xf32> to vector<16xf32>
        %swap3A_492 = vector.shape_cast %add3A_487 : vector<16xf32> to vector<1x16xf32>
        tpu.vector_store %arg10[%swap3A_488, %swap3A_489], %swap3A_492 {add = true, strides = array<i32>} : memref<128x64xf32, #tpu.memory_space<vmem>>, vector<1x16xf32>,
        %get3A_493 = arith.index_cast %add3A_476 : i32 to index
        %get3A_494 = arith.constant 16 : index
        %get3A_495 = tpu.vector_load %arg8[%get3A_493, %get3A_494] {strides = array<i32>} : memref<256x64xf32, #tpu.memory_space<vmem>>, vector<1x16xf32>,
        %get3A_496 = vector.shape_cast %get3A_495 : vector<1x16xf32> to vector<16xf32>
        %add3A_497 = arith.constant 128 : i32
        %add3A_498 = arith.addi %add3A_497, %add3A_476 : i32
        %get3A_499 = arith.index_cast %add3A_498 : i32 to index
        %get3A_500 = arith.constant 16 : index
        %get3A_501 = tpu.vector_load %arg8[%get3A_499, %get3A_500] {strides = array<i32>} : memref<256x64xf32, #tpu.memory_space<vmem>>, vector<1x16xf32>,
        %get3A_502 = vector.shape_cast %get3A_501 : vector<1x16xf32> to vector<16xf32>
        %add3A_503 = arith.addf %get3A_496, %get3A_502 : vector<16xf32>
        %swap3A_504 = arith.index_cast %add3A_476 : i32 to index
        %swap3A_505 = arith.constant 16 : index
        %swap3A_506 = tpu.vector_load %arg10[%swap3A_504, %swap3A_505] {strides = array<i32>} : memref<128x64xf32, #tpu.memory_space<vmem>>, vector<1x16xf32>,
        %swap3A_507 = vector.shape_cast %swap3A_506 : vector<1x16xf32> to vector<16xf32>
        %swap3A_508 = vector.shape_cast %add3A_503 : vector<16xf32> to vector<1x16xf32>
        tpu.vector_store %arg10[%swap3A_504, %swap3A_505], %swap3A_508 {add = true, strides = array<i32>} : memref<128x64xf32, #tpu.memory_space<vmem>>, vector<1x16xf32>,
        %get3A_509 = arith.index_cast %add3A_476 : i32 to index
        %get3A_510 = arith.constant 32 : index
        %get3A_511 = tpu.vector_load %arg8[%get3A_509, %get3A_510] {strides = array<i32>} : memref<256x64xf32, #tpu.memory_space<vmem>>, vector<1x16xf32>,
        %get3A_512 = vector.shape_cast %get3A_511 : vector<1x16xf32> to vector<16xf32>
        %add3A_513 = arith.constant 128 : i32
        %add3A_514 = arith.addi %add3A_513, %add3A_476 : i32
        %get3A_515 = arith.index_cast %add3A_514 : i32 to index
        %get3A_516 = arith.constant 32 : index
        %get3A_517 = tpu.vector_load %arg8[%get3A_515, %get3A_516] {strides = array<i32>} : memref<256x64xf32, #tpu.memory_space<vmem>>, vector<1x16xf32>,
        %get3A_518 = vector.shape_cast %get3A_517 : vector<1x16xf32> to vector<16xf32>
        %add3A_519 = arith.addf %get3A_512, %get3A_518 : vector<16xf32>
        %swap3A_520 = arith.index_cast %add3A_476 : i32 to index
        %swap3A_521 = arith.constant 32 : index
        %swap3A_522 = tpu.vector_load %arg10[%swap3A_520, %swap3A_521] {strides = array<i32>} : memref<128x64xf32, #tpu.memory_space<vmem>>, vector<1x16xf32>,
        %swap3A_523 = vector.shape_cast %swap3A_522 : vector<1x16xf32> to vector<16xf32>
        %swap3A_524 = vector.shape_cast %add3A_519 : vector<16xf32> to vector<1x16xf32>
        tpu.vector_store %arg10[%swap3A_520, %swap3A_521], %swap3A_524 {add = true, strides = array<i32>} : memref<128x64xf32, #tpu.memory_space<vmem>>, vector<1x16xf32>,
        %get3A_525 = arith.index_cast %add3A_476 : i32 to index
        %get3A_526 = arith.constant 48 : index
        %get3A_527 = tpu.vector_load %arg8[%get3A_525, %get3A_526] {strides = array<i32>} : memref<256x64xf32, #tpu.memory_space<vmem>>, vector<1x16xf32>,
        %get3A_528 = vector.shape_cast %get3A_527 : vector<1x16xf32> to vector<16xf32>
        %add3A_529 = arith.constant 128 : i32
        %add3A_530 = arith.addi %add3A_529, %add3A_476 : i32
        %get3A_531 = arith.index_cast %add3A_530 : i32 to index
        %get3A_532 = arith.constant 48 : index
        %get3A_533 = tpu.vector_load %arg8[%get3A_531, %get3A_532] {strides = array<i32>} : memref<256x64xf32, #tpu.memory_space<vmem>>, vector<1x16xf32>,
        %get3A_534 = vector.shape_cast %get3A_533 : vector<1x16xf32> to vector<16xf32>
        %add3A_535 = arith.addf %get3A_528, %get3A_534 : vector<16xf32>
        %swap3A_536 = arith.index_cast %add3A_476 : i32 to index
        %swap3A_537 = arith.constant 48 : index
        %swap3A_538 = tpu.vector_load %arg10[%swap3A_536, %swap3A_537] {strides = array<i32>} : memref<128x64xf32, #tpu.memory_space<vmem>>, vector<1x16xf32>,
        %swap3A_539 = vector.shape_cast %swap3A_538 : vector<1x16xf32> to vector<16xf32>
        %swap3A_540 = vector.shape_cast %add3A_535 : vector<16xf32> to vector<1x16xf32>
        tpu.vector_store %arg10[%swap3A_536, %swap3A_537], %swap3A_540 {add = true, strides = array<i32>} : memref<128x64xf32, #tpu.memory_space<vmem>>, vector<1x16xf32>,
        %mul3A_541 = arith.constant 8 : i32
        %mul3A_542 = arith.muli %scan3A_270, %mul3A_541 : i32
        %add3A_543 = arith.constant 4 : i32
        %add3A_544 = arith.addi %mul3A_542, %add3A_543 : i32
        %get3A_545 = arith.index_cast %add3A_544 : i32 to index
        %get3A_546 = arith.constant 0 : index
        %get3A_547 = tpu.vector_load %arg8[%get3A_545, %get3A_546] {strides = array<i32>} : memref<256x64xf32, #tpu.memory_space<vmem>>, vector<1x16xf32>,
        %get3A_548 = vector.shape_cast %get3A_547 : vector<1x16xf32> to vector<16xf32>
        %add3A_549 = arith.constant 128 : i32
        %add3A_550 = arith.addi %add3A_549, %add3A_544 : i32
        %get3A_551 = arith.index_cast %add3A_550 : i32 to index
        %get3A_552 = arith.constant 0 : index
        %get3A_553 = tpu.vector_load %arg8[%get3A_551, %get3A_552] {strides = array<i32>} : memref<256x64xf32, #tpu.memory_space<vmem>>, vector<1x16xf32>,
        %get3A_554 = vector.shape_cast %get3A_553 : vector<1x16xf32> to vector<16xf32>
        %add3A_555 = arith.addf %get3A_548, %get3A_554 : vector<16xf32>
        %swap3A_556 = arith.index_cast %add3A_544 : i32 to index
        %swap3A_557 = arith.constant 0 : index
        %swap3A_558 = tpu.vector_load %arg10[%swap3A_556, %swap3A_557] {strides = array<i32>} : memref<128x64xf32, #tpu.memory_space<vmem>>, vector<1x16xf32>,
        %swap3A_559 = vector.shape_cast %swap3A_558 : vector<1x16xf32> to vector<16xf32>
        %swap3A_560 = vector.shape_cast %add3A_555 : vector<16xf32> to vector<1x16xf32>
        tpu.vector_store %arg10[%swap3A_556, %swap3A_557], %swap3A_560 {add = true, strides = array<i32>} : memref<128x64xf32, #tpu.memory_space<vmem>>, vector<1x16xf32>,
        %get3A_561 = arith.index_cast %add3A_544 : i32 to index
        %get3A_562 = arith.constant 16 : index
        %get3A_563 = tpu.vector_load %arg8[%get3A_561, %get3A_562] {strides = array<i32>} : memref<256x64xf32, #tpu.memory_space<vmem>>, vector<1x16xf32>,
        %get3A_564 = vector.shape_cast %get3A_563 : vector<1x16xf32> to vector<16xf32>
        %add3A_565 = arith.constant 128 : i32
        %add3A_566 = arith.addi %add3A_565, %add3A_544 : i32
        %get3A_567 = arith.index_cast %add3A_566 : i32 to index
        %get3A_568 = arith.constant 16 : index
        %get3A_569 = tpu.vector_load %arg8[%get3A_567, %get3A_568] {strides = array<i32>} : memref<256x64xf32, #tpu.memory_space<vmem>>, vector<1x16xf32>,
        %get3A_570 = vector.shape_cast %get3A_569 : vector<1x16xf32> to vector<16xf32>
        %add3A_571 = arith.addf %get3A_564, %get3A_570 : vector<16xf32>
        %swap3A_572 = arith.index_cast %add3A_544 : i32 to index
        %swap3A_573 = arith.constant 16 : index
        %swap3A_574 = tpu.vector_load %arg10[%swap3A_572, %swap3A_573] {strides = array<i32>} : memref<128x64xf32, #tpu.memory_space<vmem>>, vector<1x16xf32>,
        %swap3A_575 = vector.shape_cast %swap3A_574 : vector<1x16xf32> to vector<16xf32>
        %swap3A_576 = vector.shape_cast %add3A_571 : vector<16xf32> to vector<1x16xf32>
        tpu.vector_store %arg10[%swap3A_572, %swap3A_573], %swap3A_576 {add = true, strides = array<i32>} : memref<128x64xf32, #tpu.memory_space<vmem>>, vector<1x16xf32>,
        %get3A_577 = arith.index_cast %add3A_544 : i32 to index
        %get3A_578 = arith.constant 32 : index
        %get3A_579 = tpu.vector_load %arg8[%get3A_577, %get3A_578] {strides = array<i32>} : memref<256x64xf32, #tpu.memory_space<vmem>>, vector<1x16xf32>,
        %get3A_580 = vector.shape_cast %get3A_579 : vector<1x16xf32> to vector<16xf32>
        %add3A_581 = arith.constant 128 : i32
        %add3A_582 = arith.addi %add3A_581, %add3A_544 : i32
        %get3A_583 = arith.index_cast %add3A_582 : i32 to index
        %get3A_584 = arith.constant 32 : index
        %get3A_585 = tpu.vector_load %arg8[%get3A_583, %get3A_584] {strides = array<i32>} : memref<256x64xf32, #tpu.memory_space<vmem>>, vector<1x16xf32>,
        %get3A_586 = vector.shape_cast %get3A_585 : vector<1x16xf32> to vector<16xf32>
        %add3A_587 = arith.addf %get3A_580, %get3A_586 : vector<16xf32>
        %swap3A_588 = arith.index_cast %add3A_544 : i32 to index
        %swap3A_589 = arith.constant 32 : index
        %swap3A_590 = tpu.vector_load %arg10[%swap3A_588, %swap3A_589] {strides = array<i32>} : memref<128x64xf32, #tpu.memory_space<vmem>>, vector<1x16xf32>,
        %swap3A_591 = vector.shape_cast %swap3A_590 : vector<1x16xf32> to vector<16xf32>
        %swap3A_592 = vector.shape_cast %add3A_587 : vector<16xf32> to vector<1x16xf32>
        tpu.vector_store %arg10[%swap3A_588, %swap3A_589], %swap3A_592 {add = true, strides = array<i32>} : memref<128x64xf32, #tpu.memory_space<vmem>>, vector<1x16xf32>,
        %get3A_593 = arith.index_cast %add3A_544 : i32 to index
        %get3A_594 = arith.constant 48 : index
        %get3A_595 = tpu.vector_load %arg8[%get3A_593, %get3A_594] {strides = array<i32>} : memref<256x64xf32, #tpu.memory_space<vmem>>, vector<1x16xf32>,
        %get3A_596 = vector.shape_cast %get3A_595 : vector<1x16xf32> to vector<16xf32>
        %add3A_597 = arith.constant 128 : i32
        %add3A_598 = arith.addi %add3A_597, %add3A_544 : i32
        %get3A_599 = arith.index_cast %add3A_598 : i32 to index
        %get3A_600 = arith.constant 48 : index
        %get3A_601 = tpu.vector_load %arg8[%get3A_599, %get3A_600] {strides = array<i32>} : memref<256x64xf32, #tpu.memory_space<vmem>>, vector<1x16xf32>,
        %get3A_602 = vector.shape_cast %get3A_601 : vector<1x16xf32> to vector<16xf32>
        %add3A_603 = arith.addf %get3A_596, %get3A_602 : vector<16xf32>
        %swap3A_604 = arith.index_cast %add3A_544 : i32 to index
        %swap3A_605 = arith.constant 48 : index
        %swap3A_606 = tpu.vector_load %arg10[%swap3A_604, %swap3A_605] {strides = array<i32>} : memref<128x64xf32, #tpu.memory_space<vmem>>, vector<1x16xf32>,
        %swap3A_607 = vector.shape_cast %swap3A_606 : vector<1x16xf32> to vector<16xf32>
        %swap3A_608 = vector.shape_cast %add3A_603 : vector<16xf32> to vector<1x16xf32>
        tpu.vector_store %arg10[%swap3A_604, %swap3A_605], %swap3A_608 {add = true, strides = array<i32>} : memref<128x64xf32, #tpu.memory_space<vmem>>, vector<1x16xf32>,
        %mul3A_609 = arith.constant 8 : i32
        %mul3A_610 = arith.muli %scan3A_270, %mul3A_609 : i32
        %add3A_611 = arith.constant 5 : i32
        %add3A_612 = arith.addi %mul3A_610, %add3A_611 : i32
        %get3A_613 = arith.index_cast %add3A_612 : i32 to index
        %get3A_614 = arith.constant 0 : index
        %get3A_615 = tpu.vector_load %arg8[%get3A_613, %get3A_614] {strides = array<i32>} : memref<256x64xf32, #tpu.memory_space<vmem>>, vector<1x16xf32>,
        %get3A_616 = vector.shape_cast %get3A_615 : vector<1x16xf32> to vector<16xf32>
        %add3A_617 = arith.constant 128 : i32
        %add3A_618 = arith.addi %add3A_617, %add3A_612 : i32
        %get3A_619 = arith.index_cast %add3A_618 : i32 to index
        %get3A_620 = arith.constant 0 : index
        %get3A_621 = tpu.vector_load %arg8[%get3A_619, %get3A_620] {strides = array<i32>} : memref<256x64xf32, #tpu.memory_space<vmem>>, vector<1x16xf32>,
        %get3A_622 = vector.shape_cast %get3A_621 : vector<1x16xf32> to vector<16xf32>
        %add3A_623 = arith.addf %get3A_616, %get3A_622 : vector<16xf32>
        %swap3A_624 = arith.index_cast %add3A_612 : i32 to index
        %swap3A_625 = arith.constant 0 : index
        %swap3A_626 = tpu.vector_load %arg10[%swap3A_624, %swap3A_625] {strides = array<i32>} : memref<128x64xf32, #tpu.memory_space<vmem>>, vector<1x16xf32>,
        %swap3A_627 = vector.shape_cast %swap3A_626 : vector<1x16xf32> to vector<16xf32>
        %swap3A_628 = vector.shape_cast %add3A_623 : vector<16xf32> to vector<1x16xf32>
        tpu.vector_store %arg10[%swap3A_624, %swap3A_625], %swap3A_628 {add = true, strides = array<i32>} : memref<128x64xf32, #tpu.memory_space<vmem>>, vector<1x16xf32>,
        %get3A_629 = arith.index_cast %add3A_612 : i32 to index
        %get3A_630 = arith.constant 16 : index
        %get3A_631 = tpu.vector_load %arg8[%get3A_629, %get3A_630] {strides = array<i32>} : memref<256x64xf32, #tpu.memory_space<vmem>>, vector<1x16xf32>,
        %get3A_632 = vector.shape_cast %get3A_631 : vector<1x16xf32> to vector<16xf32>
        %add3A_633 = arith.constant 128 : i32
        %add3A_634 = arith.addi %add3A_633, %add3A_612 : i32
        %get3A_635 = arith.index_cast %add3A_634 : i32 to index
        %get3A_636 = arith.constant 16 : index
        %get3A_637 = tpu.vector_load %arg8[%get3A_635, %get3A_636] {strides = array<i32>} : memref<256x64xf32, #tpu.memory_space<vmem>>, vector<1x16xf32>,
        %get3A_638 = vector.shape_cast %get3A_637 : vector<1x16xf32> to vector<16xf32>
        %add3A_639 = arith.addf %get3A_632, %get3A_638 : vector<16xf32>
        %swap3A_640 = arith.index_cast %add3A_612 : i32 to index
        %swap3A_641 = arith.constant 16 : index
        %swap3A_642 = tpu.vector_load %arg10[%swap3A_640, %swap3A_641] {strides = array<i32>} : memref<128x64xf32, #tpu.memory_space<vmem>>, vector<1x16xf32>,
        %swap3A_643 = vector.shape_cast %swap3A_642 : vector<1x16xf32> to vector<16xf32>
        %swap3A_644 = vector.shape_cast %add3A_639 : vector<16xf32> to vector<1x16xf32>
        tpu.vector_store %arg10[%swap3A_640, %swap3A_641], %swap3A_644 {add = true, strides = array<i32>} : memref<128x64xf32, #tpu.memory_space<vmem>>, vector<1x16xf32>,
        %get3A_645 = arith.index_cast %add3A_612 : i32 to index
        %get3A_646 = arith.constant 32 : index
        %get3A_647 = tpu.vector_load %arg8[%get3A_645, %get3A_646] {strides = array<i32>} : memref<256x64xf32, #tpu.memory_space<vmem>>, vector<1x16xf32>,
        %get3A_648 = vector.shape_cast %get3A_647 : vector<1x16xf32> to vector<16xf32>
        %add3A_649 = arith.constant 128 : i32
        %add3A_650 = arith.addi %add3A_649, %add3A_612 : i32
        %get3A_651 = arith.index_cast %add3A_650 : i32 to index
        %get3A_652 = arith.constant 32 : index
        %get3A_653 = tpu.vector_load %arg8[%get3A_651, %get3A_652] {strides = array<i32>} : memref<256x64xf32, #tpu.memory_space<vmem>>, vector<1x16xf32>,
        %get3A_654 = vector.shape_cast %get3A_653 : vector<1x16xf32> to vector<16xf32>
        %add3A_655 = arith.addf %get3A_648, %get3A_654 : vector<16xf32>
        %swap3A_656 = arith.index_cast %add3A_612 : i32 to index
        %swap3A_657 = arith.constant 32 : index
        %swap3A_658 = tpu.vector_load %arg10[%swap3A_656, %swap3A_657] {strides = array<i32>} : memref<128x64xf32, #tpu.memory_space<vmem>>, vector<1x16xf32>,
        %swap3A_659 = vector.shape_cast %swap3A_658 : vector<1x16xf32> to vector<16xf32>
        %swap3A_660 = vector.shape_cast %add3A_655 : vector<16xf32> to vector<1x16xf32>
        tpu.vector_store %arg10[%swap3A_656, %swap3A_657], %swap3A_660 {add = true, strides = array<i32>} : memref<128x64xf32, #tpu.memory_space<vmem>>, vector<1x16xf32>,
        %get3A_661 = arith.index_cast %add3A_612 : i32 to index
        %get3A_662 = arith.constant 48 : index
        %get3A_663 = tpu.vector_load %arg8[%get3A_661, %get3A_662] {strides = array<i32>} : memref<256x64xf32, #tpu.memory_space<vmem>>, vector<1x16xf32>,
        %get3A_664 = vector.shape_cast %get3A_663 : vector<1x16xf32> to vector<16xf32>
        %add3A_665 = arith.constant 128 : i32
        %add3A_666 = arith.addi %add3A_665, %add3A_612 : i32
        %get3A_667 = arith.index_cast %add3A_666 : i32 to index
        %get3A_668 = arith.constant 48 : index
        %get3A_669 = tpu.vector_load %arg8[%get3A_667, %get3A_668] {strides = array<i32>} : memref<256x64xf32, #tpu.memory_space<vmem>>, vector<1x16xf32>,
        %get3A_670 = vector.shape_cast %get3A_669 : vector<1x16xf32> to vector<16xf32>
        %add3A_671 = arith.addf %get3A_664, %get3A_670 : vector<16xf32>
        %swap3A_672 = arith.index_cast %add3A_612 : i32 to index
        %swap3A_673 = arith.constant 48 : index
        %swap3A_674 = tpu.vector_load %arg10[%swap3A_672, %swap3A_673] {strides = array<i32>} : memref<128x64xf32, #tpu.memory_space<vmem>>, vector<1x16xf32>,
        %swap3A_675 = vector.shape_cast %swap3A_674 : vector<1x16xf32> to vector<16xf32>
        %swap3A_676 = vector.shape_cast %add3A_671 : vector<16xf32> to vector<1x16xf32>
        tpu.vector_store %arg10[%swap3A_672, %swap3A_673], %swap3A_676 {add = true, strides = array<i32>} : memref<128x64xf32, #tpu.memory_space<vmem>>, vector<1x16xf32>,
        %mul3A_677 = arith.constant 8 : i32
        %mul3A_678 = arith.muli %scan3A_270, %mul3A_677 : i32
        %add3A_679 = arith.constant 6 : i32
        %add3A_680 = arith.addi %mul3A_678, %add3A_679 : i32
        %get3A_681 = arith.index_cast %add3A_680 : i32 to index
        %get3A_682 = arith.constant 0 : index
        %get3A_683 = tpu.vector_load %arg8[%get3A_681, %get3A_682] {strides = array<i32>} : memref<256x64xf32, #tpu.memory_space<vmem>>, vector<1x16xf32>,
        %get3A_684 = vector.shape_cast %get3A_683 : vector<1x16xf32> to vector<16xf32>
        %add3A_685 = arith.constant 128 : i32
        %add3A_686 = arith.addi %add3A_685, %add3A_680 : i32
        %get3A_687 = arith.index_cast %add3A_686 : i32 to index
        %get3A_688 = arith.constant 0 : index
        %get3A_689 = tpu.vector_load %arg8[%get3A_687, %get3A_688] {strides = array<i32>} : memref<256x64xf32, #tpu.memory_space<vmem>>, vector<1x16xf32>,
        %get3A_690 = vector.shape_cast %get3A_689 : vector<1x16xf32> to vector<16xf32>
        %add3A_691 = arith.addf %get3A_684, %get3A_690 : vector<16xf32>
        %swap3A_692 = arith.index_cast %add3A_680 : i32 to index
        %swap3A_693 = arith.constant 0 : index
        %swap3A_694 = tpu.vector_load %arg10[%swap3A_692, %swap3A_693] {strides = array<i32>} : memref<128x64xf32, #tpu.memory_space<vmem>>, vector<1x16xf32>,
        %swap3A_695 = vector.shape_cast %swap3A_694 : vector<1x16xf32> to vector<16xf32>
        %swap3A_696 = vector.shape_cast %add3A_691 : vector<16xf32> to vector<1x16xf32>
        tpu.vector_store %arg10[%swap3A_692, %swap3A_693], %swap3A_696 {add = true, strides = array<i32>} : memref<128x64xf32, #tpu.memory_space<vmem>>, vector<1x16xf32>,
        %get3A_697 = arith.index_cast %add3A_680 : i32 to index
        %get3A_698 = arith.constant 16 : index
        %get3A_699 = tpu.vector_load %arg8[%get3A_697, %get3A_698] {strides = array<i32>} : memref<256x64xf32, #tpu.memory_space<vmem>>, vector<1x16xf32>,
        %get3A_700 = vector.shape_cast %get3A_699 : vector<1x16xf32> to vector<16xf32>
        %add3A_701 = arith.constant 128 : i32
        %add3A_702 = arith.addi %add3A_701, %add3A_680 : i32
        %get3A_703 = arith.index_cast %add3A_702 : i32 to index
        %get3A_704 = arith.constant 16 : index
        %get3A_705 = tpu.vector_load %arg8[%get3A_703, %get3A_704] {strides = array<i32>} : memref<256x64xf32, #tpu.memory_space<vmem>>, vector<1x16xf32>,
        %get3A_706 = vector.shape_cast %get3A_705 : vector<1x16xf32> to vector<16xf32>
        %add3A_707 = arith.addf %get3A_700, %get3A_706 : vector<16xf32>
        %swap3A_708 = arith.index_cast %add3A_680 : i32 to index
        %swap3A_709 = arith.constant 16 : index
        %swap3A_710 = tpu.vector_load %arg10[%swap3A_708, %swap3A_709] {strides = array<i32>} : memref<128x64xf32, #tpu.memory_space<vmem>>, vector<1x16xf32>,
        %swap3A_711 = vector.shape_cast %swap3A_710 : vector<1x16xf32> to vector<16xf32>
        %swap3A_712 = vector.shape_cast %add3A_707 : vector<16xf32> to vector<1x16xf32>
        tpu.vector_store %arg10[%swap3A_708, %swap3A_709], %swap3A_712 {add = true, strides = array<i32>} : memref<128x64xf32, #tpu.memory_space<vmem>>, vector<1x16xf32>,
        %get3A_713 = arith.index_cast %add3A_680 : i32 to index
        %get3A_714 = arith.constant 32 : index
        %get3A_715 = tpu.vector_load %arg8[%get3A_713, %get3A_714] {strides = array<i32>} : memref<256x64xf32, #tpu.memory_space<vmem>>, vector<1x16xf32>,
        %get3A_716 = vector.shape_cast %get3A_715 : vector<1x16xf32> to vector<16xf32>
        %add3A_717 = arith.constant 128 : i32
        %add3A_718 = arith.addi %add3A_717, %add3A_680 : i32
        %get3A_719 = arith.index_cast %add3A_718 : i32 to index
        %get3A_720 = arith.constant 32 : index
        %get3A_721 = tpu.vector_load %arg8[%get3A_719, %get3A_720] {strides = array<i32>} : memref<256x64xf32, #tpu.memory_space<vmem>>, vector<1x16xf32>,
        %get3A_722 = vector.shape_cast %get3A_721 : vector<1x16xf32> to vector<16xf32>
        %add3A_723 = arith.addf %get3A_716, %get3A_722 : vector<16xf32>
        %swap3A_724 = arith.index_cast %add3A_680 : i32 to index
        %swap3A_725 = arith.constant 32 : index
        %swap3A_726 = tpu.vector_load %arg10[%swap3A_724, %swap3A_725] {strides = array<i32>} : memref<128x64xf32, #tpu.memory_space<vmem>>, vector<1x16xf32>,
        %swap3A_727 = vector.shape_cast %swap3A_726 : vector<1x16xf32> to vector<16xf32>
        %swap3A_728 = vector.shape_cast %add3A_723 : vector<16xf32> to vector<1x16xf32>
        tpu.vector_store %arg10[%swap3A_724, %swap3A_725], %swap3A_728 {add = true, strides = array<i32>} : memref<128x64xf32, #tpu.memory_space<vmem>>, vector<1x16xf32>,
        %get3A_729 = arith.index_cast %add3A_680 : i32 to index
        %get3A_730 = arith.constant 48 : index
        %get3A_731 = tpu.vector_load %arg8[%get3A_729, %get3A_730] {strides = array<i32>} : memref<256x64xf32, #tpu.memory_space<vmem>>, vector<1x16xf32>,
        %get3A_732 = vector.shape_cast %get3A_731 : vector<1x16xf32> to vector<16xf32>
        %add3A_733 = arith.constant 128 : i32
        %add3A_734 = arith.addi %add3A_733, %add3A_680 : i32
        %get3A_735 = arith.index_cast %add3A_734 : i32 to index
        %get3A_736 = arith.constant 48 : index
        %get3A_737 = tpu.vector_load %arg8[%get3A_735, %get3A_736] {strides = array<i32>} : memref<256x64xf32, #tpu.memory_space<vmem>>, vector<1x16xf32>,
        %get3A_738 = vector.shape_cast %get3A_737 : vector<1x16xf32> to vector<16xf32>
        %add3A_739 = arith.addf %get3A_732, %get3A_738 : vector<16xf32>
        %swap3A_740 = arith.index_cast %add3A_680 : i32 to index
        %swap3A_741 = arith.constant 48 : index
        %swap3A_742 = tpu.vector_load %arg10[%swap3A_740, %swap3A_741] {strides = array<i32>} : memref<128x64xf32, #tpu.memory_space<vmem>>, vector<1x16xf32>,
        %swap3A_743 = vector.shape_cast %swap3A_742 : vector<1x16xf32> to vector<16xf32>
        %swap3A_744 = vector.shape_cast %add3A_739 : vector<16xf32> to vector<1x16xf32>
        tpu.vector_store %arg10[%swap3A_740, %swap3A_741], %swap3A_744 {add = true, strides = array<i32>} : memref<128x64xf32, #tpu.memory_space<vmem>>, vector<1x16xf32>,
        %mul3A_745 = arith.constant 8 : i32
        %mul3A_746 = arith.muli %scan3A_270, %mul3A_745 : i32
        %add3A_747 = arith.constant 7 : i32
        %add3A_748 = arith.addi %mul3A_746, %add3A_747 : i32
        %get3A_749 = arith.index_cast %add3A_748 : i32 to index
        %get3A_750 = arith.constant 0 : index
        %get3A_751 = tpu.vector_load %arg8[%get3A_749, %get3A_750] {strides = array<i32>} : memref<256x64xf32, #tpu.memory_space<vmem>>, vector<1x16xf32>,
        %get3A_752 = vector.shape_cast %get3A_751 : vector<1x16xf32> to vector<16xf32>
        %add3A_753 = arith.constant 128 : i32
        %add3A_754 = arith.addi %add3A_753, %add3A_748 : i32
        %get3A_755 = arith.index_cast %add3A_754 : i32 to index
        %get3A_756 = arith.constant 0 : index
        %get3A_757 = tpu.vector_load %arg8[%get3A_755, %get3A_756] {strides = array<i32>} : memref<256x64xf32, #tpu.memory_space<vmem>>, vector<1x16xf32>,
        %get3A_758 = vector.shape_cast %get3A_757 : vector<1x16xf32> to vector<16xf32>
        %add3A_759 = arith.addf %get3A_752, %get3A_758 : vector<16xf32>
        %swap3A_760 = arith.index_cast %add3A_748 : i32 to index
        %swap3A_761 = arith.constant 0 : index
        %swap3A_762 = tpu.vector_load %arg10[%swap3A_760, %swap3A_761] {strides = array<i32>} : memref<128x64xf32, #tpu.memory_space<vmem>>, vector<1x16xf32>,
        %swap3A_763 = vector.shape_cast %swap3A_762 : vector<1x16xf32> to vector<16xf32>
        %swap3A_764 = vector.shape_cast %add3A_759 : vector<16xf32> to vector<1x16xf32>
        tpu.vector_store %arg10[%swap3A_760, %swap3A_761], %swap3A_764 {add = true, strides = array<i32>} : memref<128x64xf32, #tpu.memory_space<vmem>>, vector<1x16xf32>,
        %get3A_765 = arith.index_cast %add3A_748 : i32 to index
        %get3A_766 = arith.constant 16 : index
        %get3A_767 = tpu.vector_load %arg8[%get3A_765, %get3A_766] {strides = array<i32>} : memref<256x64xf32, #tpu.memory_space<vmem>>, vector<1x16xf32>,
        %get3A_768 = vector.shape_cast %get3A_767 : vector<1x16xf32> to vector<16xf32>
        %add3A_769 = arith.constant 128 : i32
        %add3A_770 = arith.addi %add3A_769, %add3A_748 : i32
        %get3A_771 = arith.index_cast %add3A_770 : i32 to index
        %get3A_772 = arith.constant 16 : index
        %get3A_773 = tpu.vector_load %arg8[%get3A_771, %get3A_772] {strides = array<i32>} : memref<256x64xf32, #tpu.memory_space<vmem>>, vector<1x16xf32>,
        %get3A_774 = vector.shape_cast %get3A_773 : vector<1x16xf32> to vector<16xf32>
        %add3A_775 = arith.addf %get3A_768, %get3A_774 : vector<16xf32>
        %swap3A_776 = arith.index_cast %add3A_748 : i32 to index
        %swap3A_777 = arith.constant 16 : index
        %swap3A_778 = tpu.vector_load %arg10[%swap3A_776, %swap3A_777] {strides = array<i32>} : memref<128x64xf32, #tpu.memory_space<vmem>>, vector<1x16xf32>,
        %swap3A_779 = vector.shape_cast %swap3A_778 : vector<1x16xf32> to vector<16xf32>
        %swap3A_780 = vector.shape_cast %add3A_775 : vector<16xf32> to vector<1x16xf32>
        tpu.vector_store %arg10[%swap3A_776, %swap3A_777], %swap3A_780 {add = true, strides = array<i32>} : memref<128x64xf32, #tpu.memory_space<vmem>>, vector<1x16xf32>,
        %get3A_781 = arith.index_cast %add3A_748 : i32 to index
        %get3A_782 = arith.constant 32 : index
        %get3A_783 = tpu.vector_load %arg8[%get3A_781, %get3A_782] {strides = array<i32>} : memref<256x64xf32, #tpu.memory_space<vmem>>, vector<1x16xf32>,
        %get3A_784 = vector.shape_cast %get3A_783 : vector<1x16xf32> to vector<16xf32>
        %add3A_785 = arith.constant 128 : i32
        %add3A_786 = arith.addi %add3A_785, %add3A_748 : i32
        %get3A_787 = arith.index_cast %add3A_786 : i32 to index
        %get3A_788 = arith.constant 32 : index
        %get3A_789 = tpu.vector_load %arg8[%get3A_787, %get3A_788] {strides = array<i32>} : memref<256x64xf32, #tpu.memory_space<vmem>>, vector<1x16xf32>,
        %get3A_790 = vector.shape_cast %get3A_789 : vector<1x16xf32> to vector<16xf32>
        %add3A_791 = arith.addf %get3A_784, %get3A_790 : vector<16xf32>
        %swap3A_792 = arith.index_cast %add3A_748 : i32 to index
        %swap3A_793 = arith.constant 32 : index
        %swap3A_794 = tpu.vector_load %arg10[%swap3A_792, %swap3A_793] {strides = array<i32>} : memref<128x64xf32, #tpu.memory_space<vmem>>, vector<1x16xf32>,
        %swap3A_795 = vector.shape_cast %swap3A_794 : vector<1x16xf32> to vector<16xf32>
        %swap3A_796 = vector.shape_cast %add3A_791 : vector<16xf32> to vector<1x16xf32>
        tpu.vector_store %arg10[%swap3A_792, %swap3A_793], %swap3A_796 {add = true, strides = array<i32>} : memref<128x64xf32, #tpu.memory_space<vmem>>, vector<1x16xf32>,
        %get3A_797 = arith.index_cast %add3A_748 : i32 to index
        %get3A_798 = arith.constant 48 : index
        %get3A_799 = tpu.vector_load %arg8[%get3A_797, %get3A_798] {strides = array<i32>} : memref<256x64xf32, #tpu.memory_space<vmem>>, vector<1x16xf32>,
        %get3A_800 = vector.shape_cast %get3A_799 : vector<1x16xf32> to vector<16xf32>
        %add3A_801 = arith.constant 128 : i32
        %add3A_802 = arith.addi %add3A_801, %add3A_748 : i32
        %get3A_803 = arith.index_cast %add3A_802 : i32 to index
        %get3A_804 = arith.constant 48 : index
        %get3A_805 = tpu.vector_load %arg8[%get3A_803, %get3A_804] {strides = array<i32>} : memref<256x64xf32, #tpu.memory_space<vmem>>, vector<1x16xf32>,
        %get3A_806 = vector.shape_cast %get3A_805 : vector<1x16xf32> to vector<16xf32>
        %add3A_807 = arith.addf %get3A_800, %get3A_806 : vector<16xf32>
        %swap3A_808 = arith.index_cast %add3A_748 : i32 to index
        %swap3A_809 = arith.constant 48 : index
        %swap3A_810 = tpu.vector_load %arg10[%swap3A_808, %swap3A_809] {strides = array<i32>} : memref<128x64xf32, #tpu.memory_space<vmem>>, vector<1x16xf32>,
        %swap3A_811 = vector.shape_cast %swap3A_810 : vector<1x16xf32> to vector<16xf32>
        %swap3A_812 = vector.shape_cast %add3A_807 : vector<16xf32> to vector<1x16xf32>
        tpu.vector_store %arg10[%swap3A_808, %swap3A_809], %swap3A_812 {add = true, strides = array<i32>} : memref<128x64xf32, #tpu.memory_space<vmem>>, vector<1x16xf32>,
      }
      %scan3A_219 = arith.constant 16 : i32
      %add3A_220 = arith.constant 4 : i32
      %add3A_221 = arith.addi %add3A_187, %add3A_220 : i32
      %lt3A_222 = arith.constant 100 : i32
      %lt3A_223 = arith.cmpi slt, %add3A_221, %lt3A_222 : i32
      %convert_element_type3A_224 = arith.extui %lt3A_223 : i1 to i32
      %cond3A_225 = arith.constant 0 : i32
      %cond3A_226 = arith.cmpi ne, %convert_element_type3A_224, %cond3A_225 : i32
      scf.if %cond3A_226 {
        %add3A_270 = arith.constant 4 : i32
        %add3A_271 = arith.addi %add3A_187, %add3A_270 : i32
        %mul3A_272 = arith.constant 2 : i32
        %mul3A_273 = arith.muli %mul3A_272, %add3A_271 : i32
        %add3A_274 = arith.constant 0 : i32
        %add3A_275 = arith.addi %mul3A_273, %add3A_274 : i32
        %dma_start3A_276 = arith.constant 0 : i32
        %dma_start3A_277 = arith.constant 0 : i32
        %dma_start3A_278 = tpu.memref_slice %arg8[%dma_start3A_276, %dma_start3A_277] : memref<256x64xf32, #tpu.memory_space<vmem>> -> memref<128x64xf32, #tpu.memory_space<vmem>>
        %dma_start3A_279 = arith.constant 0 : i32
        %dma_start3A_280 = tpu.memref_slice %arg5[%add3A_275, %dma_start3A_279] : memref<200x128xi32, #tpu.memory_space<vmem>> -> memref<1x128xi32, #tpu.memory_space<vmem>>
        %dma_start3A_281 = tpu.memref_squeeze %dma_start3A_280 : memref<1x128xi32, #tpu.memory_space<vmem>> -> memref<128xi32, #tpu.memory_space<vmem>>
        %dma_start3A_282 = arith.constant 0 : i32
        %dma_start3A_283 = arith.constant 0 : i32
        %dma_start3A_284 = tpu.memref_slice %arg3[%dma_start3A_282, %dma_start3A_283] : memref<1015808x64xf32, #tpu.memory_space<hbm>> -> memref<1015808x64xf32, #tpu.memory_space<hbm>>
        tpu.enqueue_indirect_dma source(%dma_start3A_284 : memref<1015808x64xf32, #tpu.memory_space<hbm>>) target(%dma_start3A_278 : memref<128x64xf32, #tpu.memory_space<vmem>>) offsets(%dma_start3A_281 : memref<128xi32, #tpu.memory_space<vmem>>) semaphore(%arg13 : memref<!tpu.dma_semaphore, #tpu.memory_space<semaphore_mem>>)
        %mul3A_285 = arith.constant 2 : i32
        %mul3A_286 = arith.muli %mul3A_285, %add3A_271 : i32
        %add3A_287 = arith.constant 1 : i32
        %add3A_288 = arith.addi %mul3A_286, %add3A_287 : i32
        %dma_start3A_289 = arith.constant 128 : i32
        %dma_start3A_290 = arith.constant 0 : i32
        %dma_start3A_291 = tpu.memref_slice %arg8[%dma_start3A_289, %dma_start3A_290] : memref<256x64xf32, #tpu.memory_space<vmem>> -> memref<128x64xf32, #tpu.memory_space<vmem>>
        %dma_start3A_292 = arith.constant 0 : i32
        %dma_start3A_293 = tpu.memref_slice %arg5[%add3A_288, %dma_start3A_292] : memref<200x128xi32, #tpu.memory_space<vmem>> -> memref<1x128xi32, #tpu.memory_space<vmem>>
        %dma_start3A_294 = tpu.memref_squeeze %dma_start3A_293 : memref<1x128xi32, #tpu.memory_space<vmem>> -> memref<128xi32, #tpu.memory_space<vmem>>
        %dma_start3A_295 = arith.constant 0 : i32
        %dma_start3A_296 = arith.constant 0 : i32
        %dma_start3A_297 = tpu.memref_slice %arg3[%dma_start3A_295, %dma_start3A_296] : memref<1015808x64xf32, #tpu.memory_space<hbm>> -> memref<1015808x64xf32, #tpu.memory_space<hbm>>
        tpu.enqueue_indirect_dma source(%dma_start3A_297 : memref<1015808x64xf32, #tpu.memory_space<hbm>>) target(%dma_start3A_291 : memref<128x64xf32, #tpu.memory_space<vmem>>) offsets(%dma_start3A_294 : memref<128xi32, #tpu.memory_space<vmem>>) semaphore(%arg13 : memref<!tpu.dma_semaphore, #tpu.memory_space<semaphore_mem>>)
      } else {
      }
      %mul3A_227 = arith.constant 4 : i32
      %mul3A_228 = arith.muli %mul3A_227, %scan3A_101 : i32
      %add3A_229 = arith.constant 3 : i32
      %add3A_230 = arith.addi %mul3A_228, %add3A_229 : i32
      %mul3A_231 = arith.constant 2 : i32
      %mul3A_232 = arith.muli %mul3A_231, %add3A_230 : i32
      %add3A_233 = arith.constant 0 : i32
      %add3A_234 = arith.addi %mul3A_232, %add3A_233 : i32
      %dma_wait3A_235 = arith.constant 0 : i32
      %dma_wait3A_236 = arith.constant 0 : i32
      %dma_wait3A_237 = tpu.memref_slice %arg9[%dma_wait3A_235, %dma_wait3A_236] : memref<256x64xf32, #tpu.memory_space<vmem>> -> memref<128x64xf32, #tpu.memory_space<vmem>>
      %dma_wait3A_238 = arith.constant 0 : i32
      %dma_wait3A_239 = tpu.memref_slice %arg5[%add3A_234, %dma_wait3A_238] : memref<200x128xi32, #tpu.memory_space<vmem>> -> memref<1x128xi32, #tpu.memory_space<vmem>>
      %dma_wait3A_240 = tpu.memref_squeeze %dma_wait3A_239 : memref<1x128xi32, #tpu.memory_space<vmem>> -> memref<128xi32, #tpu.memory_space<vmem>>
      %dma_wait3A_241 = arith.constant 0 : i32
      %dma_wait3A_242 = arith.constant 0 : i32
      %dma_wait3A_243 = tpu.memref_slice %arg3[%dma_wait3A_241, %dma_wait3A_242] : memref<1015808x64xf32, #tpu.memory_space<hbm>> -> memref<1015808x64xf32, #tpu.memory_space<hbm>>
      tpu.wait_indirect_dma semaphore(%arg14 : memref<!tpu.dma_semaphore, #tpu.memory_space<semaphore_mem>>) src(%dma_wait3A_243 : memref<1015808x64xf32, #tpu.memory_space<hbm>>) dst(%dma_wait3A_237 : memref<128x64xf32, #tpu.memory_space<vmem>>)
      %mul3A_244 = arith.constant 2 : i32
      %mul3A_245 = arith.muli %mul3A_244, %add3A_230 : i32
      %add3A_246 = arith.constant 1 : i32
      %add3A_247 = arith.addi %mul3A_245, %add3A_246 : i32
      %dma_wait3A_248 = arith.constant 128 : i32
      %dma_wait3A_249 = arith.constant 0 : i32
      %dma_wait3A_250 = tpu.memref_slice %arg9[%dma_wait3A_248, %dma_wait3A_249] : memref<256x64xf32, #tpu.memory_space<vmem>> -> memref<128x64xf32, #tpu.memory_space<vmem>>
      %dma_wait3A_251 = arith.constant 0 : i32
      %dma_wait3A_252 = tpu.memref_slice %arg5[%add3A_247, %dma_wait3A_251] : memref<200x128xi32, #tpu.memory_space<vmem>> -> memref<1x128xi32, #tpu.memory_space<vmem>>
      %dma_wait3A_253 = tpu.memref_squeeze %dma_wait3A_252 : memref<1x128xi32, #tpu.memory_space<vmem>> -> memref<128xi32, #tpu.memory_space<vmem>>
      %dma_wait3A_254 = arith.constant 0 : i32
      %dma_wait3A_255 = arith.constant 0 : i32
      %dma_wait3A_256 = tpu.memref_slice %arg3[%dma_wait3A_254, %dma_wait3A_255] : memref<1015808x64xf32, #tpu.memory_space<hbm>> -> memref<1015808x64xf32, #tpu.memory_space<hbm>>
      tpu.wait_indirect_dma semaphore(%arg14 : memref<!tpu.dma_semaphore, #tpu.memory_space<semaphore_mem>>) src(%dma_wait3A_256 : memref<1015808x64xf32, #tpu.memory_space<hbm>>) dst(%dma_wait3A_250 : memref<128x64xf32, #tpu.memory_space<vmem>>)
      %scan3A_257 = arith.constant 0 : i32
      %scan3A_258 = arith.constant 0 : i32
      %scan3A_259 = arith.constant 16 : i32
      %scan3A_260 = arith.addi %scan3A_258, %scan3A_259 : i32
      %scan3A_261 = arith.constant 1 : i32
      scf.for %scan3A_270 = %scan3A_258 to %scan3A_260 step %scan3A_261  : i32 {
        %mul3A_271 = arith.constant 8 : i32
        %mul3A_272 = arith.muli %scan3A_270, %mul3A_271 : i32
        %add3A_273 = arith.constant 0 : i32
        %add3A_274 = arith.addi %mul3A_272, %add3A_273 : i32
        %get3A = arith.index_cast %add3A_274 : i32 to index
        %get3A_275 = arith.constant 0 : index
        %get3A_276 = tpu.vector_load %arg9[%get3A, %get3A_275] {strides = array<i32>} : memref<256x64xf32, #tpu.memory_space<vmem>>, vector<1x16xf32>,
        %get3A_277 = vector.shape_cast %get3A_276 : vector<1x16xf32> to vector<16xf32>
        %add3A_278 = arith.constant 128 : i32
        %add3A_279 = arith.addi %add3A_278, %add3A_274 : i32
        %get3A_280 = arith.index_cast %add3A_279 : i32 to index
        %get3A_281 = arith.constant 0 : index
        %get3A_282 = tpu.vector_load %arg9[%get3A_280, %get3A_281] {strides = array<i32>} : memref<256x64xf32, #tpu.memory_space<vmem>>, vector<1x16xf32>,
        %get3A_283 = vector.shape_cast %get3A_282 : vector<1x16xf32> to vector<16xf32>
        %add3A_284 = arith.addf %get3A_277, %get3A_283 : vector<16xf32>
        %swap3A = arith.index_cast %add3A_274 : i32 to index
        %swap3A_285 = arith.constant 0 : index
        %swap3A_286 = tpu.vector_load %arg10[%swap3A, %swap3A_285] {strides = array<i32>} : memref<128x64xf32, #tpu.memory_space<vmem>>, vector<1x16xf32>,
        %swap3A_287 = vector.shape_cast %swap3A_286 : vector<1x16xf32> to vector<16xf32>
        %swap3A_288 = vector.shape_cast %add3A_284 : vector<16xf32> to vector<1x16xf32>
        tpu.vector_store %arg10[%swap3A, %swap3A_285], %swap3A_288 {add = true, strides = array<i32>} : memref<128x64xf32, #tpu.memory_space<vmem>>, vector<1x16xf32>,
        %get3A_289 = arith.index_cast %add3A_274 : i32 to index
        %get3A_290 = arith.constant 16 : index
        %get3A_291 = tpu.vector_load %arg9[%get3A_289, %get3A_290] {strides = array<i32>} : memref<256x64xf32, #tpu.memory_space<vmem>>, vector<1x16xf32>,
        %get3A_292 = vector.shape_cast %get3A_291 : vector<1x16xf32> to vector<16xf32>
        %add3A_293 = arith.constant 128 : i32
        %add3A_294 = arith.addi %add3A_293, %add3A_274 : i32
        %get3A_295 = arith.index_cast %add3A_294 : i32 to index
        %get3A_296 = arith.constant 16 : index
        %get3A_297 = tpu.vector_load %arg9[%get3A_295, %get3A_296] {strides = array<i32>} : memref<256x64xf32, #tpu.memory_space<vmem>>, vector<1x16xf32>,
        %get3A_298 = vector.shape_cast %get3A_297 : vector<1x16xf32> to vector<16xf32>
        %add3A_299 = arith.addf %get3A_292, %get3A_298 : vector<16xf32>
        %swap3A_300 = arith.index_cast %add3A_274 : i32 to index
        %swap3A_301 = arith.constant 16 : index
        %swap3A_302 = tpu.vector_load %arg10[%swap3A_300, %swap3A_301] {strides = array<i32>} : memref<128x64xf32, #tpu.memory_space<vmem>>, vector<1x16xf32>,
        %swap3A_303 = vector.shape_cast %swap3A_302 : vector<1x16xf32> to vector<16xf32>
        %swap3A_304 = vector.shape_cast %add3A_299 : vector<16xf32> to vector<1x16xf32>
        tpu.vector_store %arg10[%swap3A_300, %swap3A_301], %swap3A_304 {add = true, strides = array<i32>} : memref<128x64xf32, #tpu.memory_space<vmem>>, vector<1x16xf32>,
        %get3A_305 = arith.index_cast %add3A_274 : i32 to index
        %get3A_306 = arith.constant 32 : index
        %get3A_307 = tpu.vector_load %arg9[%get3A_305, %get3A_306] {strides = array<i32>} : memref<256x64xf32, #tpu.memory_space<vmem>>, vector<1x16xf32>,
        %get3A_308 = vector.shape_cast %get3A_307 : vector<1x16xf32> to vector<16xf32>
        %add3A_309 = arith.constant 128 : i32
        %add3A_310 = arith.addi %add3A_309, %add3A_274 : i32
        %get3A_311 = arith.index_cast %add3A_310 : i32 to index
        %get3A_312 = arith.constant 32 : index
        %get3A_313 = tpu.vector_load %arg9[%get3A_311, %get3A_312] {strides = array<i32>} : memref<256x64xf32, #tpu.memory_space<vmem>>, vector<1x16xf32>,
        %get3A_314 = vector.shape_cast %get3A_313 : vector<1x16xf32> to vector<16xf32>
        %add3A_315 = arith.addf %get3A_308, %get3A_314 : vector<16xf32>
        %swap3A_316 = arith.index_cast %add3A_274 : i32 to index
        %swap3A_317 = arith.constant 32 : index
        %swap3A_318 = tpu.vector_load %arg10[%swap3A_316, %swap3A_317] {strides = array<i32>} : memref<128x64xf32, #tpu.memory_space<vmem>>, vector<1x16xf32>,
        %swap3A_319 = vector.shape_cast %swap3A_318 : vector<1x16xf32> to vector<16xf32>
        %swap3A_320 = vector.shape_cast %add3A_315 : vector<16xf32> to vector<1x16xf32>
        tpu.vector_store %arg10[%swap3A_316, %swap3A_317], %swap3A_320 {add = true, strides = array<i32>} : memref<128x64xf32, #tpu.memory_space<vmem>>, vector<1x16xf32>,
        %get3A_321 = arith.index_cast %add3A_274 : i32 to index
        %get3A_322 = arith.constant 48 : index
        %get3A_323 = tpu.vector_load %arg9[%get3A_321, %get3A_322] {strides = array<i32>} : memref<256x64xf32, #tpu.memory_space<vmem>>, vector<1x16xf32>,
        %get3A_324 = vector.shape_cast %get3A_323 : vector<1x16xf32> to vector<16xf32>
        %add3A_325 = arith.constant 128 : i32
        %add3A_326 = arith.addi %add3A_325, %add3A_274 : i32
        %get3A_327 = arith.index_cast %add3A_326 : i32 to index
        %get3A_328 = arith.constant 48 : index
        %get3A_329 = tpu.vector_load %arg9[%get3A_327, %get3A_328] {strides = array<i32>} : memref<256x64xf32, #tpu.memory_space<vmem>>, vector<1x16xf32>,
        %get3A_330 = vector.shape_cast %get3A_329 : vector<1x16xf32> to vector<16xf32>
        %add3A_331 = arith.addf %get3A_324, %get3A_330 : vector<16xf32>
        %swap3A_332 = arith.index_cast %add3A_274 : i32 to index
        %swap3A_333 = arith.constant 48 : index
        %swap3A_334 = tpu.vector_load %arg10[%swap3A_332, %swap3A_333] {strides = array<i32>} : memref<128x64xf32, #tpu.memory_space<vmem>>, vector<1x16xf32>,
        %swap3A_335 = vector.shape_cast %swap3A_334 : vector<1x16xf32> to vector<16xf32>
        %swap3A_336 = vector.shape_cast %add3A_331 : vector<16xf32> to vector<1x16xf32>
        tpu.vector_store %arg10[%swap3A_332, %swap3A_333], %swap3A_336 {add = true, strides = array<i32>} : memref<128x64xf32, #tpu.memory_space<vmem>>, vector<1x16xf32>,
        %mul3A_337 = arith.constant 8 : i32
        %mul3A_338 = arith.muli %scan3A_270, %mul3A_337 : i32
        %add3A_339 = arith.constant 1 : i32
        %add3A_340 = arith.addi %mul3A_338, %add3A_339 : i32
        %get3A_341 = arith.index_cast %add3A_340 : i32 to index
        %get3A_342 = arith.constant 0 : index
        %get3A_343 = tpu.vector_load %arg9[%get3A_341, %get3A_342] {strides = array<i32>} : memref<256x64xf32, #tpu.memory_space<vmem>>, vector<1x16xf32>,
        %get3A_344 = vector.shape_cast %get3A_343 : vector<1x16xf32> to vector<16xf32>
        %add3A_345 = arith.constant 128 : i32
        %add3A_346 = arith.addi %add3A_345, %add3A_340 : i32
        %get3A_347 = arith.index_cast %add3A_346 : i32 to index
        %get3A_348 = arith.constant 0 : index
        %get3A_349 = tpu.vector_load %arg9[%get3A_347, %get3A_348] {strides = array<i32>} : memref<256x64xf32, #tpu.memory_space<vmem>>, vector<1x16xf32>,
        %get3A_350 = vector.shape_cast %get3A_349 : vector<1x16xf32> to vector<16xf32>
        %add3A_351 = arith.addf %get3A_344, %get3A_350 : vector<16xf32>
        %swap3A_352 = arith.index_cast %add3A_340 : i32 to index
        %swap3A_353 = arith.constant 0 : index
        %swap3A_354 = tpu.vector_load %arg10[%swap3A_352, %swap3A_353] {strides = array<i32>} : memref<128x64xf32, #tpu.memory_space<vmem>>, vector<1x16xf32>,
        %swap3A_355 = vector.shape_cast %swap3A_354 : vector<1x16xf32> to vector<16xf32>
        %swap3A_356 = vector.shape_cast %add3A_351 : vector<16xf32> to vector<1x16xf32>
        tpu.vector_store %arg10[%swap3A_352, %swap3A_353], %swap3A_356 {add = true, strides = array<i32>} : memref<128x64xf32, #tpu.memory_space<vmem>>, vector<1x16xf32>,
        %get3A_357 = arith.index_cast %add3A_340 : i32 to index
        %get3A_358 = arith.constant 16 : index
        %get3A_359 = tpu.vector_load %arg9[%get3A_357, %get3A_358] {strides = array<i32>} : memref<256x64xf32, #tpu.memory_space<vmem>>, vector<1x16xf32>,
        %get3A_360 = vector.shape_cast %get3A_359 : vector<1x16xf32> to vector<16xf32>
        %add3A_361 = arith.constant 128 : i32
        %add3A_362 = arith.addi %add3A_361, %add3A_340 : i32
        %get3A_363 = arith.index_cast %add3A_362 : i32 to index
        %get3A_364 = arith.constant 16 : index
        %get3A_365 = tpu.vector_load %arg9[%get3A_363, %get3A_364] {strides = array<i32>} : memref<256x64xf32, #tpu.memory_space<vmem>>, vector<1x16xf32>,
        %get3A_366 = vector.shape_cast %get3A_365 : vector<1x16xf32> to vector<16xf32>
        %add3A_367 = arith.addf %get3A_360, %get3A_366 : vector<16xf32>
        %swap3A_368 = arith.index_cast %add3A_340 : i32 to index
        %swap3A_369 = arith.constant 16 : index
        %swap3A_370 = tpu.vector_load %arg10[%swap3A_368, %swap3A_369] {strides = array<i32>} : memref<128x64xf32, #tpu.memory_space<vmem>>, vector<1x16xf32>,
        %swap3A_371 = vector.shape_cast %swap3A_370 : vector<1x16xf32> to vector<16xf32>
        %swap3A_372 = vector.shape_cast %add3A_367 : vector<16xf32> to vector<1x16xf32>
        tpu.vector_store %arg10[%swap3A_368, %swap3A_369], %swap3A_372 {add = true, strides = array<i32>} : memref<128x64xf32, #tpu.memory_space<vmem>>, vector<1x16xf32>,
        %get3A_373 = arith.index_cast %add3A_340 : i32 to index
        %get3A_374 = arith.constant 32 : index
        %get3A_375 = tpu.vector_load %arg9[%get3A_373, %get3A_374] {strides = array<i32>} : memref<256x64xf32, #tpu.memory_space<vmem>>, vector<1x16xf32>,
        %get3A_376 = vector.shape_cast %get3A_375 : vector<1x16xf32> to vector<16xf32>
        %add3A_377 = arith.constant 128 : i32
        %add3A_378 = arith.addi %add3A_377, %add3A_340 : i32
        %get3A_379 = arith.index_cast %add3A_378 : i32 to index
        %get3A_380 = arith.constant 32 : index
        %get3A_381 = tpu.vector_load %arg9[%get3A_379, %get3A_380] {strides = array<i32>} : memref<256x64xf32, #tpu.memory_space<vmem>>, vector<1x16xf32>,
        %get3A_382 = vector.shape_cast %get3A_381 : vector<1x16xf32> to vector<16xf32>
        %add3A_383 = arith.addf %get3A_376, %get3A_382 : vector<16xf32>
        %swap3A_384 = arith.index_cast %add3A_340 : i32 to index
        %swap3A_385 = arith.constant 32 : index
        %swap3A_386 = tpu.vector_load %arg10[%swap3A_384, %swap3A_385] {strides = array<i32>} : memref<128x64xf32, #tpu.memory_space<vmem>>, vector<1x16xf32>,
        %swap3A_387 = vector.shape_cast %swap3A_386 : vector<1x16xf32> to vector<16xf32>
        %swap3A_388 = vector.shape_cast %add3A_383 : vector<16xf32> to vector<1x16xf32>
        tpu.vector_store %arg10[%swap3A_384, %swap3A_385], %swap3A_388 {add = true, strides = array<i32>} : memref<128x64xf32, #tpu.memory_space<vmem>>, vector<1x16xf32>,
        %get3A_389 = arith.index_cast %add3A_340 : i32 to index
        %get3A_390 = arith.constant 48 : index
        %get3A_391 = tpu.vector_load %arg9[%get3A_389, %get3A_390] {strides = array<i32>} : memref<256x64xf32, #tpu.memory_space<vmem>>, vector<1x16xf32>,
        %get3A_392 = vector.shape_cast %get3A_391 : vector<1x16xf32> to vector<16xf32>
        %add3A_393 = arith.constant 128 : i32
        %add3A_394 = arith.addi %add3A_393, %add3A_340 : i32
        %get3A_395 = arith.index_cast %add3A_394 : i32 to index
        %get3A_396 = arith.constant 48 : index
        %get3A_397 = tpu.vector_load %arg9[%get3A_395, %get3A_396] {strides = array<i32>} : memref<256x64xf32, #tpu.memory_space<vmem>>, vector<1x16xf32>,
        %get3A_398 = vector.shape_cast %get3A_397 : vector<1x16xf32> to vector<16xf32>
        %add3A_399 = arith.addf %get3A_392, %get3A_398 : vector<16xf32>
        %swap3A_400 = arith.index_cast %add3A_340 : i32 to index
        %swap3A_401 = arith.constant 48 : index
        %swap3A_402 = tpu.vector_load %arg10[%swap3A_400, %swap3A_401] {strides = array<i32>} : memref<128x64xf32, #tpu.memory_space<vmem>>, vector<1x16xf32>,
        %swap3A_403 = vector.shape_cast %swap3A_402 : vector<1x16xf32> to vector<16xf32>
        %swap3A_404 = vector.shape_cast %add3A_399 : vector<16xf32> to vector<1x16xf32>
        tpu.vector_store %arg10[%swap3A_400, %swap3A_401], %swap3A_404 {add = true, strides = array<i32>} : memref<128x64xf32, #tpu.memory_space<vmem>>, vector<1x16xf32>,
        %mul3A_405 = arith.constant 8 : i32
        %mul3A_406 = arith.muli %scan3A_270, %mul3A_405 : i32
        %add3A_407 = arith.constant 2 : i32
        %add3A_408 = arith.addi %mul3A_406, %add3A_407 : i32
        %get3A_409 = arith.index_cast %add3A_408 : i32 to index
        %get3A_410 = arith.constant 0 : index
        %get3A_411 = tpu.vector_load %arg9[%get3A_409, %get3A_410] {strides = array<i32>} : memref<256x64xf32, #tpu.memory_space<vmem>>, vector<1x16xf32>,
        %get3A_412 = vector.shape_cast %get3A_411 : vector<1x16xf32> to vector<16xf32>
        %add3A_413 = arith.constant 128 : i32
        %add3A_414 = arith.addi %add3A_413, %add3A_408 : i32
        %get3A_415 = arith.index_cast %add3A_414 : i32 to index
        %get3A_416 = arith.constant 0 : index
        %get3A_417 = tpu.vector_load %arg9[%get3A_415, %get3A_416] {strides = array<i32>} : memref<256x64xf32, #tpu.memory_space<vmem>>, vector<1x16xf32>,
        %get3A_418 = vector.shape_cast %get3A_417 : vector<1x16xf32> to vector<16xf32>
        %add3A_419 = arith.addf %get3A_412, %get3A_418 : vector<16xf32>
        %swap3A_420 = arith.index_cast %add3A_408 : i32 to index
        %swap3A_421 = arith.constant 0 : index
        %swap3A_422 = tpu.vector_load %arg10[%swap3A_420, %swap3A_421] {strides = array<i32>} : memref<128x64xf32, #tpu.memory_space<vmem>>, vector<1x16xf32>,
        %swap3A_423 = vector.shape_cast %swap3A_422 : vector<1x16xf32> to vector<16xf32>
        %swap3A_424 = vector.shape_cast %add3A_419 : vector<16xf32> to vector<1x16xf32>
        tpu.vector_store %arg10[%swap3A_420, %swap3A_421], %swap3A_424 {add = true, strides = array<i32>} : memref<128x64xf32, #tpu.memory_space<vmem>>, vector<1x16xf32>,
        %get3A_425 = arith.index_cast %add3A_408 : i32 to index
        %get3A_426 = arith.constant 16 : index
        %get3A_427 = tpu.vector_load %arg9[%get3A_425, %get3A_426] {strides = array<i32>} : memref<256x64xf32, #tpu.memory_space<vmem>>, vector<1x16xf32>,
        %get3A_428 = vector.shape_cast %get3A_427 : vector<1x16xf32> to vector<16xf32>
        %add3A_429 = arith.constant 128 : i32
        %add3A_430 = arith.addi %add3A_429, %add3A_408 : i32
        %get3A_431 = arith.index_cast %add3A_430 : i32 to index
        %get3A_432 = arith.constant 16 : index
        %get3A_433 = tpu.vector_load %arg9[%get3A_431, %get3A_432] {strides = array<i32>} : memref<256x64xf32, #tpu.memory_space<vmem>>, vector<1x16xf32>,
        %get3A_434 = vector.shape_cast %get3A_433 : vector<1x16xf32> to vector<16xf32>
        %add3A_435 = arith.addf %get3A_428, %get3A_434 : vector<16xf32>
        %swap3A_436 = arith.index_cast %add3A_408 : i32 to index
        %swap3A_437 = arith.constant 16 : index
        %swap3A_438 = tpu.vector_load %arg10[%swap3A_436, %swap3A_437] {strides = array<i32>} : memref<128x64xf32, #tpu.memory_space<vmem>>, vector<1x16xf32>,
        %swap3A_439 = vector.shape_cast %swap3A_438 : vector<1x16xf32> to vector<16xf32>
        %swap3A_440 = vector.shape_cast %add3A_435 : vector<16xf32> to vector<1x16xf32>
        tpu.vector_store %arg10[%swap3A_436, %swap3A_437], %swap3A_440 {add = true, strides = array<i32>} : memref<128x64xf32, #tpu.memory_space<vmem>>, vector<1x16xf32>,
        %get3A_441 = arith.index_cast %add3A_408 : i32 to index
        %get3A_442 = arith.constant 32 : index
        %get3A_443 = tpu.vector_load %arg9[%get3A_441, %get3A_442] {strides = array<i32>} : memref<256x64xf32, #tpu.memory_space<vmem>>, vector<1x16xf32>,
        %get3A_444 = vector.shape_cast %get3A_443 : vector<1x16xf32> to vector<16xf32>
        %add3A_445 = arith.constant 128 : i32
        %add3A_446 = arith.addi %add3A_445, %add3A_408 : i32
        %get3A_447 = arith.index_cast %add3A_446 : i32 to index
        %get3A_448 = arith.constant 32 : index
        %get3A_449 = tpu.vector_load %arg9[%get3A_447, %get3A_448] {strides = array<i32>} : memref<256x64xf32, #tpu.memory_space<vmem>>, vector<1x16xf32>,
        %get3A_450 = vector.shape_cast %get3A_449 : vector<1x16xf32> to vector<16xf32>
        %add3A_451 = arith.addf %get3A_444, %get3A_450 : vector<16xf32>
        %swap3A_452 = arith.index_cast %add3A_408 : i32 to index
        %swap3A_453 = arith.constant 32 : index
        %swap3A_454 = tpu.vector_load %arg10[%swap3A_452, %swap3A_453] {strides = array<i32>} : memref<128x64xf32, #tpu.memory_space<vmem>>, vector<1x16xf32>,
        %swap3A_455 = vector.shape_cast %swap3A_454 : vector<1x16xf32> to vector<16xf32>
        %swap3A_456 = vector.shape_cast %add3A_451 : vector<16xf32> to vector<1x16xf32>
        tpu.vector_store %arg10[%swap3A_452, %swap3A_453], %swap3A_456 {add = true, strides = array<i32>} : memref<128x64xf32, #tpu.memory_space<vmem>>, vector<1x16xf32>,
        %get3A_457 = arith.index_cast %add3A_408 : i32 to index
        %get3A_458 = arith.constant 48 : index
        %get3A_459 = tpu.vector_load %arg9[%get3A_457, %get3A_458] {strides = array<i32>} : memref<256x64xf32, #tpu.memory_space<vmem>>, vector<1x16xf32>,
        %get3A_460 = vector.shape_cast %get3A_459 : vector<1x16xf32> to vector<16xf32>
        %add3A_461 = arith.constant 128 : i32
        %add3A_462 = arith.addi %add3A_461, %add3A_408 : i32
        %get3A_463 = arith.index_cast %add3A_462 : i32 to index
        %get3A_464 = arith.constant 48 : index
        %get3A_465 = tpu.vector_load %arg9[%get3A_463, %get3A_464] {strides = array<i32>} : memref<256x64xf32, #tpu.memory_space<vmem>>, vector<1x16xf32>,
        %get3A_466 = vector.shape_cast %get3A_465 : vector<1x16xf32> to vector<16xf32>
        %add3A_467 = arith.addf %get3A_460, %get3A_466 : vector<16xf32>
        %swap3A_468 = arith.index_cast %add3A_408 : i32 to index
        %swap3A_469 = arith.constant 48 : index
        %swap3A_470 = tpu.vector_load %arg10[%swap3A_468, %swap3A_469] {strides = array<i32>} : memref<128x64xf32, #tpu.memory_space<vmem>>, vector<1x16xf32>,
        %swap3A_471 = vector.shape_cast %swap3A_470 : vector<1x16xf32> to vector<16xf32>
        %swap3A_472 = vector.shape_cast %add3A_467 : vector<16xf32> to vector<1x16xf32>
        tpu.vector_store %arg10[%swap3A_468, %swap3A_469], %swap3A_472 {add = true, strides = array<i32>} : memref<128x64xf32, #tpu.memory_space<vmem>>, vector<1x16xf32>,
        %mul3A_473 = arith.constant 8 : i32
        %mul3A_474 = arith.muli %scan3A_270, %mul3A_473 : i32
        %add3A_475 = arith.constant 3 : i32
        %add3A_476 = arith.addi %mul3A_474, %add3A_475 : i32
        %get3A_477 = arith.index_cast %add3A_476 : i32 to index
        %get3A_478 = arith.constant 0 : index
        %get3A_479 = tpu.vector_load %arg9[%get3A_477, %get3A_478] {strides = array<i32>} : memref<256x64xf32, #tpu.memory_space<vmem>>, vector<1x16xf32>,
        %get3A_480 = vector.shape_cast %get3A_479 : vector<1x16xf32> to vector<16xf32>
        %add3A_481 = arith.constant 128 : i32
        %add3A_482 = arith.addi %add3A_481, %add3A_476 : i32
        %get3A_483 = arith.index_cast %add3A_482 : i32 to index
        %get3A_484 = arith.constant 0 : index
        %get3A_485 = tpu.vector_load %arg9[%get3A_483, %get3A_484] {strides = array<i32>} : memref<256x64xf32, #tpu.memory_space<vmem>>, vector<1x16xf32>,
        %get3A_486 = vector.shape_cast %get3A_485 : vector<1x16xf32> to vector<16xf32>
        %add3A_487 = arith.addf %get3A_480, %get3A_486 : vector<16xf32>
        %swap3A_488 = arith.index_cast %add3A_476 : i32 to index
        %swap3A_489 = arith.constant 0 : index
        %swap3A_490 = tpu.vector_load %arg10[%swap3A_488, %swap3A_489] {strides = array<i32>} : memref<128x64xf32, #tpu.memory_space<vmem>>, vector<1x16xf32>,
        %swap3A_491 = vector.shape_cast %swap3A_490 : vector<1x16xf32> to vector<16xf32>
        %swap3A_492 = vector.shape_cast %add3A_487 : vector<16xf32> to vector<1x16xf32>
        tpu.vector_store %arg10[%swap3A_488, %swap3A_489], %swap3A_492 {add = true, strides = array<i32>} : memref<128x64xf32, #tpu.memory_space<vmem>>, vector<1x16xf32>,
        %get3A_493 = arith.index_cast %add3A_476 : i32 to index
        %get3A_494 = arith.constant 16 : index
        %get3A_495 = tpu.vector_load %arg9[%get3A_493, %get3A_494] {strides = array<i32>} : memref<256x64xf32, #tpu.memory_space<vmem>>, vector<1x16xf32>,
        %get3A_496 = vector.shape_cast %get3A_495 : vector<1x16xf32> to vector<16xf32>
        %add3A_497 = arith.constant 128 : i32
        %add3A_498 = arith.addi %add3A_497, %add3A_476 : i32
        %get3A_499 = arith.index_cast %add3A_498 : i32 to index
        %get3A_500 = arith.constant 16 : index
        %get3A_501 = tpu.vector_load %arg9[%get3A_499, %get3A_500] {strides = array<i32>} : memref<256x64xf32, #tpu.memory_space<vmem>>, vector<1x16xf32>,
        %get3A_502 = vector.shape_cast %get3A_501 : vector<1x16xf32> to vector<16xf32>
        %add3A_503 = arith.addf %get3A_496, %get3A_502 : vector<16xf32>
        %swap3A_504 = arith.index_cast %add3A_476 : i32 to index
        %swap3A_505 = arith.constant 16 : index
        %swap3A_506 = tpu.vector_load %arg10[%swap3A_504, %swap3A_505] {strides = array<i32>} : memref<128x64xf32, #tpu.memory_space<vmem>>, vector<1x16xf32>,
        %swap3A_507 = vector.shape_cast %swap3A_506 : vector<1x16xf32> to vector<16xf32>
        %swap3A_508 = vector.shape_cast %add3A_503 : vector<16xf32> to vector<1x16xf32>
        tpu.vector_store %arg10[%swap3A_504, %swap3A_505], %swap3A_508 {add = true, strides = array<i32>} : memref<128x64xf32, #tpu.memory_space<vmem>>, vector<1x16xf32>,
        %get3A_509 = arith.index_cast %add3A_476 : i32 to index
        %get3A_510 = arith.constant 32 : index
        %get3A_511 = tpu.vector_load %arg9[%get3A_509, %get3A_510] {strides = array<i32>} : memref<256x64xf32, #tpu.memory_space<vmem>>, vector<1x16xf32>,
        %get3A_512 = vector.shape_cast %get3A_511 : vector<1x16xf32> to vector<16xf32>
        %add3A_513 = arith.constant 128 : i32
        %add3A_514 = arith.addi %add3A_513, %add3A_476 : i32
        %get3A_515 = arith.index_cast %add3A_514 : i32 to index
        %get3A_516 = arith.constant 32 : index
        %get3A_517 = tpu.vector_load %arg9[%get3A_515, %get3A_516] {strides = array<i32>} : memref<256x64xf32, #tpu.memory_space<vmem>>, vector<1x16xf32>,
        %get3A_518 = vector.shape_cast %get3A_517 : vector<1x16xf32> to vector<16xf32>
        %add3A_519 = arith.addf %get3A_512, %get3A_518 : vector<16xf32>
        %swap3A_520 = arith.index_cast %add3A_476 : i32 to index
        %swap3A_521 = arith.constant 32 : index
        %swap3A_522 = tpu.vector_load %arg10[%swap3A_520, %swap3A_521] {strides = array<i32>} : memref<128x64xf32, #tpu.memory_space<vmem>>, vector<1x16xf32>,
        %swap3A_523 = vector.shape_cast %swap3A_522 : vector<1x16xf32> to vector<16xf32>
        %swap3A_524 = vector.shape_cast %add3A_519 : vector<16xf32> to vector<1x16xf32>
        tpu.vector_store %arg10[%swap3A_520, %swap3A_521], %swap3A_524 {add = true, strides = array<i32>} : memref<128x64xf32, #tpu.memory_space<vmem>>, vector<1x16xf32>,
        %get3A_525 = arith.index_cast %add3A_476 : i32 to index
        %get3A_526 = arith.constant 48 : index
        %get3A_527 = tpu.vector_load %arg9[%get3A_525, %get3A_526] {strides = array<i32>} : memref<256x64xf32, #tpu.memory_space<vmem>>, vector<1x16xf32>,
        %get3A_528 = vector.shape_cast %get3A_527 : vector<1x16xf32> to vector<16xf32>
        %add3A_529 = arith.constant 128 : i32
        %add3A_530 = arith.addi %add3A_529, %add3A_476 : i32
        %get3A_531 = arith.index_cast %add3A_530 : i32 to index
        %get3A_532 = arith.constant 48 : index
        %get3A_533 = tpu.vector_load %arg9[%get3A_531, %get3A_532] {strides = array<i32>} : memref<256x64xf32, #tpu.memory_space<vmem>>, vector<1x16xf32>,
        %get3A_534 = vector.shape_cast %get3A_533 : vector<1x16xf32> to vector<16xf32>
        %add3A_535 = arith.addf %get3A_528, %get3A_534 : vector<16xf32>
        %swap3A_536 = arith.index_cast %add3A_476 : i32 to index
        %swap3A_537 = arith.constant 48 : index
        %swap3A_538 = tpu.vector_load %arg10[%swap3A_536, %swap3A_537] {strides = array<i32>} : memref<128x64xf32, #tpu.memory_space<vmem>>, vector<1x16xf32>,
        %swap3A_539 = vector.shape_cast %swap3A_538 : vector<1x16xf32> to vector<16xf32>
        %swap3A_540 = vector.shape_cast %add3A_535 : vector<16xf32> to vector<1x16xf32>
        tpu.vector_store %arg10[%swap3A_536, %swap3A_537], %swap3A_540 {add = true, strides = array<i32>} : memref<128x64xf32, #tpu.memory_space<vmem>>, vector<1x16xf32>,
        %mul3A_541 = arith.constant 8 : i32
        %mul3A_542 = arith.muli %scan3A_270, %mul3A_541 : i32
        %add3A_543 = arith.constant 4 : i32
        %add3A_544 = arith.addi %mul3A_542, %add3A_543 : i32
        %get3A_545 = arith.index_cast %add3A_544 : i32 to index
        %get3A_546 = arith.constant 0 : index
        %get3A_547 = tpu.vector_load %arg9[%get3A_545, %get3A_546] {strides = array<i32>} : memref<256x64xf32, #tpu.memory_space<vmem>>, vector<1x16xf32>,
        %get3A_548 = vector.shape_cast %get3A_547 : vector<1x16xf32> to vector<16xf32>
        %add3A_549 = arith.constant 128 : i32
        %add3A_550 = arith.addi %add3A_549, %add3A_544 : i32
        %get3A_551 = arith.index_cast %add3A_550 : i32 to index
        %get3A_552 = arith.constant 0 : index
        %get3A_553 = tpu.vector_load %arg9[%get3A_551, %get3A_552] {strides = array<i32>} : memref<256x64xf32, #tpu.memory_space<vmem>>, vector<1x16xf32>,
        %get3A_554 = vector.shape_cast %get3A_553 : vector<1x16xf32> to vector<16xf32>
        %add3A_555 = arith.addf %get3A_548, %get3A_554 : vector<16xf32>
        %swap3A_556 = arith.index_cast %add3A_544 : i32 to index
        %swap3A_557 = arith.constant 0 : index
        %swap3A_558 = tpu.vector_load %arg10[%swap3A_556, %swap3A_557] {strides = array<i32>} : memref<128x64xf32, #tpu.memory_space<vmem>>, vector<1x16xf32>,
        %swap3A_559 = vector.shape_cast %swap3A_558 : vector<1x16xf32> to vector<16xf32>
        %swap3A_560 = vector.shape_cast %add3A_555 : vector<16xf32> to vector<1x16xf32>
        tpu.vector_store %arg10[%swap3A_556, %swap3A_557], %swap3A_560 {add = true, strides = array<i32>} : memref<128x64xf32, #tpu.memory_space<vmem>>, vector<1x16xf32>,
        %get3A_561 = arith.index_cast %add3A_544 : i32 to index
        %get3A_562 = arith.constant 16 : index
        %get3A_563 = tpu.vector_load %arg9[%get3A_561, %get3A_562] {strides = array<i32>} : memref<256x64xf32, #tpu.memory_space<vmem>>, vector<1x16xf32>,
        %get3A_564 = vector.shape_cast %get3A_563 : vector<1x16xf32> to vector<16xf32>
        %add3A_565 = arith.constant 128 : i32
        %add3A_566 = arith.addi %add3A_565, %add3A_544 : i32
        %get3A_567 = arith.index_cast %add3A_566 : i32 to index
        %get3A_568 = arith.constant 16 : index
        %get3A_569 = tpu.vector_load %arg9[%get3A_567, %get3A_568] {strides = array<i32>} : memref<256x64xf32, #tpu.memory_space<vmem>>, vector<1x16xf32>,
        %get3A_570 = vector.shape_cast %get3A_569 : vector<1x16xf32> to vector<16xf32>
        %add3A_571 = arith.addf %get3A_564, %get3A_570 : vector<16xf32>
        %swap3A_572 = arith.index_cast %add3A_544 : i32 to index
        %swap3A_573 = arith.constant 16 : index
        %swap3A_574 = tpu.vector_load %arg10[%swap3A_572, %swap3A_573] {strides = array<i32>} : memref<128x64xf32, #tpu.memory_space<vmem>>, vector<1x16xf32>,
        %swap3A_575 = vector.shape_cast %swap3A_574 : vector<1x16xf32> to vector<16xf32>
        %swap3A_576 = vector.shape_cast %add3A_571 : vector<16xf32> to vector<1x16xf32>
        tpu.vector_store %arg10[%swap3A_572, %swap3A_573], %swap3A_576 {add = true, strides = array<i32>} : memref<128x64xf32, #tpu.memory_space<vmem>>, vector<1x16xf32>,
        %get3A_577 = arith.index_cast %add3A_544 : i32 to index
        %get3A_578 = arith.constant 32 : index
        %get3A_579 = tpu.vector_load %arg9[%get3A_577, %get3A_578] {strides = array<i32>} : memref<256x64xf32, #tpu.memory_space<vmem>>, vector<1x16xf32>,
        %get3A_580 = vector.shape_cast %get3A_579 : vector<1x16xf32> to vector<16xf32>
        %add3A_581 = arith.constant 128 : i32
        %add3A_582 = arith.addi %add3A_581, %add3A_544 : i32
        %get3A_583 = arith.index_cast %add3A_582 : i32 to index
        %get3A_584 = arith.constant 32 : index
        %get3A_585 = tpu.vector_load %arg9[%get3A_583, %get3A_584] {strides = array<i32>} : memref<256x64xf32, #tpu.memory_space<vmem>>, vector<1x16xf32>,
        %get3A_586 = vector.shape_cast %get3A_585 : vector<1x16xf32> to vector<16xf32>
        %add3A_587 = arith.addf %get3A_580, %get3A_586 : vector<16xf32>
        %swap3A_588 = arith.index_cast %add3A_544 : i32 to index
        %swap3A_589 = arith.constant 32 : index
        %swap3A_590 = tpu.vector_load %arg10[%swap3A_588, %swap3A_589] {strides = array<i32>} : memref<128x64xf32, #tpu.memory_space<vmem>>, vector<1x16xf32>,
        %swap3A_591 = vector.shape_cast %swap3A_590 : vector<1x16xf32> to vector<16xf32>
        %swap3A_592 = vector.shape_cast %add3A_587 : vector<16xf32> to vector<1x16xf32>
        tpu.vector_store %arg10[%swap3A_588, %swap3A_589], %swap3A_592 {add = true, strides = array<i32>} : memref<128x64xf32, #tpu.memory_space<vmem>>, vector<1x16xf32>,
        %get3A_593 = arith.index_cast %add3A_544 : i32 to index
        %get3A_594 = arith.constant 48 : index
        %get3A_595 = tpu.vector_load %arg9[%get3A_593, %get3A_594] {strides = array<i32>} : memref<256x64xf32, #tpu.memory_space<vmem>>, vector<1x16xf32>,
        %get3A_596 = vector.shape_cast %get3A_595 : vector<1x16xf32> to vector<16xf32>
        %add3A_597 = arith.constant 128 : i32
        %add3A_598 = arith.addi %add3A_597, %add3A_544 : i32
        %get3A_599 = arith.index_cast %add3A_598 : i32 to index
        %get3A_600 = arith.constant 48 : index
        %get3A_601 = tpu.vector_load %arg9[%get3A_599, %get3A_600] {strides = array<i32>} : memref<256x64xf32, #tpu.memory_space<vmem>>, vector<1x16xf32>,
        %get3A_602 = vector.shape_cast %get3A_601 : vector<1x16xf32> to vector<16xf32>
        %add3A_603 = arith.addf %get3A_596, %get3A_602 : vector<16xf32>
        %swap3A_604 = arith.index_cast %add3A_544 : i32 to index
        %swap3A_605 = arith.constant 48 : index
        %swap3A_606 = tpu.vector_load %arg10[%swap3A_604, %swap3A_605] {strides = array<i32>} : memref<128x64xf32, #tpu.memory_space<vmem>>, vector<1x16xf32>,
        %swap3A_607 = vector.shape_cast %swap3A_606 : vector<1x16xf32> to vector<16xf32>
        %swap3A_608 = vector.shape_cast %add3A_603 : vector<16xf32> to vector<1x16xf32>
        tpu.vector_store %arg10[%swap3A_604, %swap3A_605], %swap3A_608 {add = true, strides = array<i32>} : memref<128x64xf32, #tpu.memory_space<vmem>>, vector<1x16xf32>,
        %mul3A_609 = arith.constant 8 : i32
        %mul3A_610 = arith.muli %scan3A_270, %mul3A_609 : i32
        %add3A_611 = arith.constant 5 : i32
        %add3A_612 = arith.addi %mul3A_610, %add3A_611 : i32
        %get3A_613 = arith.index_cast %add3A_612 : i32 to index
        %get3A_614 = arith.constant 0 : index
        %get3A_615 = tpu.vector_load %arg9[%get3A_613, %get3A_614] {strides = array<i32>} : memref<256x64xf32, #tpu.memory_space<vmem>>, vector<1x16xf32>,
        %get3A_616 = vector.shape_cast %get3A_615 : vector<1x16xf32> to vector<16xf32>
        %add3A_617 = arith.constant 128 : i32
        %add3A_618 = arith.addi %add3A_617, %add3A_612 : i32
        %get3A_619 = arith.index_cast %add3A_618 : i32 to index
        %get3A_620 = arith.constant 0 : index
        %get3A_621 = tpu.vector_load %arg9[%get3A_619, %get3A_620] {strides = array<i32>} : memref<256x64xf32, #tpu.memory_space<vmem>>, vector<1x16xf32>,
        %get3A_622 = vector.shape_cast %get3A_621 : vector<1x16xf32> to vector<16xf32>
        %add3A_623 = arith.addf %get3A_616, %get3A_622 : vector<16xf32>
        %swap3A_624 = arith.index_cast %add3A_612 : i32 to index
        %swap3A_625 = arith.constant 0 : index
        %swap3A_626 = tpu.vector_load %arg10[%swap3A_624, %swap3A_625] {strides = array<i32>} : memref<128x64xf32, #tpu.memory_space<vmem>>, vector<1x16xf32>,
        %swap3A_627 = vector.shape_cast %swap3A_626 : vector<1x16xf32> to vector<16xf32>
        %swap3A_628 = vector.shape_cast %add3A_623 : vector<16xf32> to vector<1x16xf32>
        tpu.vector_store %arg10[%swap3A_624, %swap3A_625], %swap3A_628 {add = true, strides = array<i32>} : memref<128x64xf32, #tpu.memory_space<vmem>>, vector<1x16xf32>,
        %get3A_629 = arith.index_cast %add3A_612 : i32 to index
        %get3A_630 = arith.constant 16 : index
        %get3A_631 = tpu.vector_load %arg9[%get3A_629, %get3A_630] {strides = array<i32>} : memref<256x64xf32, #tpu.memory_space<vmem>>, vector<1x16xf32>,
        %get3A_632 = vector.shape_cast %get3A_631 : vector<1x16xf32> to vector<16xf32>
        %add3A_633 = arith.constant 128 : i32
        %add3A_634 = arith.addi %add3A_633, %add3A_612 : i32
        %get3A_635 = arith.index_cast %add3A_634 : i32 to index
        %get3A_636 = arith.constant 16 : index
        %get3A_637 = tpu.vector_load %arg9[%get3A_635, %get3A_636] {strides = array<i32>} : memref<256x64xf32, #tpu.memory_space<vmem>>, vector<1x16xf32>,
        %get3A_638 = vector.shape_cast %get3A_637 : vector<1x16xf32> to vector<16xf32>
        %add3A_639 = arith.addf %get3A_632, %get3A_638 : vector<16xf32>
        %swap3A_640 = arith.index_cast %add3A_612 : i32 to index
        %swap3A_641 = arith.constant 16 : index
        %swap3A_642 = tpu.vector_load %arg10[%swap3A_640, %swap3A_641] {strides = array<i32>} : memref<128x64xf32, #tpu.memory_space<vmem>>, vector<1x16xf32>,
        %swap3A_643 = vector.shape_cast %swap3A_642 : vector<1x16xf32> to vector<16xf32>
        %swap3A_644 = vector.shape_cast %add3A_639 : vector<16xf32> to vector<1x16xf32>
        tpu.vector_store %arg10[%swap3A_640, %swap3A_641], %swap3A_644 {add = true, strides = array<i32>} : memref<128x64xf32, #tpu.memory_space<vmem>>, vector<1x16xf32>,
        %get3A_645 = arith.index_cast %add3A_612 : i32 to index
        %get3A_646 = arith.constant 32 : index
        %get3A_647 = tpu.vector_load %arg9[%get3A_645, %get3A_646] {strides = array<i32>} : memref<256x64xf32, #tpu.memory_space<vmem>>, vector<1x16xf32>,
        %get3A_648 = vector.shape_cast %get3A_647 : vector<1x16xf32> to vector<16xf32>
        %add3A_649 = arith.constant 128 : i32
        %add3A_650 = arith.addi %add3A_649, %add3A_612 : i32
        %get3A_651 = arith.index_cast %add3A_650 : i32 to index
        %get3A_652 = arith.constant 32 : index
        %get3A_653 = tpu.vector_load %arg9[%get3A_651, %get3A_652] {strides = array<i32>} : memref<256x64xf32, #tpu.memory_space<vmem>>, vector<1x16xf32>,
        %get3A_654 = vector.shape_cast %get3A_653 : vector<1x16xf32> to vector<16xf32>
        %add3A_655 = arith.addf %get3A_648, %get3A_654 : vector<16xf32>
        %swap3A_656 = arith.index_cast %add3A_612 : i32 to index
        %swap3A_657 = arith.constant 32 : index
        %swap3A_658 = tpu.vector_load %arg10[%swap3A_656, %swap3A_657] {strides = array<i32>} : memref<128x64xf32, #tpu.memory_space<vmem>>, vector<1x16xf32>,
        %swap3A_659 = vector.shape_cast %swap3A_658 : vector<1x16xf32> to vector<16xf32>
        %swap3A_660 = vector.shape_cast %add3A_655 : vector<16xf32> to vector<1x16xf32>
        tpu.vector_store %arg10[%swap3A_656, %swap3A_657], %swap3A_660 {add = true, strides = array<i32>} : memref<128x64xf32, #tpu.memory_space<vmem>>, vector<1x16xf32>,
        %get3A_661 = arith.index_cast %add3A_612 : i32 to index
        %get3A_662 = arith.constant 48 : index
        %get3A_663 = tpu.vector_load %arg9[%get3A_661, %get3A_662] {strides = array<i32>} : memref<256x64xf32, #tpu.memory_space<vmem>>, vector<1x16xf32>,
        %get3A_664 = vector.shape_cast %get3A_663 : vector<1x16xf32> to vector<16xf32>
        %add3A_665 = arith.constant 128 : i32
        %add3A_666 = arith.addi %add3A_665, %add3A_612 : i32
        %get3A_667 = arith.index_cast %add3A_666 : i32 to index
        %get3A_668 = arith.constant 48 : index
        %get3A_669 = tpu.vector_load %arg9[%get3A_667, %get3A_668] {strides = array<i32>} : memref<256x64xf32, #tpu.memory_space<vmem>>, vector<1x16xf32>,
        %get3A_670 = vector.shape_cast %get3A_669 : vector<1x16xf32> to vector<16xf32>
        %add3A_671 = arith.addf %get3A_664, %get3A_670 : vector<16xf32>
        %swap3A_672 = arith.index_cast %add3A_612 : i32 to index
        %swap3A_673 = arith.constant 48 : index
        %swap3A_674 = tpu.vector_load %arg10[%swap3A_672, %swap3A_673] {strides = array<i32>} : memref<128x64xf32, #tpu.memory_space<vmem>>, vector<1x16xf32>,
        %swap3A_675 = vector.shape_cast %swap3A_674 : vector<1x16xf32> to vector<16xf32>
        %swap3A_676 = vector.shape_cast %add3A_671 : vector<16xf32> to vector<1x16xf32>
        tpu.vector_store %arg10[%swap3A_672, %swap3A_673], %swap3A_676 {add = true, strides = array<i32>} : memref<128x64xf32, #tpu.memory_space<vmem>>, vector<1x16xf32>,
        %mul3A_677 = arith.constant 8 : i32
        %mul3A_678 = arith.muli %scan3A_270, %mul3A_677 : i32
        %add3A_679 = arith.constant 6 : i32
        %add3A_680 = arith.addi %mul3A_678, %add3A_679 : i32
        %get3A_681 = arith.index_cast %add3A_680 : i32 to index
        %get3A_682 = arith.constant 0 : index
        %get3A_683 = tpu.vector_load %arg9[%get3A_681, %get3A_682] {strides = array<i32>} : memref<256x64xf32, #tpu.memory_space<vmem>>, vector<1x16xf32>,
        %get3A_684 = vector.shape_cast %get3A_683 : vector<1x16xf32> to vector<16xf32>
        %add3A_685 = arith.constant 128 : i32
        %add3A_686 = arith.addi %add3A_685, %add3A_680 : i32
        %get3A_687 = arith.index_cast %add3A_686 : i32 to index
        %get3A_688 = arith.constant 0 : index
        %get3A_689 = tpu.vector_load %arg9[%get3A_687, %get3A_688] {strides = array<i32>} : memref<256x64xf32, #tpu.memory_space<vmem>>, vector<1x16xf32>,
        %get3A_690 = vector.shape_cast %get3A_689 : vector<1x16xf32> to vector<16xf32>
        %add3A_691 = arith.addf %get3A_684, %get3A_690 : vector<16xf32>
        %swap3A_692 = arith.index_cast %add3A_680 : i32 to index
        %swap3A_693 = arith.constant 0 : index
        %swap3A_694 = tpu.vector_load %arg10[%swap3A_692, %swap3A_693] {strides = array<i32>} : memref<128x64xf32, #tpu.memory_space<vmem>>, vector<1x16xf32>,
        %swap3A_695 = vector.shape_cast %swap3A_694 : vector<1x16xf32> to vector<16xf32>
        %swap3A_696 = vector.shape_cast %add3A_691 : vector<16xf32> to vector<1x16xf32>
        tpu.vector_store %arg10[%swap3A_692, %swap3A_693], %swap3A_696 {add = true, strides = array<i32>} : memref<128x64xf32, #tpu.memory_space<vmem>>, vector<1x16xf32>,
        %get3A_697 = arith.index_cast %add3A_680 : i32 to index
        %get3A_698 = arith.constant 16 : index
        %get3A_699 = tpu.vector_load %arg9[%get3A_697, %get3A_698] {strides = array<i32>} : memref<256x64xf32, #tpu.memory_space<vmem>>, vector<1x16xf32>,
        %get3A_700 = vector.shape_cast %get3A_699 : vector<1x16xf32> to vector<16xf32>
        %add3A_701 = arith.constant 128 : i32
        %add3A_702 = arith.addi %add3A_701, %add3A_680 : i32
        %get3A_703 = arith.index_cast %add3A_702 : i32 to index
        %get3A_704 = arith.constant 16 : index
        %get3A_705 = tpu.vector_load %arg9[%get3A_703, %get3A_704] {strides = array<i32>} : memref<256x64xf32, #tpu.memory_space<vmem>>, vector<1x16xf32>,
        %get3A_706 = vector.shape_cast %get3A_705 : vector<1x16xf32> to vector<16xf32>
        %add3A_707 = arith.addf %get3A_700, %get3A_706 : vector<16xf32>
        %swap3A_708 = arith.index_cast %add3A_680 : i32 to index
        %swap3A_709 = arith.constant 16 : index
        %swap3A_710 = tpu.vector_load %arg10[%swap3A_708, %swap3A_709] {strides = array<i32>} : memref<128x64xf32, #tpu.memory_space<vmem>>, vector<1x16xf32>,
        %swap3A_711 = vector.shape_cast %swap3A_710 : vector<1x16xf32> to vector<16xf32>
        %swap3A_712 = vector.shape_cast %add3A_707 : vector<16xf32> to vector<1x16xf32>
        tpu.vector_store %arg10[%swap3A_708, %swap3A_709], %swap3A_712 {add = true, strides = array<i32>} : memref<128x64xf32, #tpu.memory_space<vmem>>, vector<1x16xf32>,
        %get3A_713 = arith.index_cast %add3A_680 : i32 to index
        %get3A_714 = arith.constant 32 : index
        %get3A_715 = tpu.vector_load %arg9[%get3A_713, %get3A_714] {strides = array<i32>} : memref<256x64xf32, #tpu.memory_space<vmem>>, vector<1x16xf32>,
        %get3A_716 = vector.shape_cast %get3A_715 : vector<1x16xf32> to vector<16xf32>
        %add3A_717 = arith.constant 128 : i32
        %add3A_718 = arith.addi %add3A_717, %add3A_680 : i32
        %get3A_719 = arith.index_cast %add3A_718 : i32 to index
        %get3A_720 = arith.constant 32 : index
        %get3A_721 = tpu.vector_load %arg9[%get3A_719, %get3A_720] {strides = array<i32>} : memref<256x64xf32, #tpu.memory_space<vmem>>, vector<1x16xf32>,
        %get3A_722 = vector.shape_cast %get3A_721 : vector<1x16xf32> to vector<16xf32>
        %add3A_723 = arith.addf %get3A_716, %get3A_722 : vector<16xf32>
        %swap3A_724 = arith.index_cast %add3A_680 : i32 to index
        %swap3A_725 = arith.constant 32 : index
        %swap3A_726 = tpu.vector_load %arg10[%swap3A_724, %swap3A_725] {strides = array<i32>} : memref<128x64xf32, #tpu.memory_space<vmem>>, vector<1x16xf32>,
        %swap3A_727 = vector.shape_cast %swap3A_726 : vector<1x16xf32> to vector<16xf32>
        %swap3A_728 = vector.shape_cast %add3A_723 : vector<16xf32> to vector<1x16xf32>
        tpu.vector_store %arg10[%swap3A_724, %swap3A_725], %swap3A_728 {add = true, strides = array<i32>} : memref<128x64xf32, #tpu.memory_space<vmem>>, vector<1x16xf32>,
        %get3A_729 = arith.index_cast %add3A_680 : i32 to index
        %get3A_730 = arith.constant 48 : index
        %get3A_731 = tpu.vector_load %arg9[%get3A_729, %get3A_730] {strides = array<i32>} : memref<256x64xf32, #tpu.memory_space<vmem>>, vector<1x16xf32>,
        %get3A_732 = vector.shape_cast %get3A_731 : vector<1x16xf32> to vector<16xf32>
        %add3A_733 = arith.constant 128 : i32
        %add3A_734 = arith.addi %add3A_733, %add3A_680 : i32
        %get3A_735 = arith.index_cast %add3A_734 : i32 to index
        %get3A_736 = arith.constant 48 : index
        %get3A_737 = tpu.vector_load %arg9[%get3A_735, %get3A_736] {strides = array<i32>} : memref<256x64xf32, #tpu.memory_space<vmem>>, vector<1x16xf32>,
        %get3A_738 = vector.shape_cast %get3A_737 : vector<1x16xf32> to vector<16xf32>
        %add3A_739 = arith.addf %get3A_732, %get3A_738 : vector<16xf32>
        %swap3A_740 = arith.index_cast %add3A_680 : i32 to index
        %swap3A_741 = arith.constant 48 : index
        %swap3A_742 = tpu.vector_load %arg10[%swap3A_740, %swap3A_741] {strides = array<i32>} : memref<128x64xf32, #tpu.memory_space<vmem>>, vector<1x16xf32>,
        %swap3A_743 = vector.shape_cast %swap3A_742 : vector<1x16xf32> to vector<16xf32>
        %swap3A_744 = vector.shape_cast %add3A_739 : vector<16xf32> to vector<1x16xf32>
        tpu.vector_store %arg10[%swap3A_740, %swap3A_741], %swap3A_744 {add = true, strides = array<i32>} : memref<128x64xf32, #tpu.memory_space<vmem>>, vector<1x16xf32>,
        %mul3A_745 = arith.constant 8 : i32
        %mul3A_746 = arith.muli %scan3A_270, %mul3A_745 : i32
        %add3A_747 = arith.constant 7 : i32
        %add3A_748 = arith.addi %mul3A_746, %add3A_747 : i32
        %get3A_749 = arith.index_cast %add3A_748 : i32 to index
        %get3A_750 = arith.constant 0 : index
        %get3A_751 = tpu.vector_load %arg9[%get3A_749, %get3A_750] {strides = array<i32>} : memref<256x64xf32, #tpu.memory_space<vmem>>, vector<1x16xf32>,
        %get3A_752 = vector.shape_cast %get3A_751 : vector<1x16xf32> to vector<16xf32>
        %add3A_753 = arith.constant 128 : i32
        %add3A_754 = arith.addi %add3A_753, %add3A_748 : i32
        %get3A_755 = arith.index_cast %add3A_754 : i32 to index
        %get3A_756 = arith.constant 0 : index
        %get3A_757 = tpu.vector_load %arg9[%get3A_755, %get3A_756] {strides = array<i32>} : memref<256x64xf32, #tpu.memory_space<vmem>>, vector<1x16xf32>,
        %get3A_758 = vector.shape_cast %get3A_757 : vector<1x16xf32> to vector<16xf32>
        %add3A_759 = arith.addf %get3A_752, %get3A_758 : vector<16xf32>
        %swap3A_760 = arith.index_cast %add3A_748 : i32 to index
        %swap3A_761 = arith.constant 0 : index
        %swap3A_762 = tpu.vector_load %arg10[%swap3A_760, %swap3A_761] {strides = array<i32>} : memref<128x64xf32, #tpu.memory_space<vmem>>, vector<1x16xf32>,
        %swap3A_763 = vector.shape_cast %swap3A_762 : vector<1x16xf32> to vector<16xf32>
        %swap3A_764 = vector.shape_cast %add3A_759 : vector<16xf32> to vector<1x16xf32>
        tpu.vector_store %arg10[%swap3A_760, %swap3A_761], %swap3A_764 {add = true, strides = array<i32>} : memref<128x64xf32, #tpu.memory_space<vmem>>, vector<1x16xf32>,
        %get3A_765 = arith.index_cast %add3A_748 : i32 to index
        %get3A_766 = arith.constant 16 : index
        %get3A_767 = tpu.vector_load %arg9[%get3A_765, %get3A_766] {strides = array<i32>} : memref<256x64xf32, #tpu.memory_space<vmem>>, vector<1x16xf32>,
        %get3A_768 = vector.shape_cast %get3A_767 : vector<1x16xf32> to vector<16xf32>
        %add3A_769 = arith.constant 128 : i32
        %add3A_770 = arith.addi %add3A_769, %add3A_748 : i32
        %get3A_771 = arith.index_cast %add3A_770 : i32 to index
        %get3A_772 = arith.constant 16 : index
        %get3A_773 = tpu.vector_load %arg9[%get3A_771, %get3A_772] {strides = array<i32>} : memref<256x64xf32, #tpu.memory_space<vmem>>, vector<1x16xf32>,
        %get3A_774 = vector.shape_cast %get3A_773 : vector<1x16xf32> to vector<16xf32>
        %add3A_775 = arith.addf %get3A_768, %get3A_774 : vector<16xf32>
        %swap3A_776 = arith.index_cast %add3A_748 : i32 to index
        %swap3A_777 = arith.constant 16 : index
        %swap3A_778 = tpu.vector_load %arg10[%swap3A_776, %swap3A_777] {strides = array<i32>} : memref<128x64xf32, #tpu.memory_space<vmem>>, vector<1x16xf32>,
        %swap3A_779 = vector.shape_cast %swap3A_778 : vector<1x16xf32> to vector<16xf32>
        %swap3A_780 = vector.shape_cast %add3A_775 : vector<16xf32> to vector<1x16xf32>
        tpu.vector_store %arg10[%swap3A_776, %swap3A_777], %swap3A_780 {add = true, strides = array<i32>} : memref<128x64xf32, #tpu.memory_space<vmem>>, vector<1x16xf32>,
        %get3A_781 = arith.index_cast %add3A_748 : i32 to index
        %get3A_782 = arith.constant 32 : index
        %get3A_783 = tpu.vector_load %arg9[%get3A_781, %get3A_782] {strides = array<i32>} : memref<256x64xf32, #tpu.memory_space<vmem>>, vector<1x16xf32>,
        %get3A_784 = vector.shape_cast %get3A_783 : vector<1x16xf32> to vector<16xf32>
        %add3A_785 = arith.constant 128 : i32
        %add3A_786 = arith.addi %add3A_785, %add3A_748 : i32
        %get3A_787 = arith.index_cast %add3A_786 : i32 to index
        %get3A_788 = arith.constant 32 : index
        %get3A_789 = tpu.vector_load %arg9[%get3A_787, %get3A_788] {strides = array<i32>} : memref<256x64xf32, #tpu.memory_space<vmem>>, vector<1x16xf32>,
        %get3A_790 = vector.shape_cast %get3A_789 : vector<1x16xf32> to vector<16xf32>
        %add3A_791 = arith.addf %get3A_784, %get3A_790 : vector<16xf32>
        %swap3A_792 = arith.index_cast %add3A_748 : i32 to index
        %swap3A_793 = arith.constant 32 : index
        %swap3A_794 = tpu.vector_load %arg10[%swap3A_792, %swap3A_793] {strides = array<i32>} : memref<128x64xf32, #tpu.memory_space<vmem>>, vector<1x16xf32>,
        %swap3A_795 = vector.shape_cast %swap3A_794 : vector<1x16xf32> to vector<16xf32>
        %swap3A_796 = vector.shape_cast %add3A_791 : vector<16xf32> to vector<1x16xf32>
        tpu.vector_store %arg10[%swap3A_792, %swap3A_793], %swap3A_796 {add = true, strides = array<i32>} : memref<128x64xf32, #tpu.memory_space<vmem>>, vector<1x16xf32>,
        %get3A_797 = arith.index_cast %add3A_748 : i32 to index
        %get3A_798 = arith.constant 48 : index
        %get3A_799 = tpu.vector_load %arg9[%get3A_797, %get3A_798] {strides = array<i32>} : memref<256x64xf32, #tpu.memory_space<vmem>>, vector<1x16xf32>,
        %get3A_800 = vector.shape_cast %get3A_799 : vector<1x16xf32> to vector<16xf32>
        %add3A_801 = arith.constant 128 : i32
        %add3A_802 = arith.addi %add3A_801, %add3A_748 : i32
        %get3A_803 = arith.index_cast %add3A_802 : i32 to index
        %get3A_804 = arith.constant 48 : index
        %get3A_805 = tpu.vector_load %arg9[%get3A_803, %get3A_804] {strides = array<i32>} : memref<256x64xf32, #tpu.memory_space<vmem>>, vector<1x16xf32>,
        %get3A_806 = vector.shape_cast %get3A_805 : vector<1x16xf32> to vector<16xf32>
        %add3A_807 = arith.addf %get3A_800, %get3A_806 : vector<16xf32>
        %swap3A_808 = arith.index_cast %add3A_748 : i32 to index
        %swap3A_809 = arith.constant 48 : index
        %swap3A_810 = tpu.vector_load %arg10[%swap3A_808, %swap3A_809] {strides = array<i32>} : memref<128x64xf32, #tpu.memory_space<vmem>>, vector<1x16xf32>,
        %swap3A_811 = vector.shape_cast %swap3A_810 : vector<1x16xf32> to vector<16xf32>
        %swap3A_812 = vector.shape_cast %add3A_807 : vector<16xf32> to vector<1x16xf32>
        tpu.vector_store %arg10[%swap3A_808, %swap3A_809], %swap3A_812 {add = true, strides = array<i32>} : memref<128x64xf32, #tpu.memory_space<vmem>>, vector<1x16xf32>,
      }
      %scan3A_262 = arith.constant 16 : i32
      %add3A_263 = arith.constant 4 : i32
      %add3A_264 = arith.addi %add3A_230, %add3A_263 : i32
      %lt3A_265 = arith.constant 100 : i32
      %lt3A_266 = arith.cmpi slt, %add3A_264, %lt3A_265 : i32
      %convert_element_type3A_267 = arith.extui %lt3A_266 : i1 to i32
      %cond3A_268 = arith.constant 0 : i32
      %cond3A_269 = arith.cmpi ne, %convert_element_type3A_267, %cond3A_268 : i32
      scf.if %cond3A_269 {
        %add3A_270 = arith.constant 4 : i32
        %add3A_271 = arith.addi %add3A_230, %add3A_270 : i32
        %mul3A_272 = arith.constant 2 : i32
        %mul3A_273 = arith.muli %mul3A_272, %add3A_271 : i32
        %add3A_274 = arith.constant 0 : i32
        %add3A_275 = arith.addi %mul3A_273, %add3A_274 : i32
        %dma_start3A_276 = arith.constant 0 : i32
        %dma_start3A_277 = arith.constant 0 : i32
        %dma_start3A_278 = tpu.memref_slice %arg9[%dma_start3A_276, %dma_start3A_277] : memref<256x64xf32, #tpu.memory_space<vmem>> -> memref<128x64xf32, #tpu.memory_space<vmem>>
        %dma_start3A_279 = arith.constant 0 : i32
        %dma_start3A_280 = tpu.memref_slice %arg5[%add3A_275, %dma_start3A_279] : memref<200x128xi32, #tpu.memory_space<vmem>> -> memref<1x128xi32, #tpu.memory_space<vmem>>
        %dma_start3A_281 = tpu.memref_squeeze %dma_start3A_280 : memref<1x128xi32, #tpu.memory_space<vmem>> -> memref<128xi32, #tpu.memory_space<vmem>>
        %dma_start3A_282 = arith.constant 0 : i32
        %dma_start3A_283 = arith.constant 0 : i32
        %dma_start3A_284 = tpu.memref_slice %arg3[%dma_start3A_282, %dma_start3A_283] : memref<1015808x64xf32, #tpu.memory_space<hbm>> -> memref<1015808x64xf32, #tpu.memory_space<hbm>>
        tpu.enqueue_indirect_dma source(%dma_start3A_284 : memref<1015808x64xf32, #tpu.memory_space<hbm>>) target(%dma_start3A_278 : memref<128x64xf32, #tpu.memory_space<vmem>>) offsets(%dma_start3A_281 : memref<128xi32, #tpu.memory_space<vmem>>) semaphore(%arg14 : memref<!tpu.dma_semaphore, #tpu.memory_space<semaphore_mem>>)
        %mul3A_285 = arith.constant 2 : i32
        %mul3A_286 = arith.muli %mul3A_285, %add3A_271 : i32
        %add3A_287 = arith.constant 1 : i32
        %add3A_288 = arith.addi %mul3A_286, %add3A_287 : i32
        %dma_start3A_289 = arith.constant 128 : i32
        %dma_start3A_290 = arith.constant 0 : i32
        %dma_start3A_291 = tpu.memref_slice %arg9[%dma_start3A_289, %dma_start3A_290] : memref<256x64xf32, #tpu.memory_space<vmem>> -> memref<128x64xf32, #tpu.memory_space<vmem>>
        %dma_start3A_292 = arith.constant 0 : i32
        %dma_start3A_293 = tpu.memref_slice %arg5[%add3A_288, %dma_start3A_292] : memref<200x128xi32, #tpu.memory_space<vmem>> -> memref<1x128xi32, #tpu.memory_space<vmem>>
        %dma_start3A_294 = tpu.memref_squeeze %dma_start3A_293 : memref<1x128xi32, #tpu.memory_space<vmem>> -> memref<128xi32, #tpu.memory_space<vmem>>
        %dma_start3A_295 = arith.constant 0 : i32
        %dma_start3A_296 = arith.constant 0 : i32
        %dma_start3A_297 = tpu.memref_slice %arg3[%dma_start3A_295, %dma_start3A_296] : memref<1015808x64xf32, #tpu.memory_space<hbm>> -> memref<1015808x64xf32, #tpu.memory_space<hbm>>
        tpu.enqueue_indirect_dma source(%dma_start3A_297 : memref<1015808x64xf32, #tpu.memory_space<hbm>>) target(%dma_start3A_291 : memref<128x64xf32, #tpu.memory_space<vmem>>) offsets(%dma_start3A_294 : memref<128xi32, #tpu.memory_space<vmem>>) semaphore(%arg14 : memref<!tpu.dma_semaphore, #tpu.memory_space<semaphore_mem>>)
      } else {
      }
    }
    %scan3A_91 = arith.constant 25 : i32
    %scan3A_92 = arith.constant 0 : i32
    %scan3A_93 = arith.constant 5.000000e-03 : f32
    %scan3A_94 = arith.constant 0 : i32
    %scan3A_95 = arith.constant 128 : i32
    %scan3A_96 = arith.addi %scan3A_94, %scan3A_95 : i32
    %scan3A_97 = arith.constant 1 : i32
    scf.for %scan3A_101 = %scan3A_94 to %scan3A_96 step %scan3A_97  : i32 {
      %get3A = arith.index_cast %scan3A_101 : i32 to index
      %get3A_102 = arith.constant 0 : index
      %get3A_103 = tpu.vector_load %arg10[%get3A, %get3A_102] {strides = array<i32>} : memref<128x64xf32, #tpu.memory_space<vmem>>, vector<1x16xf32>,
      %get3A_104 = vector.shape_cast %get3A_103 : vector<1x16xf32> to vector<16xf32>
      %mul3A_105 = vector.broadcast %scan3A_93 : f32 to vector<16xf32>
      %mul3A_106 = arith.mulf %get3A_104, %mul3A_105 : vector<16xf32>
      %swap3A = arith.index_cast %scan3A_101 : i32 to index
      %swap3A_107 = arith.constant 0 : index
      %swap3A_108 = tpu.vector_load %arg10[%swap3A, %swap3A_107] {strides = array<i32>} : memref<128x64xf32, #tpu.memory_space<vmem>>, vector<1x16xf32>,
      %swap3A_109 = vector.shape_cast %swap3A_108 : vector<1x16xf32> to vector<16xf32>
      %swap3A_110 = vector.shape_cast %mul3A_106 : vector<16xf32> to vector<1x16xf32>
      tpu.vector_store %arg10[%swap3A, %swap3A_107], %swap3A_110 {strides = array<i32>} : memref<128x64xf32, #tpu.memory_space<vmem>>, vector<1x16xf32>,
      %get3A_111 = arith.index_cast %scan3A_101 : i32 to index
      %get3A_112 = arith.constant 16 : index
      %get3A_113 = tpu.vector_load %arg10[%get3A_111, %get3A_112] {strides = array<i32>} : memref<128x64xf32, #tpu.memory_space<vmem>>, vector<1x16xf32>,
      %get3A_114 = vector.shape_cast %get3A_113 : vector<1x16xf32> to vector<16xf32>
      %mul3A_115 = vector.broadcast %scan3A_93 : f32 to vector<16xf32>
      %mul3A_116 = arith.mulf %get3A_114, %mul3A_115 : vector<16xf32>
      %swap3A_117 = arith.index_cast %scan3A_101 : i32 to index
      %swap3A_118 = arith.constant 16 : index
      %swap3A_119 = tpu.vector_load %arg10[%swap3A_117, %swap3A_118] {strides = array<i32>} : memref<128x64xf32, #tpu.memory_space<vmem>>, vector<1x16xf32>,
      %swap3A_120 = vector.shape_cast %swap3A_119 : vector<1x16xf32> to vector<16xf32>
      %swap3A_121 = vector.shape_cast %mul3A_116 : vector<16xf32> to vector<1x16xf32>
      tpu.vector_store %arg10[%swap3A_117, %swap3A_118], %swap3A_121 {strides = array<i32>} : memref<128x64xf32, #tpu.memory_space<vmem>>, vector<1x16xf32>,
      %get3A_122 = arith.index_cast %scan3A_101 : i32 to index
      %get3A_123 = arith.constant 32 : index
      %get3A_124 = tpu.vector_load %arg10[%get3A_122, %get3A_123] {strides = array<i32>} : memref<128x64xf32, #tpu.memory_space<vmem>>, vector<1x16xf32>,
      %get3A_125 = vector.shape_cast %get3A_124 : vector<1x16xf32> to vector<16xf32>
      %mul3A_126 = vector.broadcast %scan3A_93 : f32 to vector<16xf32>
      %mul3A_127 = arith.mulf %get3A_125, %mul3A_126 : vector<16xf32>
      %swap3A_128 = arith.index_cast %scan3A_101 : i32 to index
      %swap3A_129 = arith.constant 32 : index
      %swap3A_130 = tpu.vector_load %arg10[%swap3A_128, %swap3A_129] {strides = array<i32>} : memref<128x64xf32, #tpu.memory_space<vmem>>, vector<1x16xf32>,
      %swap3A_131 = vector.shape_cast %swap3A_130 : vector<1x16xf32> to vector<16xf32>
      %swap3A_132 = vector.shape_cast %mul3A_127 : vector<16xf32> to vector<1x16xf32>
      tpu.vector_store %arg10[%swap3A_128, %swap3A_129], %swap3A_132 {strides = array<i32>} : memref<128x64xf32, #tpu.memory_space<vmem>>, vector<1x16xf32>,
      %get3A_133 = arith.index_cast %scan3A_101 : i32 to index
      %get3A_134 = arith.constant 48 : index
      %get3A_135 = tpu.vector_load %arg10[%get3A_133, %get3A_134] {strides = array<i32>} : memref<128x64xf32, #tpu.memory_space<vmem>>, vector<1x16xf32>,
      %get3A_136 = vector.shape_cast %get3A_135 : vector<1x16xf32> to vector<16xf32>
      %mul3A_137 = vector.broadcast %scan3A_93 : f32 to vector<16xf32>
      %mul3A_138 = arith.mulf %get3A_136, %mul3A_137 : vector<16xf32>
      %swap3A_139 = arith.index_cast %scan3A_101 : i32 to index
      %swap3A_140 = arith.constant 48 : index
      %swap3A_141 = tpu.vector_load %arg10[%swap3A_139, %swap3A_140] {strides = array<i32>} : memref<128x64xf32, #tpu.memory_space<vmem>>, vector<1x16xf32>,
      %swap3A_142 = vector.shape_cast %swap3A_141 : vector<1x16xf32> to vector<16xf32>
      %swap3A_143 = vector.shape_cast %mul3A_138 : vector<16xf32> to vector<1x16xf32>
      tpu.vector_store %arg10[%swap3A_139, %swap3A_140], %swap3A_143 {strides = array<i32>} : memref<128x64xf32, #tpu.memory_space<vmem>>, vector<1x16xf32>,
    }
    %scan3A_98 = arith.constant 128 : i32
    %mul3A_99 = arith.constant 128 : i32
    %mul3A_100 = arith.muli %add3A, %mul3A_99 : i32
    "tpu.region"() ({
      %run_scoped3A = tpu.sem_alloc : memref<!tpu.dma_semaphore, #tpu.memory_space<semaphore_mem>>
      %dma_start3A_101 = arith.constant 0 : i32
      %dma_start3A_102 = tpu.memref_slice %arg4[%mul3A_100, %dma_start3A_101] : memref<4096x64xf32, #tpu.memory_space<hbm>> -> memref<128x64xf32, #tpu.memory_space<hbm>>
      %dma_start3A_103 = arith.constant 0 : i32
      %dma_start3A_104 = tpu.memref_slice %arg4[%mul3A_100, %dma_start3A_103] : memref<4096x64xf32, #tpu.memory_space<hbm>> -> memref<128x64xf32, #tpu.memory_space<hbm>>
      tpu.enqueue_dma source(%arg10 : memref<128x64xf32, #tpu.memory_space<vmem>>) target(%dma_start3A_104 : memref<128x64xf32, #tpu.memory_space<hbm>>) target_semaphore(%run_scoped3A : memref<!tpu.dma_semaphore, #tpu.memory_space<semaphore_mem>>)
      %dma_wait3A = arith.constant 0 : i32
      %dma_wait3A_105 = tpu.memref_slice %arg4[%mul3A_100, %dma_wait3A] : memref<4096x64xf32, #tpu.memory_space<hbm>> -> memref<128x64xf32, #tpu.memory_space<hbm>>
      %dma_wait3A_106 = arith.constant 0 : i32
      %dma_wait3A_107 = tpu.memref_slice %arg4[%mul3A_100, %dma_wait3A_106] : memref<4096x64xf32, #tpu.memory_space<hbm>> -> memref<128x64xf32, #tpu.memory_space<hbm>>
      tpu.wait_dma2 semaphore(%run_scoped3A : memref<!tpu.dma_semaphore, #tpu.memory_space<semaphore_mem>>) src(%arg10 : memref<128x64xf32, #tpu.memory_space<vmem>>) dst(%dma_wait3A_107 : memref<128x64xf32, #tpu.memory_space<hbm>>)
      tpu.yield
    }) : () -> ()
    return
  }
}

</mosaic_0001>

<sc_bundles>
// kernel: _pool.3.cloned.1.call-start
scs
__scs_entry_jumppad:
0x0: {  	(pc) =	sbr.rel $0x88, $3  }
0x1: {  	(tag) =	ssettag $0x0;
	lr =	simm.s32 $0x1  }
0x2: {  	[smem:$0x3F9F] =	sst lr;
	_ =	strace $0xD0000000  }
0x3: {  	_ = 	snop  }
0x4: {  	_ = 	snop  }
0x5: {  	_ = 	snop  }
0x6: {  	_ = 	snop  }
0x7: {  	_ = 	snop  }
__scs_overlays_trampoline_lowered:
0x8: {  	[smem:$0x3FAE] =	sst s0  }
0x9: {  	[smem:$0x3FAF] =	sst s1  }
0xa: {  	[smem:$0x3FB0] =	sst s2  }
0xb: {  	[smem:$0x3FB1] =	sst s3  }
0xc: {  	[smem:$0x3FB2] =	sst s4  }
0xd: {  	[smem:$0x3FB3] =	sst s5  }
0xe: {  	[smem:$0x3FB4] =	sst s6  }
0xf: {  	[smem:$0x3FB5] =	sst s7  }
0x10: {  	[smem:$0x3FB6] =	sst s8  }
0x11: {  	[smem:$0x3FB7] =	sst s9;
	s0 =	simm.s32 @!p0 $0x0  }
0x12: {  	s1 =	sld [smem:$0x3F9D];
	s0 =	simm.s32 @p0 $0x1  }
0x13: {  	[smem:$0x3FB8] =	sst s0;
	s0 =	simm.s32 @!p1 $0x0  }
0x14: {  	s2 =	sld [smem:$0x3F9C];
	s0 =	simm.s32 @p1 $0x1  }
0x15: {  	[smem:$0x3FB9] =	sst s0;
	s0 =	simm.s32 @!p2 $0x0  }
0x16: {  	s3 =	sld [smem:$0x3FDB];
	s0 =	simm.s32 @p2 $0x1  }
0x17: {  	s4 =	simm.s32 $0x1BF5;
	[smem:$0x3FBB] =	sst s0  }
0x18: {  	s0 =	sld [smem:$0x3F9E];
	_ =	swait.ge [sflag:s4], $0x0  }
0x19: {  	s7 =	sld [smem:$0x3F9F]  }
0x1a: {  	s8 =	sadd.s32 $0xFFFFE003, lr  }
0x1b: {  	s9 =	sadd.s32 $0xFFFFFEF7, lr;
	s5 =	simm.s32 $0xFFFFFFFF;
	p2 =	slt.u32 s8, $0xFFFFF086  }
0x1c: {  	p1 =	slt.u32 s9, $0xF7A;
	s5 =	simm.s32 @!p2 $0x0  }
0x1d: {  	s5 =	simm.s32 @p1 $0x1;
	p0 =	seq.s32 s7, s2  }
0x1e: {  	s7 =	smul.u32 @!p0 $0xF7A, s2;
	p2 =	seq.s32 @!p0 s5, $0x0  }
0x1f: {  	s9 =	smul.u32 $0xF7A, s1;
	s8 =	simm.s32 @!p0 $0x1BF5;
	p2 =	por !p2, p0  }
0x20: {  	[sflag:s8] =	ssyncset.s32 @!p0 $0xFFFFF086;
	s6 =	sadd.s32 @!p0 s3, s7;
	s7 =	simm.s32 @!p0 $0x108  }
0x21: {  	s3 =	sadd.s32 s3, s9;
	s6 =	sadd.s32 @!p0 $0x88, s6;
	s7 =	simm.s32 @p2 $0x1082  }
0x22: {  	[simem:s7], [sflag:s8] =	dma.local @!p0 [hbm:s6], $0xF7A  }
0x23: {  	s9 =	sor.u32 $0xD0000000, s2;
	s6 =	simm.s32 $0x108;
	_ =	swait.ge @!p0 [sflag:s8], $0x0  }
0x24: {  	s3 =	sadd.s32 $0x88, s3;
	s6 =	simm.s32 @!p1 $0x1082;
	[sflag:s4] =	ssyncset.s32 $0xFFFFF086  }
0x25: {  	[simem:s6], [sflag:s4] =	dma.local [hbm:s3], $0xF7A  }
0x26: {  	[smem:$0x3F9F] =	sst s1;
	(tag) =	ssettag s2;
	_ =	strace s9  }
0x27: {  	s1 =	sld [smem:$0x3FAF]  }
0x28: {  	s2 =	sld [smem:$0x3FB0]  }
0x29: {  	s4 =	sld [smem:$0x3FB2]  }
0x2a: {  	p0 =	seq.s32 s5, $0x0;
	s5 =	sld [smem:$0x3FB3]  }
0x2b: {  	s6 =	sld [smem:$0x3FB4]  }
0x2c: {  	s7 =	sld [smem:$0x3FB5]  }
0x2d: {  	s3 =	simm.s32 $0x108;
	s8 =	sld [smem:$0x3FB6]  }
0x2e: {  	s3 =	simm.s32 @!p0 $0x1082;
	s9 =	sld [smem:$0x3FB7]  }
0x2f: {  	lr =	sadd.s32 s0, s3;
	s0 =	sld [smem:$0x3FAE]  }
0x30: {  	s3 =	sld [smem:$0x3FB1]  }
0x31: {  	[smem:$0x3FBA] =	sst s10  }
0x32: {  	s10 =	sld [smem:$0x3FB8];
	_ =	sdelay $0x3  }
0x33: {  	p0 =	seq.s32 s10, $0x1;
	s10 =	sld [smem:$0x3FBA];
	_ =	sdelay $0x3  }
0x34: {  	[smem:$0x3FBA] =	sst s10  }
0x35: {  	s10 =	sld [smem:$0x3FB9];
	_ =	sdelay $0x3  }
0x36: {  	p1 =	seq.s32 s10, $0x1;
	s10 =	sld [smem:$0x3FBA];
	_ =	sdelay $0x3  }
0x37: {  	[smem:$0x3FBA] =	sst s10  }
0x38: {  	s10 =	sld [smem:$0x3FBB]  }
0x39: {  	_ = 	snop;
	(pc) =	sbr.ind lr, $3  }
0x3a: {  	_ = 	snop  }
0x3b: {  	_ = 	snop  }
0x3c: {  	p2 =	seq.s32 s10, $0x1;
	s10 =	sld [smem:$0x3FBA]  }
0x3d: {  	_ =	shalt  }
0x3e: {  	_ =	shalt  }
0x3f: {  	_ =	shalt  }
0x40: {  	_ =	shalt  }
0x41: {  	_ =	shalt  }
0x42: {  	_ =	shalt  }
0x43: {  	_ =	shalt  }
0x44: {  	_ =	shalt  }
0x45: {  	_ =	shalt  }
0x46: {  	_ =	shalt  }
0x47: {  	_ =	shalt  }
0x48: {  	_ =	shalt  }
0x49: {  	_ =	shalt  }
0x4a: {  	_ =	shalt  }
0x4b: {  	_ =	shalt  }
0x4c: {  	_ =	shalt  }
0x4d: {  	_ =	shalt  }
0x4e: {  	_ =	shalt  }
0x4f: {  	_ =	shalt  }
0x50: {  	_ =	shalt  }
0x51: {  	_ =	shalt  }
0x52: {  	_ =	shalt  }
0x53: {  	_ =	shalt  }
0x54: {  	_ =	shalt  }
0x55: {  	_ =	shalt  }
0x56: {  	_ =	shalt  }
0x57: {  	_ =	shalt  }
0x58: {  	_ =	shalt  }
0x59: {  	_ =	shalt  }
0x5a: {  	_ =	shalt  }
0x5b: {  	_ =	shalt  }
0x5c: {  	_ =	shalt  }
0x5d: {  	_ =	shalt  }
0x5e: {  	_ =	shalt  }
0x5f: {  	_ =	shalt  }
0x60: {  	_ =	shalt  }
0x61: {  	_ =	shalt  }
0x62: {  	_ =	shalt  }
0x63: {  	_ =	shalt  }
0x64: {  	_ =	shalt  }
0x65: {  	_ =	shalt  }
0x66: {  	_ =	shalt  }
0x67: {  	_ =	shalt  }
0x68: {  	_ =	shalt  }
0x69: {  	_ =	shalt  }
0x6a: {  	_ =	shalt  }
0x6b: {  	_ =	shalt  }
0x6c: {  	_ =	shalt  }
0x6d: {  	_ =	shalt  }
0x6e: {  	_ =	shalt  }
0x6f: {  	_ =	shalt  }
0x70: {  	_ =	shalt  }
0x71: {  	_ =	shalt  }
0x72: {  	_ =	shalt  }
0x73: {  	_ =	shalt  }
0x74: {  	_ =	shalt  }
0x75: {  	_ =	shalt  }
0x76: {  	_ =	shalt  }
0x77: {  	_ =	shalt  }
0x78: {  	_ =	shalt  }
0x79: {  	_ =	shalt  }
0x7a: {  	_ =	shalt  }
0x7b: {  	_ =	shalt  }
0x7c: {  	_ =	shalt  }
0x7d: {  	_ =	shalt  }
0x7e: {  	_ =	shalt  }
0x7f: {  	_ =	shalt  }
0x80: {  	_ =	shalt  }
0x81: {  	_ =	shalt  }
0x82: {  	_ =	shalt  }
0x83: {  	_ =	shalt  }
0x84: {  	_ =	shalt  }
0x85: {  	_ =	shalt  }
0x86: {  	_ =	shalt  }
0x87: {  	_ =	shalt  }
.Lfunc_end0:
.L_simem_size_0:
called_computation_lowered:
.L_overlay_start_0:
0x88: {  	s2 =	sld [smem:$0x3FD9]  }
0x89: {  	s3 =	sld [smem:$0x3FFE];
	_ =	sdelay $0x1  }
0x8a: {  	s1 =	srdreg.scid  }
0x8b: {  	s0 =	sand.u32 $0x1, s1  }
0x8c: {  	s17 =	sshll.u32 s0, $0xA;
	s2 =	sadd.s32 s3, s2  }
0x8d: {  	s2 =	sadd.s32 s2, s17  }
0x8e: {  	[smem:$0x3FC6] =	sst s2  }
0x8f: {  	_ = 	snop  }
0x90: {  	s2 =	sld [smem:$0x3FC9]  }
0x91: {  	s18 =	sld [smem:$0x3FD0];
	(tm) =	ssettm $0x1  }
0x92: {  	s4 =	sld [smem:$0x3FFB];
	_ =	sdelay $0x3  }
0x93: {  	_ =	strace s4  }
0x94: {  	s4 =	sld [smem:$0x3FFC];
	_ =	sdelay $0x3  }
0x95: {  	_ =	strace s4  }
0x96: {  	s4 =	sld [smem:$0x3FFD];
	_ =	sdelay $0x3  }
0x97: {  	_ =	strace s4  }
0x98: {  	_ =	strace $0x8FFFFFFF  }
0x99: {  	s19 =	sld [smem:$0x3FDB];
	_ =	sdelay $0x1  }
0x9a: {  	s5 =	simm.s32 $_scs_section_size  }
0x9b: {  	s6 =	simm.s32 $_size__tile_overlayer_lowered;
	s7 =	simm.s32 $_tile_overlayer_lowered  }
0x9c: {  	s22 =	simm.s32 $0x1BFF;
	s21 =	sshll.u32 s7, $0x1;
	s4 =	sadd.s32 s5, s19  }
0x9d: {  	s8 =	simm.s32 $0x0;
	s20 =	sshll.u32 s6, $0x1;
	s6 =	sadd.s32 s21, s4  }
0x9e: {  	[timem:s8], [sflag:s22] =	dma.local [hbm:s6], s20  }
0x9f: {  	_ =	swait.ge [sflag:s22], s20  }
0xa0: {  	s5 =	ssub.s32 $0x0, s20;
	[sflag:s22] =	ssyncset.done $0x0  }
0xa1: {  	[sflag:s22] =	ssyncadd.s32 s5;
	_ =	sdelay $0x1  }
0xa2: {  	s23 =	simm.s32 $0x1B8B  }
0xa3: {  	_ =	swait.ge [sflag:s23], $0x1  }
0xa4: {  	[sflag:s23] =	ssyncset.done $0x0  }
0xa5: {  	s25 =	simm.s32 $0x1B8E;
	s24 =	sld [smem:$0x3FFE];
	[sflag:s23] =	ssyncadd.s32 $0xFFFFFFFF  }
0xa6: {  	s26 =	simm.s32 $execute0_lowered;
	[smem:$0x3FD2] =	sst s25  }
0xa7: {  	s6 =	sshll.u32 s26, $0x1;
	_ =	strace $0x80000046;
	[dreg:$0x1] =	wrdreg $0xFFFFFFFF  }
0xa8: {  	s28 =	simm.s32 $_size_execute0_lowered;
	s4 =	sadd.s32 s4, s6;
	[dreg:$0x0] =	wrdreg $0x0  }
0xa9: {  	s6 =	sshll.u32 s28, $0x1;
	[dreg:$0x2] =	wrdreg s4  }
0xaa: {  	[dreg:$0x3] =	wrdreg s6  }
0xab: {  	[dreg:$0x4] =	wrdreg $0xC0  }
0xac: {  	_ =	task [dreg:s8], $0x5FFFF  }
0xad: {  	[dreg:$0x1] =	wrdreg $0xFFFFFFFF  }
0xae: {  	[dreg:$0x0] =	wrdreg $0x60  }
0xaf: {  	[dreg:$0x2] =	wrdreg s2  }
0xb0: {  	[dreg:$0x3] =	wrdreg s24  }
0xb1: {  	[dreg:$0x4] =	wrdreg s18  }
0xb2: {  	[dreg:$0x5] =	wrdreg $0x9  }
0xb3: {  	_ =	task.clear_ibuf [dreg:s8], $0x6FFFF;
	_ =	strace $0x90000046  }
0xb4: {  	s29 =	simm.s32 $0x9;
	_ =	strace $0x80000048  }
0xb5: {  	_ =	swait.ge [sflag:s29], $0x1  }
0xb6: {  	[sflag:s29] =	ssyncadd.s32 $0xFFFFFFFF  }
0xb7: {  	_ =	strace $0x90000048  }
0xb8: {  	_ =	sfence  }
0xb9: {  	s30 =	sld [smem:$0x0];
	_ =	sdelay $0x2  }
0xba: {  	s31 =	sshll.u32 s1, $0xD;
	s1 =	sshrl.u32 s1, $0x2  }
0xbb: {  	s3 =	sand.u32 $0x4000, s31;
	s1 =	sadd.s32 s1, s30  }
0xbc: {  	s0 =	sor.u32 s3, s0;
	s1 =	sshll.u32 s1, $0x11  }
0xbd: {  	s0 =	sor.u32 s1, s0  }
0xbe: {  	s0 =	sadd.s32 $0x8F2B, s0  }
0xbf: {  	[sflag:s0] =	ssyncadd.remote.s32 $0x1  }
0xc0: {  	_ =	sfence.sel $0xFFFF  }
0xc1: {  	[dreg:$0x0] =	wrdreg $0xFFFFFFFF;
	(pc) =	sbr.abs _section_cstart, $3  }
0xc2: {  	[dreg:$0x1] =	wrdreg $0xFFFFFFFF  }
0xc3: {  	_ =	task.clear_ibuf [dreg:s8], $0x2FFFF;
	_ =	strace $0x9FFFFFFF  }
0xc4: {  	(tm) =	ssettm $0x7FFFFFFF  }
0xc5: {  	_ =	shalt  }
tec
execute0_lowered:
.L_overlay_start_1:
0x0: {  	(tag) =	ssettag $0x1  }
0x1: {  	s0 =	rddreg [dreg:$0x0]  }
0x2: {  	s1 =	rddreg [dreg:$0x1]  }
0x3: {  	s2 =	srdreg.scid;
	s4 =	stileid.u32  }
0x4: {  	s5 =	rddreg [dreg:$0x2];
	s8 =	simm.s32 $0x80;
	s11 =	simm.s32 $0x100  }
0x5: {  	s12 =	simm.s32 $0xA400;
	s13 =	simm.s32 $0x180;
	s14 =	simm.s32 $0xC400  }
0x6: {  	s15 =	simm.s32 $0x200;
	s16 =	simm.s32 $0xE400;
	s17 =	simm.s32 $0x280  }
0x7: {  	s18 =	simm.s32 $0x10400;
	s19 =	simm.s32 $0x300;
	s20 =	simm.s32 $0x12400  }
0x8: {  	s21 =	simm.s32 $0x380;
	s22 =	simm.s32 $0x14400;
	s23 =	simm.s32 $0x1  }
0x9: {  	s24 =	simm.s32 $0x2;
	s25 =	simm.s32 $0x3;
	s28 =	simm.s32 $0x16400  }
0xa: {  	s3 =	sand.u32 $0x1, s2;
	s4 =	sshll.u32 s4, $0x1;
	s2 =	simm.s32 $0x0  }
0xb: {  	s29 =	simm.s32 $0x0;
	s6 =	sor.u32 s3, s4;
	[smem:$0x7FF] =	sst s2  }
0xc: {  	s26 =	ssub.s32 $0x2, s3;
	s3 =	sadd.s32 $0xF80400, s1;
	s7 =	smul.u32 $0xC80, s6  }
0xd: {  	_ =	strace $0x80000047;
	s30 =	sshrl.u32 s26, $0x1;
	s31 =	sshll.u32 s6, $0xA  }
0xe: {  	s1 =	ssub.s32 s26, s30;
	s5 =	sadd.s32 s5, s31;
	s26 =	simm.s32 $0x4  }
0xf: {  	v0 =	vimm.f32 $0.0e+00;
	s4 =	sadd.s32 s0, s7;
	s6 =	smax.u32 s1, $0x1;
	s7 =	simm.s32 $0x5  }
.LBB2_1:
0x10: {  	[tilespmem:s2], [sflag:$0x5] =	stream.linear.gather [hbm4b:s4+s2], $0x6400, $0x38;
	[tilespmem:$0x18400] =	vst v63  }
0x11: {  	_ =	swait.ge [sflag:s7], $0x6400  }
0x12: {  	[sflag:s7] =	ssyncset.done $0x0  }
0x13: {  	s1 =	simm.s32 $0x100;
	s0 =	simm.s32 $0x0;
	[sflag:s7] =	ssyncadd.s32 $0xFFFF9C00  }
.LBB2_2:
0x14: {  	p0 =	sne.s32 s1, $0x7F00;
	[tilespmem:s0+$0x16430] =	vst v0;
	s9 =	smov.u32 s1;
	s1 =	sadd.s32 $0x100, s1  }
.Ltmp0:
0x15: {  	[tilespmem:s0+$0x16420] =	vst v0;
	(pc) =	sbr.rel @p0 .LBB2_2-.Ltmp0, $3  }
0x16: {  	[tilespmem:s0+$0x16400] =	vst v0  }
0x17: {  	[tilespmem:s0+$0x16410] =	vst v0;
	_ =	sdelay $0x1  }
0x18: {  	s0 =	sshra.s32 s9, $0x2  }
0x19: {  	[tilespmem:s0+$0x16430] =	vst v0  }
0x1a: {  	[tilespmem:s0+$0x16420] =	vst v0  }
0x1b: {  	[tilespmem:s0+$0x16400] =	vst v0  }
0x1c: {  	[tilespmem:s0+$0x16410] =	vst v0;
	s30 =	simm.s32 $0x0;
	s10 =	simm.s32 $0x6400  }
0x1d: {  	[tilespmem:s10], [sflag:$0x1] =	stream.indirect.gather [hbm4b:s3+s8], $0x40, s30, s8, $0xb8;
	[tilespmem:$0x18400] =	vst v63  }
0x1e: {  	s31 =	simm.s32 $0x8400  }
0x1f: {  	[tilespmem:s31], [sflag:$0x1] =	stream.indirect.gather [hbm4b:s3+s8], $0x40, s8, s8, $0xb8;
	[tilespmem:$0x18400] =	vst v63  }
0x20: {  	_ = 	snop  }
0x21: {  	[tilespmem:s12], [sflag:$0x2] =	stream.indirect.gather [hbm4b:s3+s8], $0x40, s11, s8, $0xb8;
	[tilespmem:$0x18400] =	vst v63  }
0x22: {  	_ = 	snop  }
0x23: {  	[tilespmem:s14], [sflag:$0x2] =	stream.indirect.gather [hbm4b:s3+s8], $0x40, s13, s8, $0xb8;
	[tilespmem:$0x18400] =	vst v63  }
0x24: {  	_ = 	snop  }
0x25: {  	[tilespmem:s16], [sflag:$0x3] =	stream.indirect.gather [hbm4b:s3+s8], $0x40, s15, s8, $0xb8;
	[tilespmem:$0x18400] =	vst v63  }
0x26: {  	_ = 	snop  }
0x27: {  	[tilespmem:s18], [sflag:$0x3] =	stream.indirect.gather [hbm4b:s3+s8], $0x40, s17, s8, $0xb8;
	[tilespmem:$0x18400] =	vst v63  }
0x28: {  	_ = 	snop  }
0x29: {  	[tilespmem:s20], [sflag:$0x4] =	stream.indirect.gather [hbm4b:s3+s8], $0x40, s19, s8, $0xb8;
	[tilespmem:$0x18400] =	vst v63  }
0x2a: {  	_ = 	snop  }
0x2b: {  	[tilespmem:s22], [sflag:$0x4] =	stream.indirect.gather [hbm4b:s3+s8], $0x40, s21, s8, $0xb8;
	[tilespmem:$0x18400] =	vst v63  }
.LBB2_4:
0x2c: {  	_ =	swait.ge [sflag:s23], $0x2000  }
0x2d: {  	[sflag:s23] =	ssyncset.done $0x0  }
0x2e: {  	[sflag:s23] =	ssyncadd.s32 $0xFFFFE000  }
0x2f: {  	_ =	swait.ge [sflag:s23], $0x2000  }
0x30: {  	[sflag:s23] =	ssyncset.done $0x0  }
0x31: {  	s0 =	simm.s32 $0x0;
	[sflag:s23] =	ssyncadd.s32 $0xFFFFE000  }
0x32: {  	s1 =	simm.s32 $0x800;
	v1 =	vld [tilespmem:s0+$0x65F0]  }
.LBB2_5:
0x33: {  	p0 =	sne.s32 s1, $0x7800;
	v2 =	vld [tilespmem:s0+$0x85F0]  }
0x34: {  	v3 =	vld [tilespmem:s0+$0x6400]  }
0x35: {  	v4 =	vld [tilespmem:s0+$0x8400]  }
0x36: {  	v5 =	vld [tilespmem:s0+$0x6410]  }
0x37: {  	v6 =	vld [tilespmem:s0+$0x8410]  }
0x38: {  	v7 =	vld [tilespmem:s0+$0x6420];
	v2 =	vadd.f32 v2, v1  }
0x39: {  	v8 =	vld [tilespmem:s0+$0x8420]  }
0x3a: {  	v1 =	vadd.f32 v4, v3;
	[tilespmem:s0+$0x165F0] =	vst.add.f32.msk $0xffff, v2  }
0x3b: {  	v4 =	vld [tilespmem:s0+$0x6430]  }
0x3c: {  	v2 =	vadd.f32 v6, v5;
	v5 =	vld [tilespmem:s0+$0x8430]  }
0x3d: {  	v6 =	vld [tilespmem:s0+$0x6440]  }
0x3e: {  	v3 =	vadd.f32 v8, v7;
	v7 =	vld [tilespmem:s0+$0x8440]  }
0x3f: {  	v8 =	vld [tilespmem:s0+$0x6450]  }
0x40: {  	v9 =	vld [tilespmem:s0+$0x8450]  }
0x41: {  	v4 =	vadd.f32 v5, v4;
	v10 =	vld [tilespmem:s0+$0x6460]  }
0x42: {  	v11 =	vld [tilespmem:s0+$0x8460]  }
0x43: {  	v5 =	vadd.f32 v7, v6;
	v6 =	vld [tilespmem:s0+$0x6470]  }
0x44: {  	v7 =	vld [tilespmem:s0+$0x8470]  }
0x45: {  	v8 =	vadd.f32 v9, v8;
	v9 =	vld [tilespmem:s0+$0x6480]  }
0x46: {  	v12 =	vld [tilespmem:s0+$0x8480]  }
0x47: {  	v10 =	vadd.f32 v11, v10;
	v11 =	vld [tilespmem:s0+$0x6490]  }
0x48: {  	v13 =	vld [tilespmem:s0+$0x8490]  }
0x49: {  	v6 =	vadd.f32 v7, v6;
	v7 =	vld [tilespmem:s0+$0x64A0]  }
0x4a: {  	v14 =	vld [tilespmem:s0+$0x84A0]  }
0x4b: {  	v9 =	vadd.f32 v12, v9;
	v12 =	vld [tilespmem:s0+$0x64B0]  }
0x4c: {  	v15 =	vld [tilespmem:s0+$0x84B0]  }
0x4d: {  	v11 =	vadd.f32 v13, v11;
	v13 =	vld [tilespmem:s0+$0x64C0]  }
0x4e: {  	v16 =	vld [tilespmem:s0+$0x84C0]  }
0x4f: {  	v7 =	vadd.f32 v14, v7;
	v14 =	vld [tilespmem:s0+$0x64D0]  }
0x50: {  	v17 =	vld [tilespmem:s0+$0x84D0]  }
0x51: {  	v12 =	vadd.f32 v15, v12;
	v15 =	vld [tilespmem:s0+$0x64E0]  }
0x52: {  	v18 =	vld [tilespmem:s0+$0x84E0]  }
0x53: {  	v13 =	vadd.f32 v16, v13;
	v16 =	vld [tilespmem:s0+$0x64F0]  }
0x54: {  	v19 =	vld [tilespmem:s0+$0x84F0]  }
0x55: {  	v14 =	vadd.f32 v17, v14;
	v17 =	vld [tilespmem:s0+$0x6500]  }
0x56: {  	v20 =	vld [tilespmem:s0+$0x8500]  }
0x57: {  	v15 =	vadd.f32 v18, v15;
	v18 =	vld [tilespmem:s0+$0x6510]  }
0x58: {  	v21 =	vld [tilespmem:s0+$0x8510]  }
0x59: {  	v16 =	vadd.f32 v19, v16;
	v19 =	vld [tilespmem:s0+$0x6520]  }
0x5a: {  	v22 =	vld [tilespmem:s0+$0x8520]  }
0x5b: {  	v17 =	vadd.f32 v20, v17;
	v20 =	vld [tilespmem:s0+$0x6530]  }
0x5c: {  	v23 =	vld [tilespmem:s0+$0x8530]  }
0x5d: {  	v18 =	vadd.f32 v21, v18;
	v21 =	vld [tilespmem:s0+$0x6540]  }
0x5e: {  	v24 =	vld [tilespmem:s0+$0x8540]  }
0x5f: {  	v19 =	vadd.f32 v22, v19;
	v22 =	vld [tilespmem:s0+$0x6550]  }
0x60: {  	v25 =	vld [tilespmem:s0+$0x8550]  }
0x61: {  	v20 =	vadd.f32 v23, v20;
	v23 =	vld [tilespmem:s0+$0x6560]  }
0x62: {  	v26 =	vld [tilespmem:s0+$0x8560]  }
0x63: {  	v21 =	vadd.f32 v24, v21;
	v24 =	vld [tilespmem:s0+$0x6570]  }
0x64: {  	v27 =	vld [tilespmem:s0+$0x8570]  }
0x65: {  	v22 =	vadd.f32 v25, v22;
	v25 =	vld [tilespmem:s0+$0x6580]  }
0x66: {  	v28 =	vld [tilespmem:s0+$0x8580]  }
0x67: {  	v23 =	vadd.f32 v26, v23;
	v26 =	vld [tilespmem:s0+$0x6590]  }
0x68: {  	v29 =	vld [tilespmem:s0+$0x8590]  }
0x69: {  	v24 =	vadd.f32 v27, v24;
	v27 =	vld [tilespmem:s0+$0x65A0]  }
0x6a: {  	v30 =	vld [tilespmem:s0+$0x85A0]  }
0x6b: {  	v25 =	vadd.f32 v28, v25;
	v28 =	vld [tilespmem:s0+$0x65B0]  }
0x6c: {  	v31 =	vld [tilespmem:s0+$0x85B0]  }
0x6d: {  	v26 =	vadd.f32 v29, v26;
	v29 =	vld [tilespmem:s0+$0x65C0]  }
0x6e: {  	v32 =	vld [tilespmem:s0+$0x85C0]  }
0x6f: {  	v27 =	vadd.f32 v30, v27;
	v30 =	vld [tilespmem:s0+$0x65D0]  }
0x70: {  	v33 =	vld [tilespmem:s0+$0x85D0]  }
0x71: {  	v28 =	vadd.f32 v31, v28;
	v31 =	vld [tilespmem:s0+$0x65E0]  }
0x72: {  	v34 =	vld [tilespmem:s0+$0x85E0]  }
0x73: {  	[tilespmem:s0+$0x16400] =	vst.add.f32.msk $0xffff, v1;
	v1 =	vadd.f32 v32, v29  }
0x74: {  	[tilespmem:s0+$0x16410] =	vst.add.f32.msk $0xffff, v2  }
0x75: {  	[tilespmem:s0+$0x16420] =	vst.add.f32.msk $0xffff, v3;
	v2 =	vadd.f32 v33, v30  }
0x76: {  	[tilespmem:s0+$0x16430] =	vst.add.f32.msk $0xffff, v4  }
0x77: {  	[tilespmem:s0+$0x16440] =	vst.add.f32.msk $0xffff, v5;
	v3 =	vadd.f32 v34, v31  }
0x78: {  	[tilespmem:s0+$0x16450] =	vst.add.f32.msk $0xffff, v8  }
0x79: {  	[tilespmem:s0+$0x16460] =	vst.add.f32.msk $0xffff, v10  }
0x7a: {  	[tilespmem:s0+$0x16470] =	vst.add.f32.msk $0xffff, v6  }
0x7b: {  	[tilespmem:s0+$0x16480] =	vst.add.f32.msk $0xffff, v9  }
0x7c: {  	[tilespmem:s0+$0x16490] =	vst.add.f32.msk $0xffff, v11  }
0x7d: {  	[tilespmem:s0+$0x164A0] =	vst.add.f32.msk $0xffff, v7  }
0x7e: {  	[tilespmem:s0+$0x164B0] =	vst.add.f32.msk $0xffff, v12  }
0x7f: {  	[tilespmem:s0+$0x164C0] =	vst.add.f32.msk $0xffff, v13  }
0x80: {  	[tilespmem:s0+$0x164D0] =	vst.add.f32.msk $0xffff, v14  }
0x81: {  	[tilespmem:s0+$0x164E0] =	vst.add.f32.msk $0xffff, v15  }
0x82: {  	[tilespmem:s0+$0x164F0] =	vst.add.f32.msk $0xffff, v16  }
0x83: {  	[tilespmem:s0+$0x16500] =	vst.add.f32.msk $0xffff, v17  }
0x84: {  	[tilespmem:s0+$0x16510] =	vst.add.f32.msk $0xffff, v18  }
0x85: {  	[tilespmem:s0+$0x16520] =	vst.add.f32.msk $0xffff, v19  }
0x86: {  	[tilespmem:s0+$0x16530] =	vst.add.f32.msk $0xffff, v20  }
0x87: {  	[tilespmem:s0+$0x16540] =	vst.add.f32.msk $0xffff, v21  }
0x88: {  	[tilespmem:s0+$0x16550] =	vst.add.f32.msk $0xffff, v22  }
0x89: {  	[tilespmem:s0+$0x16560] =	vst.add.f32.msk $0xffff, v23  }
0x8a: {  	[tilespmem:s0+$0x16570] =	vst.add.f32.msk $0xffff, v24  }
0x8b: {  	[tilespmem:s0+$0x16580] =	vst.add.f32.msk $0xffff, v25  }
0x8c: {  	[tilespmem:s0+$0x16590] =	vst.add.f32.msk $0xffff, v26  }
0x8d: {  	[tilespmem:s0+$0x165A0] =	vst.add.f32.msk $0xffff, v27  }
.Ltmp1:
0x8e: {  	[tilespmem:s0+$0x165B0] =	vst.add.f32.msk $0xffff, v28;
	(pc) =	sbr.rel @p0 .LBB2_5-.Ltmp1, $4  }
0x8f: {  	[tilespmem:s0+$0x165C0] =	vst.add.f32.msk $0xffff, v1  }
0x90: {  	[tilespmem:s0+$0x165D0] =	vst.add.f32.msk $0xffff, v2  }
0x91: {  	[tilespmem:s0+$0x165E0] =	vst.add.f32.msk $0xffff, v3;
	s0 =	sshra.s32 s1, $0x2  }
0x92: {  	s1 =	sadd.s32 $0x800, s1;
	v1 =	vld [tilespmem:s0+$0x65F0]  }
0x93: {  	v2 =	vld [tilespmem:s0+$0x85F0]  }
0x94: {  	v3 =	vld [tilespmem:s0+$0x6400]  }
0x95: {  	v4 =	vld [tilespmem:s0+$0x8400]  }
0x96: {  	v5 =	vld [tilespmem:s0+$0x6410]  }
0x97: {  	v6 =	vld [tilespmem:s0+$0x8410]  }
0x98: {  	v7 =	vld [tilespmem:s0+$0x6420]  }
0x99: {  	v8 =	vld [tilespmem:s0+$0x8430]  }
0x9a: {  	v9 =	vld [tilespmem:s0+$0x6440]  }
0x9b: {  	v10 =	vld [tilespmem:s0+$0x8440]  }
0x9c: {  	v11 =	vld [tilespmem:s0+$0x6450]  }
0x9d: {  	v12 =	vld [tilespmem:s0+$0x8450]  }
0x9e: {  	v13 =	vld [tilespmem:s0+$0x6460]  }
0x9f: {  	v14 =	vld [tilespmem:s0+$0x8460]  }
0xa0: {  	v15 =	vld [tilespmem:s0+$0x6470]  }
0xa1: {  	v16 =	vld [tilespmem:s0+$0x8470]  }
0xa2: {  	v17 =	vld [tilespmem:s0+$0x6480]  }
0xa3: {  	v18 =	vld [tilespmem:s0+$0x8480]  }
0xa4: {  	v19 =	vld [tilespmem:s0+$0x6490]  }
0xa5: {  	v20 =	vld [tilespmem:s0+$0x8490]  }
0xa6: {  	v21 =	vld [tilespmem:s0+$0x64A0]  }
0xa7: {  	v22 =	vld [tilespmem:s0+$0x84A0]  }
0xa8: {  	v23 =	vld [tilespmem:s0+$0x64B0]  }
0xa9: {  	v24 =	vld [tilespmem:s0+$0x84B0]  }
0xaa: {  	v25 =	vld [tilespmem:s0+$0x64C0]  }
0xab: {  	v26 =	vld [tilespmem:s0+$0x84C0]  }
0xac: {  	v27 =	vld [tilespmem:s0+$0x64D0]  }
0xad: {  	v28 =	vld [tilespmem:s0+$0x84D0]  }
0xae: {  	v29 =	vld [tilespmem:s0+$0x64E0]  }
0xaf: {  	v30 =	vld [tilespmem:s0+$0x84E0]  }
0xb0: {  	v31 =	vld [tilespmem:s0+$0x64F0]  }
0xb1: {  	v32 =	vld [tilespmem:s0+$0x84F0]  }
0xb2: {  	v33 =	vld [tilespmem:s0+$0x6500]  }
0xb3: {  	v34 =	vld [tilespmem:s0+$0x8500]  }
0xb4: {  	v35 =	vld [tilespmem:s0+$0x6510]  }
0xb5: {  	v36 =	vld [tilespmem:s0+$0x8510]  }
0xb6: {  	v37 =	vld [tilespmem:s0+$0x6520]  }
0xb7: {  	v38 =	vld [tilespmem:s0+$0x8520]  }
0xb8: {  	v39 =	vld [tilespmem:s0+$0x6530]  }
0xb9: {  	v40 =	vld [tilespmem:s0+$0x8530]  }
0xba: {  	v41 =	vld [tilespmem:s0+$0x6540]  }
0xbb: {  	v42 =	vld [tilespmem:s0+$0x8540]  }
0xbc: {  	v43 =	vld [tilespmem:s0+$0x6550]  }
0xbd: {  	v44 =	vld [tilespmem:s0+$0x8550]  }
0xbe: {  	v45 =	vld [tilespmem:s0+$0x6560]  }
0xbf: {  	v46 =	vld [tilespmem:s0+$0x8560]  }
0xc0: {  	v47 =	vld [tilespmem:s0+$0x6570]  }
0xc1: {  	v48 =	vld [tilespmem:s0+$0x8570]  }
0xc2: {  	v49 =	vld [tilespmem:s0+$0x6580]  }
0xc3: {  	v50 =	vld [tilespmem:s0+$0x8580]  }
0xc4: {  	v51 =	vld [tilespmem:s0+$0x6590]  }
0xc5: {  	v52 =	vld [tilespmem:s0+$0x8590]  }
0xc6: {  	v53 =	vld [tilespmem:s0+$0x65A0]  }
0xc7: {  	v54 =	vld [tilespmem:s0+$0x85A0]  }
0xc8: {  	v55 =	vld [tilespmem:s0+$0x65B0]  }
0xc9: {  	v56 =	vld [tilespmem:s0+$0x85B0]  }
0xca: {  	v57 =	vld [tilespmem:s0+$0x65C0]  }
0xcb: {  	v58 =	vld [tilespmem:s0+$0x85C0]  }
0xcc: {  	v59 =	vld [tilespmem:s0+$0x65D0]  }
0xcd: {  	v60 =	vld [tilespmem:s0+$0x85D0]  }
0xce: {  	v62 =	vld [tilespmem:s0+$0x65E0];
	v1 =	vadd.f32 v2, v1  }
0xcf: {  	v2 =	vld [tilespmem:s0+$0x8420]  }
0xd0: {  	v3 =	vadd.f32 v4, v3;
	[tilespmem:s0+$0x165F0] =	vst.add.f32.msk $0xffff, v1  }
0xd1: {  	v1 =	vld [tilespmem:s0+$0x6430]  }
0xd2: {  	[tilespmem:s0+$0x16400] =	vst.add.f32.msk $0xffff, v3;
	v3 =	vadd.f32 v10, v9  }
0xd3: {  	v63 =	vld [tilespmem:s0+$0x85E0];
	v5 =	vadd.f32 v6, v5  }
0xd4: {  	[tilespmem:s0+$0x16440] =	vst.add.f32.msk $0xffff, v3;
	v3 =	vadd.f32 v16, v15  }
0xd5: {  	[tilespmem:s0+$0x16410] =	vst.add.f32.msk $0xffff, v5;
	v2 =	vadd.f32 v2, v7  }
0xd6: {  	[tilespmem:s0+$0x16470] =	vst.add.f32.msk $0xffff, v3;
	v3 =	vadd.f32 v22, v21  }
0xd7: {  	v1 =	vadd.f32 v8, v1;
	[tilespmem:s0+$0x16420] =	vst.add.f32.msk $0xffff, v2  }
0xd8: {  	v2 =	vadd.f32 v12, v11;
	[tilespmem:s0+$0x164A0] =	vst.add.f32.msk $0xffff, v3  }
0xd9: {  	v3 =	vadd.f32 v28, v27;
	[tilespmem:s0+$0x16430] =	vst.add.f32.msk $0xffff, v1  }
0xda: {  	v1 =	vadd.f32 v14, v13;
	[tilespmem:s0+$0x16450] =	vst.add.f32.msk $0xffff, v2  }
0xdb: {  	v2 =	vadd.f32 v18, v17;
	[tilespmem:s0+$0x164D0] =	vst.add.f32.msk $0xffff, v3  }
0xdc: {  	v3 =	vadd.f32 v34, v33;
	[tilespmem:s0+$0x16460] =	vst.add.f32.msk $0xffff, v1  }
0xdd: {  	v1 =	vadd.f32 v20, v19;
	[tilespmem:s0+$0x16480] =	vst.add.f32.msk $0xffff, v2  }
0xde: {  	v2 =	vadd.f32 v24, v23;
	[tilespmem:s0+$0x16500] =	vst.add.f32.msk $0xffff, v3  }
0xdf: {  	v3 =	vadd.f32 v40, v39;
	[tilespmem:s0+$0x16490] =	vst.add.f32.msk $0xffff, v1  }
0xe0: {  	v1 =	vadd.f32 v26, v25;
	[tilespmem:s0+$0x164B0] =	vst.add.f32.msk $0xffff, v2  }
0xe1: {  	v2 =	vadd.f32 v30, v29;
	[tilespmem:s0+$0x16530] =	vst.add.f32.msk $0xffff, v3  }
0xe2: {  	v3 =	vadd.f32 v46, v45;
	[tilespmem:s0+$0x164C0] =	vst.add.f32.msk $0xffff, v1  }
0xe3: {  	v1 =	vadd.f32 v32, v31;
	[tilespmem:s0+$0x164E0] =	vst.add.f32.msk $0xffff, v2  }
0xe4: {  	v2 =	vadd.f32 v36, v35;
	[tilespmem:s0+$0x16560] =	vst.add.f32.msk $0xffff, v3  }
0xe5: {  	v3 =	vadd.f32 v52, v51;
	[tilespmem:s0+$0x164F0] =	vst.add.f32.msk $0xffff, v1  }
0xe6: {  	v1 =	vadd.f32 v38, v37;
	[tilespmem:s0+$0x16510] =	vst.add.f32.msk $0xffff, v2  }
0xe7: {  	v2 =	vadd.f32 v42, v41;
	[tilespmem:s0+$0x16590] =	vst.add.f32.msk $0xffff, v3  }
0xe8: {  	v3 =	vadd.f32 v58, v57;
	[tilespmem:s0+$0x16520] =	vst.add.f32.msk $0xffff, v1  }
0xe9: {  	v1 =	vadd.f32 v44, v43;
	[tilespmem:s0+$0x16540] =	vst.add.f32.msk $0xffff, v2  }
0xea: {  	v2 =	vadd.f32 v48, v47;
	[tilespmem:s0+$0x165C0] =	vst.add.f32.msk $0xffff, v3  }
0xeb: {  	[tilespmem:s0+$0x16550] =	vst.add.f32.msk $0xffff, v1;
	v1 =	vadd.f32 v50, v49  }
0xec: {  	[tilespmem:s0+$0x16570] =	vst.add.f32.msk $0xffff, v2;
	v2 =	vadd.f32 v54, v53  }
0xed: {  	[tilespmem:s0+$0x16580] =	vst.add.f32.msk $0xffff, v1;
	v1 =	vadd.f32 v56, v55  }
0xee: {  	[tilespmem:s0+$0x165A0] =	vst.add.f32.msk $0xffff, v2;
	v2 =	vadd.f32 v60, v59  }
0xef: {  	s31 =	sshll.u32 s30, $0xC;
	p0 =	seq.s32 s30, $0x18;
	[tilespmem:s0+$0x165B0] =	vst.add.f32.msk $0xffff, v1;
	v1 =	vadd.f32 v63, v62  }
0xf0: {  	s1 =	sshrl.u32 @!p0 s31, $0x2;
	[tilespmem:s0+$0x165D0] =	vst.add.f32.msk $0xffff, v2  }
0xf1: {  	s9 =	simm.s32 @!p0 $0x80;
	s10 =	simm.s32 @!p0 $0x6400;
	[tilespmem:s0+$0x165E0] =	vst.add.f32.msk $0xffff, v1;
	s0 =	sadd.s32 @!p0 $0x400, s1  }
0xf2: {  	[tilespmem:s10], [sflag:$0x1] =	stream.indirect.gather @!p0 [hbm4b:s3+s9], $0x40, s0, s9, $0xb8;
	[tilespmem:$0x18400] =	vst v63  }
0xf3: {  	s0 =	sadd.s32 @!p0 $0x480, s1;
	s10 =	simm.s32 @!p0 $0x8400  }
0xf4: {  	[tilespmem:s10], [sflag:$0x1] =	stream.indirect.gather @!p0 [hbm4b:s3+s9], $0x40, s0, s9, $0xb8;
	[tilespmem:$0x18400] =	vst v63  }
0xf5: {  	_ =	swait.ge [sflag:s24], $0x2000  }
0xf6: {  	[sflag:s24] =	ssyncset.done $0x0  }
0xf7: {  	[sflag:s24] =	ssyncadd.s32 $0xFFFFE000  }
0xf8: {  	_ =	swait.ge [sflag:s24], $0x2000  }
0xf9: {  	[sflag:s24] =	ssyncset.done $0x0  }
0xfa: {  	s0 =	simm.s32 $0x0;
	[sflag:s24] =	ssyncadd.s32 $0xFFFFE000  }
0xfb: {  	s9 =	simm.s32 $0x800;
	v1 =	vld [tilespmem:s0+$0xA5F0]  }
.LBB2_7:
0xfc: {  	p1 =	sne.s32 s9, $0x7800;
	v2 =	vld [tilespmem:s0+$0xC5F0]  }
0xfd: {  	v3 =	vld [tilespmem:s0+$0xA400]  }
0xfe: {  	v4 =	vld [tilespmem:s0+$0xC400]  }
0xff: {  	v5 =	vld [tilespmem:s0+$0xA410]  }
0x100: {  	v6 =	vld [tilespmem:s0+$0xC410]  }
0x101: {  	v7 =	vld [tilespmem:s0+$0xA420];
	v2 =	vadd.f32 v2, v1  }
0x102: {  	v8 =	vld [tilespmem:s0+$0xC420]  }
0x103: {  	v1 =	vadd.f32 v4, v3;
	[tilespmem:s0+$0x165F0] =	vst.add.f32.msk $0xffff, v2  }
0x104: {  	v4 =	vld [tilespmem:s0+$0xA430]  }
0x105: {  	v2 =	vadd.f32 v6, v5;
	v5 =	vld [tilespmem:s0+$0xC430]  }
0x106: {  	v6 =	vld [tilespmem:s0+$0xA440]  }
0x107: {  	v3 =	vadd.f32 v8, v7;
	v7 =	vld [tilespmem:s0+$0xC440]  }
0x108: {  	v8 =	vld [tilespmem:s0+$0xA450]  }
0x109: {  	v9 =	vld [tilespmem:s0+$0xC450]  }
0x10a: {  	v4 =	vadd.f32 v5, v4;
	v10 =	vld [tilespmem:s0+$0xA460]  }
0x10b: {  	v11 =	vld [tilespmem:s0+$0xC460]  }
0x10c: {  	v5 =	vadd.f32 v7, v6;
	v6 =	vld [tilespmem:s0+$0xA470]  }
0x10d: {  	v7 =	vld [tilespmem:s0+$0xC470]  }
0x10e: {  	v8 =	vadd.f32 v9, v8;
	v9 =	vld [tilespmem:s0+$0xA480]  }
0x10f: {  	v12 =	vld [tilespmem:s0+$0xC480]  }
0x110: {  	v10 =	vadd.f32 v11, v10;
	v11 =	vld [tilespmem:s0+$0xA490]  }
0x111: {  	v13 =	vld [tilespmem:s0+$0xC490]  }
0x112: {  	v6 =	vadd.f32 v7, v6;
	v7 =	vld [tilespmem:s0+$0xA4A0]  }
0x113: {  	v14 =	vld [tilespmem:s0+$0xC4A0]  }
0x114: {  	v9 =	vadd.f32 v12, v9;
	v12 =	vld [tilespmem:s0+$0xA4B0]  }
0x115: {  	v15 =	vld [tilespmem:s0+$0xC4B0]  }
0x116: {  	v11 =	vadd.f32 v13, v11;
	v13 =	vld [tilespmem:s0+$0xA4C0]  }
0x117: {  	v16 =	vld [tilespmem:s0+$0xC4C0]  }
0x118: {  	v7 =	vadd.f32 v14, v7;
	v14 =	vld [tilespmem:s0+$0xA4D0]  }
0x119: {  	v17 =	vld [tilespmem:s0+$0xC4D0]  }
0x11a: {  	v12 =	vadd.f32 v15, v12;
	v15 =	vld [tilespmem:s0+$0xA4E0]  }
0x11b: {  	v18 =	vld [tilespmem:s0+$0xC4E0]  }
0x11c: {  	v13 =	vadd.f32 v16, v13;
	v16 =	vld [tilespmem:s0+$0xA4F0]  }
0x11d: {  	v19 =	vld [tilespmem:s0+$0xC4F0]  }
0x11e: {  	v14 =	vadd.f32 v17, v14;
	v17 =	vld [tilespmem:s0+$0xA500]  }
0x11f: {  	v20 =	vld [tilespmem:s0+$0xC500]  }
0x120: {  	v15 =	vadd.f32 v18, v15;
	v18 =	vld [tilespmem:s0+$0xA510]  }
0x121: {  	v21 =	vld [tilespmem:s0+$0xC510]  }
0x122: {  	v16 =	vadd.f32 v19, v16;
	v19 =	vld [tilespmem:s0+$0xA520]  }
0x123: {  	v22 =	vld [tilespmem:s0+$0xC520]  }
0x124: {  	v17 =	vadd.f32 v20, v17;
	v20 =	vld [tilespmem:s0+$0xA530]  }
0x125: {  	v23 =	vld [tilespmem:s0+$0xC530]  }
0x126: {  	v18 =	vadd.f32 v21, v18;
	v21 =	vld [tilespmem:s0+$0xA540]  }
0x127: {  	v24 =	vld [tilespmem:s0+$0xC540]  }
0x128: {  	v19 =	vadd.f32 v22, v19;
	v22 =	vld [tilespmem:s0+$0xA550]  }
0x129: {  	v25 =	vld [tilespmem:s0+$0xC550]  }
0x12a: {  	v20 =	vadd.f32 v23, v20;
	v23 =	vld [tilespmem:s0+$0xA560]  }
0x12b: {  	v26 =	vld [tilespmem:s0+$0xC560]  }
0x12c: {  	v21 =	vadd.f32 v24, v21;
	v24 =	vld [tilespmem:s0+$0xA570]  }
0x12d: {  	v27 =	vld [tilespmem:s0+$0xC570]  }
0x12e: {  	v22 =	vadd.f32 v25, v22;
	v25 =	vld [tilespmem:s0+$0xA580]  }
0x12f: {  	v28 =	vld [tilespmem:s0+$0xC580]  }
0x130: {  	v23 =	vadd.f32 v26, v23;
	v26 =	vld [tilespmem:s0+$0xA590]  }
0x131: {  	v29 =	vld [tilespmem:s0+$0xC590]  }
0x132: {  	v24 =	vadd.f32 v27, v24;
	v27 =	vld [tilespmem:s0+$0xA5A0]  }
0x133: {  	v30 =	vld [tilespmem:s0+$0xC5A0]  }
0x134: {  	v25 =	vadd.f32 v28, v25;
	v28 =	vld [tilespmem:s0+$0xA5B0]  }
0x135: {  	v31 =	vld [tilespmem:s0+$0xC5B0]  }
0x136: {  	v26 =	vadd.f32 v29, v26;
	v29 =	vld [tilespmem:s0+$0xA5C0]  }
0x137: {  	v32 =	vld [tilespmem:s0+$0xC5C0]  }
0x138: {  	v27 =	vadd.f32 v30, v27;
	v30 =	vld [tilespmem:s0+$0xA5D0]  }
0x139: {  	v33 =	vld [tilespmem:s0+$0xC5D0]  }
0x13a: {  	v28 =	vadd.f32 v31, v28;
	v31 =	vld [tilespmem:s0+$0xA5E0]  }
0x13b: {  	v34 =	vld [tilespmem:s0+$0xC5E0]  }
0x13c: {  	[tilespmem:s0+$0x16400] =	vst.add.f32.msk $0xffff, v1;
	v1 =	vadd.f32 v32, v29  }
0x13d: {  	[tilespmem:s0+$0x16410] =	vst.add.f32.msk $0xffff, v2  }
0x13e: {  	[tilespmem:s0+$0x16420] =	vst.add.f32.msk $0xffff, v3;
	v2 =	vadd.f32 v33, v30  }
0x13f: {  	[tilespmem:s0+$0x16430] =	vst.add.f32.msk $0xffff, v4  }
0x140: {  	[tilespmem:s0+$0x16440] =	vst.add.f32.msk $0xffff, v5;
	v3 =	vadd.f32 v34, v31  }
0x141: {  	[tilespmem:s0+$0x16450] =	vst.add.f32.msk $0xffff, v8  }
0x142: {  	[tilespmem:s0+$0x16460] =	vst.add.f32.msk $0xffff, v10  }
0x143: {  	[tilespmem:s0+$0x16470] =	vst.add.f32.msk $0xffff, v6  }
0x144: {  	[tilespmem:s0+$0x16480] =	vst.add.f32.msk $0xffff, v9  }
0x145: {  	[tilespmem:s0+$0x16490] =	vst.add.f32.msk $0xffff, v11  }
0x146: {  	[tilespmem:s0+$0x164A0] =	vst.add.f32.msk $0xffff, v7  }
0x147: {  	[tilespmem:s0+$0x164B0] =	vst.add.f32.msk $0xffff, v12  }
0x148: {  	[tilespmem:s0+$0x164C0] =	vst.add.f32.msk $0xffff, v13  }
0x149: {  	[tilespmem:s0+$0x164D0] =	vst.add.f32.msk $0xffff, v14  }
0x14a: {  	[tilespmem:s0+$0x164E0] =	vst.add.f32.msk $0xffff, v15  }
0x14b: {  	[tilespmem:s0+$0x164F0] =	vst.add.f32.msk $0xffff, v16  }
0x14c: {  	[tilespmem:s0+$0x16500] =	vst.add.f32.msk $0xffff, v17  }
0x14d: {  	[tilespmem:s0+$0x16510] =	vst.add.f32.msk $0xffff, v18  }
0x14e: {  	[tilespmem:s0+$0x16520] =	vst.add.f32.msk $0xffff, v19  }
0x14f: {  	[tilespmem:s0+$0x16530] =	vst.add.f32.msk $0xffff, v20  }
0x150: {  	[tilespmem:s0+$0x16540] =	vst.add.f32.msk $0xffff, v21  }
0x151: {  	[tilespmem:s0+$0x16550] =	vst.add.f32.msk $0xffff, v22  }
0x152: {  	[tilespmem:s0+$0x16560] =	vst.add.f32.msk $0xffff, v23  }
0x153: {  	[tilespmem:s0+$0x16570] =	vst.add.f32.msk $0xffff, v24  }
0x154: {  	[tilespmem:s0+$0x16580] =	vst.add.f32.msk $0xffff, v25  }
0x155: {  	[tilespmem:s0+$0x16590] =	vst.add.f32.msk $0xffff, v26  }
0x156: {  	[tilespmem:s0+$0x165A0] =	vst.add.f32.msk $0xffff, v27  }
.Ltmp2:
0x157: {  	[tilespmem:s0+$0x165B0] =	vst.add.f32.msk $0xffff, v28;
	(pc) =	sbr.rel @p1 .LBB2_7-.Ltmp2, $4  }
0x158: {  	[tilespmem:s0+$0x165C0] =	vst.add.f32.msk $0xffff, v1  }
0x159: {  	[tilespmem:s0+$0x165D0] =	vst.add.f32.msk $0xffff, v2  }
0x15a: {  	[tilespmem:s0+$0x165E0] =	vst.add.f32.msk $0xffff, v3;
	s0 =	sshra.s32 s9, $0x2  }
0x15b: {  	s9 =	sadd.s32 $0x800, s9;
	v1 =	vld [tilespmem:s0+$0xA5F0]  }
0x15c: {  	v2 =	vld [tilespmem:s0+$0xC5F0]  }
0x15d: {  	v3 =	vld [tilespmem:s0+$0xA400]  }
0x15e: {  	v4 =	vld [tilespmem:s0+$0xC400]  }
0x15f: {  	v5 =	vld [tilespmem:s0+$0xA410]  }
0x160: {  	v6 =	vld [tilespmem:s0+$0xC410]  }
0x161: {  	v7 =	vld [tilespmem:s0+$0xA420]  }
0x162: {  	v8 =	vld [tilespmem:s0+$0xC430]  }
0x163: {  	v9 =	vld [tilespmem:s0+$0xA440]  }
0x164: {  	v10 =	vld [tilespmem:s0+$0xC440]  }
0x165: {  	v11 =	vld [tilespmem:s0+$0xA450]  }
0x166: {  	v12 =	vld [tilespmem:s0+$0xC450]  }
0x167: {  	v13 =	vld [tilespmem:s0+$0xA460]  }
0x168: {  	v14 =	vld [tilespmem:s0+$0xC460]  }
0x169: {  	v15 =	vld [tilespmem:s0+$0xA470]  }
0x16a: {  	v16 =	vld [tilespmem:s0+$0xC470]  }
0x16b: {  	v17 =	vld [tilespmem:s0+$0xA480]  }
0x16c: {  	v18 =	vld [tilespmem:s0+$0xC480]  }
0x16d: {  	v19 =	vld [tilespmem:s0+$0xA490]  }
0x16e: {  	v20 =	vld [tilespmem:s0+$0xC490]  }
0x16f: {  	v21 =	vld [tilespmem:s0+$0xA4A0]  }
0x170: {  	v22 =	vld [tilespmem:s0+$0xC4A0]  }
0x171: {  	v23 =	vld [tilespmem:s0+$0xA4B0]  }
0x172: {  	v24 =	vld [tilespmem:s0+$0xC4B0]  }
0x173: {  	v25 =	vld [tilespmem:s0+$0xA4C0]  }
0x174: {  	v26 =	vld [tilespmem:s0+$0xC4C0]  }
0x175: {  	v27 =	vld [tilespmem:s0+$0xA4D0]  }
0x176: {  	v28 =	vld [tilespmem:s0+$0xC4D0]  }
0x177: {  	v29 =	vld [tilespmem:s0+$0xA4E0]  }
0x178: {  	v30 =	vld [tilespmem:s0+$0xC4E0]  }
0x179: {  	v31 =	vld [tilespmem:s0+$0xA4F0]  }
0x17a: {  	v32 =	vld [tilespmem:s0+$0xC4F0]  }
0x17b: {  	v33 =	vld [tilespmem:s0+$0xA500]  }
0x17c: {  	v34 =	vld [tilespmem:s0+$0xC500]  }
0x17d: {  	v35 =	vld [tilespmem:s0+$0xA510]  }
0x17e: {  	v36 =	vld [tilespmem:s0+$0xC510]  }
0x17f: {  	v37 =	vld [tilespmem:s0+$0xA520]  }
0x180: {  	v38 =	vld [tilespmem:s0+$0xC520]  }
0x181: {  	v39 =	vld [tilespmem:s0+$0xA530]  }
0x182: {  	v40 =	vld [tilespmem:s0+$0xC530]  }
0x183: {  	v41 =	vld [tilespmem:s0+$0xA540]  }
0x184: {  	v42 =	vld [tilespmem:s0+$0xC540]  }
0x185: {  	v43 =	vld [tilespmem:s0+$0xA550]  }
0x186: {  	v44 =	vld [tilespmem:s0+$0xC550]  }
0x187: {  	v45 =	vld [tilespmem:s0+$0xA560]  }
0x188: {  	v46 =	vld [tilespmem:s0+$0xC560]  }
0x189: {  	v47 =	vld [tilespmem:s0+$0xA570]  }
0x18a: {  	v48 =	vld [tilespmem:s0+$0xC570]  }
0x18b: {  	v49 =	vld [tilespmem:s0+$0xA580]  }
0x18c: {  	v50 =	vld [tilespmem:s0+$0xC580]  }
0x18d: {  	v51 =	vld [tilespmem:s0+$0xA590]  }
0x18e: {  	v52 =	vld [tilespmem:s0+$0xC590]  }
0x18f: {  	v53 =	vld [tilespmem:s0+$0xA5A0]  }
0x190: {  	v54 =	vld [tilespmem:s0+$0xC5A0]  }
0x191: {  	v55 =	vld [tilespmem:s0+$0xA5B0]  }
0x192: {  	v56 =	vld [tilespmem:s0+$0xC5B0]  }
0x193: {  	v57 =	vld [tilespmem:s0+$0xA5C0]  }
0x194: {  	v58 =	vld [tilespmem:s0+$0xC5C0]  }
0x195: {  	v59 =	vld [tilespmem:s0+$0xA5D0]  }
0x196: {  	v60 =	vld [tilespmem:s0+$0xC5D0]  }
0x197: {  	v62 =	vld [tilespmem:s0+$0xA5E0];
	v1 =	vadd.f32 v2, v1  }
0x198: {  	v2 =	vld [tilespmem:s0+$0xC420]  }
0x199: {  	v3 =	vadd.f32 v4, v3;
	[tilespmem:s0+$0x165F0] =	vst.add.f32.msk $0xffff, v1  }
0x19a: {  	v1 =	vld [tilespmem:s0+$0xA430]  }
0x19b: {  	[tilespmem:s0+$0x16400] =	vst.add.f32.msk $0xffff, v3;
	v3 =	vadd.f32 v10, v9  }
0x19c: {  	v63 =	vld [tilespmem:s0+$0xC5E0];
	v5 =	vadd.f32 v6, v5  }
0x19d: {  	[tilespmem:s0+$0x16440] =	vst.add.f32.msk $0xffff, v3;
	v3 =	vadd.f32 v16, v15  }
0x19e: {  	[tilespmem:s0+$0x16410] =	vst.add.f32.msk $0xffff, v5;
	v2 =	vadd.f32 v2, v7  }
0x19f: {  	[tilespmem:s0+$0x16470] =	vst.add.f32.msk $0xffff, v3;
	v3 =	vadd.f32 v22, v21  }
0x1a0: {  	v1 =	vadd.f32 v8, v1;
	[tilespmem:s0+$0x16420] =	vst.add.f32.msk $0xffff, v2  }
0x1a1: {  	v2 =	vadd.f32 v12, v11;
	[tilespmem:s0+$0x164A0] =	vst.add.f32.msk $0xffff, v3  }
0x1a2: {  	v3 =	vadd.f32 v28, v27;
	[tilespmem:s0+$0x16430] =	vst.add.f32.msk $0xffff, v1  }
0x1a3: {  	v1 =	vadd.f32 v14, v13;
	[tilespmem:s0+$0x16450] =	vst.add.f32.msk $0xffff, v2  }
0x1a4: {  	v2 =	vadd.f32 v18, v17;
	[tilespmem:s0+$0x164D0] =	vst.add.f32.msk $0xffff, v3  }
0x1a5: {  	v3 =	vadd.f32 v34, v33;
	[tilespmem:s0+$0x16460] =	vst.add.f32.msk $0xffff, v1  }
0x1a6: {  	v1 =	vadd.f32 v20, v19;
	[tilespmem:s0+$0x16480] =	vst.add.f32.msk $0xffff, v2  }
0x1a7: {  	v2 =	vadd.f32 v24, v23;
	[tilespmem:s0+$0x16500] =	vst.add.f32.msk $0xffff, v3  }
0x1a8: {  	v3 =	vadd.f32 v40, v39;
	[tilespmem:s0+$0x16490] =	vst.add.f32.msk $0xffff, v1  }
0x1a9: {  	v1 =	vadd.f32 v26, v25;
	[tilespmem:s0+$0x164B0] =	vst.add.f32.msk $0xffff, v2  }
0x1aa: {  	v2 =	vadd.f32 v30, v29;
	[tilespmem:s0+$0x16530] =	vst.add.f32.msk $0xffff, v3  }
0x1ab: {  	v3 =	vadd.f32 v46, v45;
	[tilespmem:s0+$0x164C0] =	vst.add.f32.msk $0xffff, v1  }
0x1ac: {  	v1 =	vadd.f32 v32, v31;
	[tilespmem:s0+$0x164E0] =	vst.add.f32.msk $0xffff, v2  }
0x1ad: {  	v2 =	vadd.f32 v36, v35;
	[tilespmem:s0+$0x16560] =	vst.add.f32.msk $0xffff, v3  }
0x1ae: {  	v3 =	vadd.f32 v52, v51;
	[tilespmem:s0+$0x164F0] =	vst.add.f32.msk $0xffff, v1  }
0x1af: {  	v1 =	vadd.f32 v38, v37;
	[tilespmem:s0+$0x16510] =	vst.add.f32.msk $0xffff, v2  }
0x1b0: {  	v2 =	vadd.f32 v42, v41;
	[tilespmem:s0+$0x16590] =	vst.add.f32.msk $0xffff, v3  }
0x1b1: {  	v3 =	vadd.f32 v58, v57;
	[tilespmem:s0+$0x16520] =	vst.add.f32.msk $0xffff, v1  }
0x1b2: {  	v1 =	vadd.f32 v44, v43;
	[tilespmem:s0+$0x16540] =	vst.add.f32.msk $0xffff, v2  }
0x1b3: {  	v2 =	vadd.f32 v48, v47;
	[tilespmem:s0+$0x165C0] =	vst.add.f32.msk $0xffff, v3  }
0x1b4: {  	[tilespmem:s0+$0x16550] =	vst.add.f32.msk $0xffff, v1;
	v1 =	vadd.f32 v50, v49  }
0x1b5: {  	[tilespmem:s0+$0x16570] =	vst.add.f32.msk $0xffff, v2;
	v2 =	vadd.f32 v54, v53  }
0x1b6: {  	[tilespmem:s0+$0x16580] =	vst.add.f32.msk $0xffff, v1;
	v1 =	vadd.f32 v56, v55  }
0x1b7: {  	[tilespmem:s0+$0x165A0] =	vst.add.f32.msk $0xffff, v2;
	v2 =	vadd.f32 v60, v59  }
0x1b8: {  	[tilespmem:s0+$0x165B0] =	vst.add.f32.msk $0xffff, v1;
	v1 =	vadd.f32 v63, v62  }
0x1b9: {  	[tilespmem:s0+$0x165D0] =	vst.add.f32.msk $0xffff, v2  }
0x1ba: {  	s9 =	simm.s32 @!p0 $0x80;
	s10 =	simm.s32 @!p0 $0xA400;
	[tilespmem:s0+$0x165E0] =	vst.add.f32.msk $0xffff, v1;
	s0 =	sadd.s32 @!p0 $0x500, s1  }
0x1bb: {  	[tilespmem:s10], [sflag:$0x2] =	stream.indirect.gather @!p0 [hbm4b:s3+s9], $0x40, s0, s9, $0xb8;
	[tilespmem:$0x18400] =	vst v63  }
0x1bc: {  	s0 =	sadd.s32 @!p0 $0x580, s1;
	s10 =	simm.s32 @!p0 $0xC400  }
0x1bd: {  	[tilespmem:s10], [sflag:$0x2] =	stream.indirect.gather @!p0 [hbm4b:s3+s9], $0x40, s0, s9, $0xb8;
	[tilespmem:$0x18400] =	vst v63  }
0x1be: {  	_ =	swait.ge [sflag:s25], $0x2000  }
0x1bf: {  	[sflag:s25] =	ssyncset.done $0x0  }
0x1c0: {  	[sflag:s25] =	ssyncadd.s32 $0xFFFFE000  }
0x1c1: {  	_ =	swait.ge [sflag:s25], $0x2000  }
0x1c2: {  	[sflag:s25] =	ssyncset.done $0x0  }
0x1c3: {  	s0 =	simm.s32 $0x0;
	[sflag:s25] =	ssyncadd.s32 $0xFFFFE000  }
0x1c4: {  	s9 =	simm.s32 $0x800;
	v1 =	vld [tilespmem:s0+$0xE5F0]  }
.LBB2_9:
0x1c5: {  	p1 =	sne.s32 s9, $0x7800;
	v2 =	vld [tilespmem:s0+$0x105F0]  }
0x1c6: {  	v3 =	vld [tilespmem:s0+$0xE400]  }
0x1c7: {  	v4 =	vld [tilespmem:s0+$0x10400]  }
0x1c8: {  	v5 =	vld [tilespmem:s0+$0xE410]  }
0x1c9: {  	v6 =	vld [tilespmem:s0+$0x10410]  }
0x1ca: {  	v7 =	vld [tilespmem:s0+$0xE420];
	v2 =	vadd.f32 v2, v1  }
0x1cb: {  	v8 =	vld [tilespmem:s0+$0x10420]  }
0x1cc: {  	v1 =	vadd.f32 v4, v3;
	[tilespmem:s0+$0x165F0] =	vst.add.f32.msk $0xffff, v2  }
0x1cd: {  	v4 =	vld [tilespmem:s0+$0xE430]  }
0x1ce: {  	v2 =	vadd.f32 v6, v5;
	v5 =	vld [tilespmem:s0+$0x10430]  }
0x1cf: {  	v6 =	vld [tilespmem:s0+$0xE440]  }
0x1d0: {  	v3 =	vadd.f32 v8, v7;
	v7 =	vld [tilespmem:s0+$0x10440]  }
0x1d1: {  	v8 =	vld [tilespmem:s0+$0xE450]  }
0x1d2: {  	v9 =	vld [tilespmem:s0+$0x10450]  }
0x1d3: {  	v4 =	vadd.f32 v5, v4;
	v10 =	vld [tilespmem:s0+$0xE460]  }
0x1d4: {  	v11 =	vld [tilespmem:s0+$0x10460]  }
0x1d5: {  	v5 =	vadd.f32 v7, v6;
	v6 =	vld [tilespmem:s0+$0xE470]  }
0x1d6: {  	v7 =	vld [tilespmem:s0+$0x10470]  }
0x1d7: {  	v8 =	vadd.f32 v9, v8;
	v9 =	vld [tilespmem:s0+$0xE480]  }
0x1d8: {  	v12 =	vld [tilespmem:s0+$0x10480]  }
0x1d9: {  	v10 =	vadd.f32 v11, v10;
	v11 =	vld [tilespmem:s0+$0xE490]  }
0x1da: {  	v13 =	vld [tilespmem:s0+$0x10490]  }
0x1db: {  	v6 =	vadd.f32 v7, v6;
	v7 =	vld [tilespmem:s0+$0xE4A0]  }
0x1dc: {  	v14 =	vld [tilespmem:s0+$0x104A0]  }
0x1dd: {  	v9 =	vadd.f32 v12, v9;
	v12 =	vld [tilespmem:s0+$0xE4B0]  }
0x1de: {  	v15 =	vld [tilespmem:s0+$0x104B0]  }
0x1df: {  	v11 =	vadd.f32 v13, v11;
	v13 =	vld [tilespmem:s0+$0xE4C0]  }
0x1e0: {  	v16 =	vld [tilespmem:s0+$0x104C0]  }
0x1e1: {  	v7 =	vadd.f32 v14, v7;
	v14 =	vld [tilespmem:s0+$0xE4D0]  }
0x1e2: {  	v17 =	vld [tilespmem:s0+$0x104D0]  }
0x1e3: {  	v12 =	vadd.f32 v15, v12;
	v15 =	vld [tilespmem:s0+$0xE4E0]  }
0x1e4: {  	v18 =	vld [tilespmem:s0+$0x104E0]  }
0x1e5: {  	v13 =	vadd.f32 v16, v13;
	v16 =	vld [tilespmem:s0+$0xE4F0]  }
0x1e6: {  	v19 =	vld [tilespmem:s0+$0x104F0]  }
0x1e7: {  	v14 =	vadd.f32 v17, v14;
	v17 =	vld [tilespmem:s0+$0xE500]  }
0x1e8: {  	v20 =	vld [tilespmem:s0+$0x10500]  }
0x1e9: {  	v15 =	vadd.f32 v18, v15;
	v18 =	vld [tilespmem:s0+$0xE510]  }
0x1ea: {  	v21 =	vld [tilespmem:s0+$0x10510]  }
0x1eb: {  	v16 =	vadd.f32 v19, v16;
	v19 =	vld [tilespmem:s0+$0xE520]  }
0x1ec: {  	v22 =	vld [tilespmem:s0+$0x10520]  }
0x1ed: {  	v17 =	vadd.f32 v20, v17;
	v20 =	vld [tilespmem:s0+$0xE530]  }
0x1ee: {  	v23 =	vld [tilespmem:s0+$0x10530]  }
0x1ef: {  	v18 =	vadd.f32 v21, v18;
	v21 =	vld [tilespmem:s0+$0xE540]  }
0x1f0: {  	v24 =	vld [tilespmem:s0+$0x10540]  }
0x1f1: {  	v19 =	vadd.f32 v22, v19;
	v22 =	vld [tilespmem:s0+$0xE550]  }
0x1f2: {  	v25 =	vld [tilespmem:s0+$0x10550]  }
0x1f3: {  	v20 =	vadd.f32 v23, v20;
	v23 =	vld [tilespmem:s0+$0xE560]  }
0x1f4: {  	v26 =	vld [tilespmem:s0+$0x10560]  }
0x1f5: {  	v21 =	vadd.f32 v24, v21;
	v24 =	vld [tilespmem:s0+$0xE570]  }
0x1f6: {  	v27 =	vld [tilespmem:s0+$0x10570]  }
0x1f7: {  	v22 =	vadd.f32 v25, v22;
	v25 =	vld [tilespmem:s0+$0xE580]  }
0x1f8: {  	v28 =	vld [tilespmem:s0+$0x10580]  }
0x1f9: {  	v23 =	vadd.f32 v26, v23;
	v26 =	vld [tilespmem:s0+$0xE590]  }
0x1fa: {  	v29 =	vld [tilespmem:s0+$0x10590]  }
0x1fb: {  	v24 =	vadd.f32 v27, v24;
	v27 =	vld [tilespmem:s0+$0xE5A0]  }
0x1fc: {  	v30 =	vld [tilespmem:s0+$0x105A0]  }
0x1fd: {  	v25 =	vadd.f32 v28, v25;
	v28 =	vld [tilespmem:s0+$0xE5B0]  }
0x1fe: {  	v31 =	vld [tilespmem:s0+$0x105B0]  }
0x1ff: {  	v26 =	vadd.f32 v29, v26;
	v29 =	vld [tilespmem:s0+$0xE5C0]  }
0x200: {  	v32 =	vld [tilespmem:s0+$0x105C0]  }
0x201: {  	v27 =	vadd.f32 v30, v27;
	v30 =	vld [tilespmem:s0+$0xE5D0]  }
0x202: {  	v33 =	vld [tilespmem:s0+$0x105D0]  }
0x203: {  	v28 =	vadd.f32 v31, v28;
	v31 =	vld [tilespmem:s0+$0xE5E0]  }
0x204: {  	v34 =	vld [tilespmem:s0+$0x105E0]  }
0x205: {  	[tilespmem:s0+$0x16400] =	vst.add.f32.msk $0xffff, v1;
	v1 =	vadd.f32 v32, v29  }
0x206: {  	[tilespmem:s0+$0x16410] =	vst.add.f32.msk $0xffff, v2  }
0x207: {  	[tilespmem:s0+$0x16420] =	vst.add.f32.msk $0xffff, v3;
	v2 =	vadd.f32 v33, v30  }
0x208: {  	[tilespmem:s0+$0x16430] =	vst.add.f32.msk $0xffff, v4  }
0x209: {  	[tilespmem:s0+$0x16440] =	vst.add.f32.msk $0xffff, v5;
	v3 =	vadd.f32 v34, v31  }
0x20a: {  	[tilespmem:s0+$0x16450] =	vst.add.f32.msk $0xffff, v8  }
0x20b: {  	[tilespmem:s0+$0x16460] =	vst.add.f32.msk $0xffff, v10  }
0x20c: {  	[tilespmem:s0+$0x16470] =	vst.add.f32.msk $0xffff, v6  }
0x20d: {  	[tilespmem:s0+$0x16480] =	vst.add.f32.msk $0xffff, v9  }
0x20e: {  	[tilespmem:s0+$0x16490] =	vst.add.f32.msk $0xffff, v11  }
0x20f: {  	[tilespmem:s0+$0x164A0] =	vst.add.f32.msk $0xffff, v7  }
0x210: {  	[tilespmem:s0+$0x164B0] =	vst.add.f32.msk $0xffff, v12  }
0x211: {  	[tilespmem:s0+$0x164C0] =	vst.add.f32.msk $0xffff, v13  }
0x212: {  	[tilespmem:s0+$0x164D0] =	vst.add.f32.msk $0xffff, v14  }
0x213: {  	[tilespmem:s0+$0x164E0] =	vst.add.f32.msk $0xffff, v15  }
0x214: {  	[tilespmem:s0+$0x164F0] =	vst.add.f32.msk $0xffff, v16  }
0x215: {  	[tilespmem:s0+$0x16500] =	vst.add.f32.msk $0xffff, v17  }
0x216: {  	[tilespmem:s0+$0x16510] =	vst.add.f32.msk $0xffff, v18  }
0x217: {  	[tilespmem:s0+$0x16520] =	vst.add.f32.msk $0xffff, v19  }
0x218: {  	[tilespmem:s0+$0x16530] =	vst.add.f32.msk $0xffff, v20  }
0x219: {  	[tilespmem:s0+$0x16540] =	vst.add.f32.msk $0xffff, v21  }
0x21a: {  	[tilespmem:s0+$0x16550] =	vst.add.f32.msk $0xffff, v22  }
0x21b: {  	[tilespmem:s0+$0x16560] =	vst.add.f32.msk $0xffff, v23  }
0x21c: {  	[tilespmem:s0+$0x16570] =	vst.add.f32.msk $0xffff, v24  }
0x21d: {  	[tilespmem:s0+$0x16580] =	vst.add.f32.msk $0xffff, v25  }
0x21e: {  	[tilespmem:s0+$0x16590] =	vst.add.f32.msk $0xffff, v26  }
0x21f: {  	[tilespmem:s0+$0x165A0] =	vst.add.f32.msk $0xffff, v27  }
.Ltmp3:
0x220: {  	[tilespmem:s0+$0x165B0] =	vst.add.f32.msk $0xffff, v28;
	(pc) =	sbr.rel @p1 .LBB2_9-.Ltmp3, $4  }
0x221: {  	[tilespmem:s0+$0x165C0] =	vst.add.f32.msk $0xffff, v1  }
0x222: {  	[tilespmem:s0+$0x165D0] =	vst.add.f32.msk $0xffff, v2  }
0x223: {  	[tilespmem:s0+$0x165E0] =	vst.add.f32.msk $0xffff, v3;
	s0 =	sshra.s32 s9, $0x2  }
0x224: {  	s9 =	sadd.s32 $0x800, s9;
	v1 =	vld [tilespmem:s0+$0xE5F0]  }
0x225: {  	v2 =	vld [tilespmem:s0+$0x105F0]  }
0x226: {  	v3 =	vld [tilespmem:s0+$0xE400]  }
0x227: {  	v4 =	vld [tilespmem:s0+$0x10400]  }
0x228: {  	v5 =	vld [tilespmem:s0+$0xE410]  }
0x229: {  	v6 =	vld [tilespmem:s0+$0x10410]  }
0x22a: {  	v7 =	vld [tilespmem:s0+$0xE420]  }
0x22b: {  	v8 =	vld [tilespmem:s0+$0x10430]  }
0x22c: {  	v9 =	vld [tilespmem:s0+$0xE440]  }
0x22d: {  	v10 =	vld [tilespmem:s0+$0x10440]  }
0x22e: {  	v11 =	vld [tilespmem:s0+$0xE450]  }
0x22f: {  	v12 =	vld [tilespmem:s0+$0x10450]  }
0x230: {  	v13 =	vld [tilespmem:s0+$0xE460]  }
0x231: {  	v14 =	vld [tilespmem:s0+$0x10460]  }
0x232: {  	v15 =	vld [tilespmem:s0+$0xE470]  }
0x233: {  	v16 =	vld [tilespmem:s0+$0x10470]  }
0x234: {  	v17 =	vld [tilespmem:s0+$0xE480]  }
0x235: {  	v18 =	vld [tilespmem:s0+$0x10480]  }
0x236: {  	v19 =	vld [tilespmem:s0+$0xE490]  }
0x237: {  	v20 =	vld [tilespmem:s0+$0x10490]  }
0x238: {  	v21 =	vld [tilespmem:s0+$0xE4A0]  }
0x239: {  	v22 =	vld [tilespmem:s0+$0x104A0]  }
0x23a: {  	v23 =	vld [tilespmem:s0+$0xE4B0]  }
0x23b: {  	v24 =	vld [tilespmem:s0+$0x104B0]  }
0x23c: {  	v25 =	vld [tilespmem:s0+$0xE4C0]  }
0x23d: {  	v26 =	vld [tilespmem:s0+$0x104C0]  }
0x23e: {  	v27 =	vld [tilespmem:s0+$0xE4D0]  }
0x23f: {  	v28 =	vld [tilespmem:s0+$0x104D0]  }
0x240: {  	v29 =	vld [tilespmem:s0+$0xE4E0]  }
0x241: {  	v30 =	vld [tilespmem:s0+$0x104E0]  }
0x242: {  	v31 =	vld [tilespmem:s0+$0xE4F0]  }
0x243: {  	v32 =	vld [tilespmem:s0+$0x104F0]  }
0x244: {  	v33 =	vld [tilespmem:s0+$0xE500]  }
0x245: {  	v34 =	vld [tilespmem:s0+$0x10500]  }
0x246: {  	v35 =	vld [tilespmem:s0+$0xE510]  }
0x247: {  	v36 =	vld [tilespmem:s0+$0x10510]  }
0x248: {  	v37 =	vld [tilespmem:s0+$0xE520]  }
0x249: {  	v38 =	vld [tilespmem:s0+$0x10520]  }
0x24a: {  	v39 =	vld [tilespmem:s0+$0xE530]  }
0x24b: {  	v40 =	vld [tilespmem:s0+$0x10530]  }
0x24c: {  	v41 =	vld [tilespmem:s0+$0xE540]  }
0x24d: {  	v42 =	vld [tilespmem:s0+$0x10540]  }
0x24e: {  	v43 =	vld [tilespmem:s0+$0xE550]  }
0x24f: {  	v44 =	vld [tilespmem:s0+$0x10550]  }
0x250: {  	v45 =	vld [tilespmem:s0+$0xE560]  }
0x251: {  	v46 =	vld [tilespmem:s0+$0x10560]  }
0x252: {  	v47 =	vld [tilespmem:s0+$0xE570]  }
0x253: {  	v48 =	vld [tilespmem:s0+$0x10570]  }
0x254: {  	v49 =	vld [tilespmem:s0+$0xE580]  }
0x255: {  	v50 =	vld [tilespmem:s0+$0x10580]  }
0x256: {  	v51 =	vld [tilespmem:s0+$0xE590]  }
0x257: {  	v52 =	vld [tilespmem:s0+$0x10590]  }
0x258: {  	v53 =	vld [tilespmem:s0+$0xE5A0]  }
0x259: {  	v54 =	vld [tilespmem:s0+$0x105A0]  }
0x25a: {  	v55 =	vld [tilespmem:s0+$0xE5B0]  }
0x25b: {  	v56 =	vld [tilespmem:s0+$0x105B0]  }
0x25c: {  	v57 =	vld [tilespmem:s0+$0xE5C0]  }
0x25d: {  	v58 =	vld [tilespmem:s0+$0x105C0]  }
0x25e: {  	v59 =	vld [tilespmem:s0+$0xE5D0]  }
0x25f: {  	v60 =	vld [tilespmem:s0+$0x105D0]  }
0x260: {  	v62 =	vld [tilespmem:s0+$0xE5E0];
	v1 =	vadd.f32 v2, v1  }
0x261: {  	v2 =	vld [tilespmem:s0+$0x10420]  }
0x262: {  	v3 =	vadd.f32 v4, v3;
	[tilespmem:s0+$0x165F0] =	vst.add.f32.msk $0xffff, v1  }
0x263: {  	v1 =	vld [tilespmem:s0+$0xE430]  }
0x264: {  	[tilespmem:s0+$0x16400] =	vst.add.f32.msk $0xffff, v3;
	v3 =	vadd.f32 v10, v9  }
0x265: {  	v63 =	vld [tilespmem:s0+$0x105E0];
	v5 =	vadd.f32 v6, v5  }
0x266: {  	[tilespmem:s0+$0x16440] =	vst.add.f32.msk $0xffff, v3;
	v3 =	vadd.f32 v16, v15  }
0x267: {  	[tilespmem:s0+$0x16410] =	vst.add.f32.msk $0xffff, v5;
	v2 =	vadd.f32 v2, v7  }
0x268: {  	[tilespmem:s0+$0x16470] =	vst.add.f32.msk $0xffff, v3;
	v3 =	vadd.f32 v22, v21  }
0x269: {  	v1 =	vadd.f32 v8, v1;
	[tilespmem:s0+$0x16420] =	vst.add.f32.msk $0xffff, v2  }
0x26a: {  	v2 =	vadd.f32 v12, v11;
	[tilespmem:s0+$0x164A0] =	vst.add.f32.msk $0xffff, v3  }
0x26b: {  	v3 =	vadd.f32 v28, v27;
	[tilespmem:s0+$0x16430] =	vst.add.f32.msk $0xffff, v1  }
0x26c: {  	v1 =	vadd.f32 v14, v13;
	[tilespmem:s0+$0x16450] =	vst.add.f32.msk $0xffff, v2  }
0x26d: {  	v2 =	vadd.f32 v18, v17;
	[tilespmem:s0+$0x164D0] =	vst.add.f32.msk $0xffff, v3  }
0x26e: {  	v3 =	vadd.f32 v34, v33;
	[tilespmem:s0+$0x16460] =	vst.add.f32.msk $0xffff, v1  }
0x26f: {  	v1 =	vadd.f32 v20, v19;
	[tilespmem:s0+$0x16480] =	vst.add.f32.msk $0xffff, v2  }
0x270: {  	v2 =	vadd.f32 v24, v23;
	[tilespmem:s0+$0x16500] =	vst.add.f32.msk $0xffff, v3  }
0x271: {  	v3 =	vadd.f32 v40, v39;
	[tilespmem:s0+$0x16490] =	vst.add.f32.msk $0xffff, v1  }
0x272: {  	v1 =	vadd.f32 v26, v25;
	[tilespmem:s0+$0x164B0] =	vst.add.f32.msk $0xffff, v2  }
0x273: {  	v2 =	vadd.f32 v30, v29;
	[tilespmem:s0+$0x16530] =	vst.add.f32.msk $0xffff, v3  }
0x274: {  	v3 =	vadd.f32 v46, v45;
	[tilespmem:s0+$0x164C0] =	vst.add.f32.msk $0xffff, v1  }
0x275: {  	v1 =	vadd.f32 v32, v31;
	[tilespmem:s0+$0x164E0] =	vst.add.f32.msk $0xffff, v2  }
0x276: {  	v2 =	vadd.f32 v36, v35;
	[tilespmem:s0+$0x16560] =	vst.add.f32.msk $0xffff, v3  }
0x277: {  	v3 =	vadd.f32 v52, v51;
	[tilespmem:s0+$0x164F0] =	vst.add.f32.msk $0xffff, v1  }
0x278: {  	v1 =	vadd.f32 v38, v37;
	[tilespmem:s0+$0x16510] =	vst.add.f32.msk $0xffff, v2  }
0x279: {  	v2 =	vadd.f32 v42, v41;
	[tilespmem:s0+$0x16590] =	vst.add.f32.msk $0xffff, v3  }
0x27a: {  	v3 =	vadd.f32 v58, v57;
	[tilespmem:s0+$0x16520] =	vst.add.f32.msk $0xffff, v1  }
0x27b: {  	v1 =	vadd.f32 v44, v43;
	[tilespmem:s0+$0x16540] =	vst.add.f32.msk $0xffff, v2  }
0x27c: {  	v2 =	vadd.f32 v48, v47;
	[tilespmem:s0+$0x165C0] =	vst.add.f32.msk $0xffff, v3  }
0x27d: {  	[tilespmem:s0+$0x16550] =	vst.add.f32.msk $0xffff, v1;
	v1 =	vadd.f32 v50, v49  }
0x27e: {  	[tilespmem:s0+$0x16570] =	vst.add.f32.msk $0xffff, v2;
	v2 =	vadd.f32 v54, v53  }
0x27f: {  	[tilespmem:s0+$0x16580] =	vst.add.f32.msk $0xffff, v1;
	v1 =	vadd.f32 v56, v55  }
0x280: {  	[tilespmem:s0+$0x165A0] =	vst.add.f32.msk $0xffff, v2;
	v2 =	vadd.f32 v60, v59  }
0x281: {  	[tilespmem:s0+$0x165B0] =	vst.add.f32.msk $0xffff, v1;
	v1 =	vadd.f32 v63, v62  }
0x282: {  	[tilespmem:s0+$0x165D0] =	vst.add.f32.msk $0xffff, v2  }
0x283: {  	s9 =	simm.s32 @!p0 $0x80;
	s10 =	simm.s32 @!p0 $0xE400;
	[tilespmem:s0+$0x165E0] =	vst.add.f32.msk $0xffff, v1;
	s0 =	sadd.s32 @!p0 $0x600, s1  }
0x284: {  	[tilespmem:s10], [sflag:$0x3] =	stream.indirect.gather @!p0 [hbm4b:s3+s9], $0x40, s0, s9, $0xb8;
	[tilespmem:$0x18400] =	vst v63  }
0x285: {  	s0 =	sadd.s32 @!p0 $0x680, s1;
	s1 =	simm.s32 @!p0 $0x10400  }
0x286: {  	[tilespmem:s1], [sflag:$0x3] =	stream.indirect.gather @!p0 [hbm4b:s3+s9], $0x40, s0, s9, $0xb8;
	[tilespmem:$0x18400] =	vst v63  }
0x287: {  	_ =	swait.ge [sflag:s26], $0x2000  }
0x288: {  	[sflag:s26] =	ssyncset.done $0x0  }
0x289: {  	[sflag:s26] =	ssyncadd.s32 $0xFFFFE000  }
0x28a: {  	_ =	swait.ge [sflag:s26], $0x2000  }
0x28b: {  	[sflag:s26] =	ssyncset.done $0x0  }
0x28c: {  	s0 =	simm.s32 $0x0;
	[sflag:s26] =	ssyncadd.s32 $0xFFFFE000  }
0x28d: {  	s1 =	simm.s32 $0x800;
	v1 =	vld [tilespmem:s0+$0x125F0]  }
.LBB2_11:
0x28e: {  	p1 =	sne.s32 s1, $0x7800;
	v2 =	vld [tilespmem:s0+$0x145F0]  }
0x28f: {  	v3 =	vld [tilespmem:s0+$0x12400]  }
0x290: {  	v4 =	vld [tilespmem:s0+$0x14400]  }
0x291: {  	v5 =	vld [tilespmem:s0+$0x12410]  }
0x292: {  	v6 =	vld [tilespmem:s0+$0x14410]  }
0x293: {  	v7 =	vld [tilespmem:s0+$0x12420];
	v2 =	vadd.f32 v2, v1  }
0x294: {  	v8 =	vld [tilespmem:s0+$0x14420]  }
0x295: {  	v1 =	vadd.f32 v4, v3;
	[tilespmem:s0+$0x165F0] =	vst.add.f32.msk $0xffff, v2  }
0x296: {  	v4 =	vld [tilespmem:s0+$0x12430]  }
0x297: {  	v2 =	vadd.f32 v6, v5;
	v5 =	vld [tilespmem:s0+$0x14430]  }
0x298: {  	v6 =	vld [tilespmem:s0+$0x12440]  }
0x299: {  	v3 =	vadd.f32 v8, v7;
	v7 =	vld [tilespmem:s0+$0x14440]  }
0x29a: {  	v8 =	vld [tilespmem:s0+$0x12450]  }
0x29b: {  	v9 =	vld [tilespmem:s0+$0x14450]  }
0x29c: {  	v4 =	vadd.f32 v5, v4;
	v10 =	vld [tilespmem:s0+$0x12460]  }
0x29d: {  	v11 =	vld [tilespmem:s0+$0x14460]  }
0x29e: {  	v5 =	vadd.f32 v7, v6;
	v6 =	vld [tilespmem:s0+$0x12470]  }
0x29f: {  	v7 =	vld [tilespmem:s0+$0x14470]  }
0x2a0: {  	v8 =	vadd.f32 v9, v8;
	v9 =	vld [tilespmem:s0+$0x12480]  }
0x2a1: {  	v12 =	vld [tilespmem:s0+$0x14480]  }
0x2a2: {  	v10 =	vadd.f32 v11, v10;
	v11 =	vld [tilespmem:s0+$0x12490]  }
0x2a3: {  	v13 =	vld [tilespmem:s0+$0x14490]  }
0x2a4: {  	v6 =	vadd.f32 v7, v6;
	v7 =	vld [tilespmem:s0+$0x124A0]  }
0x2a5: {  	v14 =	vld [tilespmem:s0+$0x144A0]  }
0x2a6: {  	v9 =	vadd.f32 v12, v9;
	v12 =	vld [tilespmem:s0+$0x124B0]  }
0x2a7: {  	v15 =	vld [tilespmem:s0+$0x144B0]  }
0x2a8: {  	v11 =	vadd.f32 v13, v11;
	v13 =	vld [tilespmem:s0+$0x124C0]  }
0x2a9: {  	v16 =	vld [tilespmem:s0+$0x144C0]  }
0x2aa: {  	v7 =	vadd.f32 v14, v7;
	v14 =	vld [tilespmem:s0+$0x124D0]  }
0x2ab: {  	v17 =	vld [tilespmem:s0+$0x144D0]  }
0x2ac: {  	v12 =	vadd.f32 v15, v12;
	v15 =	vld [tilespmem:s0+$0x124E0]  }
0x2ad: {  	v18 =	vld [tilespmem:s0+$0x144E0]  }
0x2ae: {  	v13 =	vadd.f32 v16, v13;
	v16 =	vld [tilespmem:s0+$0x124F0]  }
0x2af: {  	v19 =	vld [tilespmem:s0+$0x144F0]  }
0x2b0: {  	v14 =	vadd.f32 v17, v14;
	v17 =	vld [tilespmem:s0+$0x12500]  }
0x2b1: {  	v20 =	vld [tilespmem:s0+$0x14500]  }
0x2b2: {  	v15 =	vadd.f32 v18, v15;
	v18 =	vld [tilespmem:s0+$0x12510]  }
0x2b3: {  	v21 =	vld [tilespmem:s0+$0x14510]  }
0x2b4: {  	v16 =	vadd.f32 v19, v16;
	v19 =	vld [tilespmem:s0+$0x12520]  }
0x2b5: {  	v22 =	vld [tilespmem:s0+$0x14520]  }
0x2b6: {  	v17 =	vadd.f32 v20, v17;
	v20 =	vld [tilespmem:s0+$0x12530]  }
0x2b7: {  	v23 =	vld [tilespmem:s0+$0x14530]  }
0x2b8: {  	v18 =	vadd.f32 v21, v18;
	v21 =	vld [tilespmem:s0+$0x12540]  }
0x2b9: {  	v24 =	vld [tilespmem:s0+$0x14540]  }
0x2ba: {  	v19 =	vadd.f32 v22, v19;
	v22 =	vld [tilespmem:s0+$0x12550]  }
0x2bb: {  	v25 =	vld [tilespmem:s0+$0x14550]  }
0x2bc: {  	v20 =	vadd.f32 v23, v20;
	v23 =	vld [tilespmem:s0+$0x12560]  }
0x2bd: {  	v26 =	vld [tilespmem:s0+$0x14560]  }
0x2be: {  	v21 =	vadd.f32 v24, v21;
	v24 =	vld [tilespmem:s0+$0x12570]  }
0x2bf: {  	v27 =	vld [tilespmem:s0+$0x14570]  }
0x2c0: {  	v22 =	vadd.f32 v25, v22;
	v25 =	vld [tilespmem:s0+$0x12580]  }
0x2c1: {  	v28 =	vld [tilespmem:s0+$0x14580]  }
0x2c2: {  	v23 =	vadd.f32 v26, v23;
	v26 =	vld [tilespmem:s0+$0x12590]  }
0x2c3: {  	v29 =	vld [tilespmem:s0+$0x14590]  }
0x2c4: {  	v24 =	vadd.f32 v27, v24;
	v27 =	vld [tilespmem:s0+$0x125A0]  }
0x2c5: {  	v30 =	vld [tilespmem:s0+$0x145A0]  }
0x2c6: {  	v25 =	vadd.f32 v28, v25;
	v28 =	vld [tilespmem:s0+$0x125B0]  }
0x2c7: {  	v31 =	vld [tilespmem:s0+$0x145B0]  }
0x2c8: {  	v26 =	vadd.f32 v29, v26;
	v29 =	vld [tilespmem:s0+$0x125C0]  }
0x2c9: {  	v32 =	vld [tilespmem:s0+$0x145C0]  }
0x2ca: {  	v27 =	vadd.f32 v30, v27;
	v30 =	vld [tilespmem:s0+$0x125D0]  }
0x2cb: {  	v33 =	vld [tilespmem:s0+$0x145D0]  }
0x2cc: {  	v28 =	vadd.f32 v31, v28;
	v31 =	vld [tilespmem:s0+$0x125E0]  }
0x2cd: {  	v34 =	vld [tilespmem:s0+$0x145E0]  }
0x2ce: {  	[tilespmem:s0+$0x16400] =	vst.add.f32.msk $0xffff, v1;
	v1 =	vadd.f32 v32, v29  }
0x2cf: {  	[tilespmem:s0+$0x16410] =	vst.add.f32.msk $0xffff, v2  }
0x2d0: {  	[tilespmem:s0+$0x16420] =	vst.add.f32.msk $0xffff, v3;
	v2 =	vadd.f32 v33, v30  }
0x2d1: {  	[tilespmem:s0+$0x16430] =	vst.add.f32.msk $0xffff, v4  }
0x2d2: {  	[tilespmem:s0+$0x16440] =	vst.add.f32.msk $0xffff, v5;
	v3 =	vadd.f32 v34, v31  }
0x2d3: {  	[tilespmem:s0+$0x16450] =	vst.add.f32.msk $0xffff, v8  }
0x2d4: {  	[tilespmem:s0+$0x16460] =	vst.add.f32.msk $0xffff, v10  }
0x2d5: {  	[tilespmem:s0+$0x16470] =	vst.add.f32.msk $0xffff, v6  }
0x2d6: {  	[tilespmem:s0+$0x16480] =	vst.add.f32.msk $0xffff, v9  }
0x2d7: {  	[tilespmem:s0+$0x16490] =	vst.add.f32.msk $0xffff, v11  }
0x2d8: {  	[tilespmem:s0+$0x164A0] =	vst.add.f32.msk $0xffff, v7  }
0x2d9: {  	[tilespmem:s0+$0x164B0] =	vst.add.f32.msk $0xffff, v12  }
0x2da: {  	[tilespmem:s0+$0x164C0] =	vst.add.f32.msk $0xffff, v13  }
0x2db: {  	[tilespmem:s0+$0x164D0] =	vst.add.f32.msk $0xffff, v14  }
0x2dc: {  	[tilespmem:s0+$0x164E0] =	vst.add.f32.msk $0xffff, v15  }
0x2dd: {  	[tilespmem:s0+$0x164F0] =	vst.add.f32.msk $0xffff, v16  }
0x2de: {  	[tilespmem:s0+$0x16500] =	vst.add.f32.msk $0xffff, v17  }
0x2df: {  	[tilespmem:s0+$0x16510] =	vst.add.f32.msk $0xffff, v18  }
0x2e0: {  	[tilespmem:s0+$0x16520] =	vst.add.f32.msk $0xffff, v19  }
0x2e1: {  	[tilespmem:s0+$0x16530] =	vst.add.f32.msk $0xffff, v20  }
0x2e2: {  	[tilespmem:s0+$0x16540] =	vst.add.f32.msk $0xffff, v21  }
0x2e3: {  	[tilespmem:s0+$0x16550] =	vst.add.f32.msk $0xffff, v22  }
0x2e4: {  	[tilespmem:s0+$0x16560] =	vst.add.f32.msk $0xffff, v23  }
0x2e5: {  	[tilespmem:s0+$0x16570] =	vst.add.f32.msk $0xffff, v24  }
0x2e6: {  	[tilespmem:s0+$0x16580] =	vst.add.f32.msk $0xffff, v25  }
0x2e7: {  	[tilespmem:s0+$0x16590] =	vst.add.f32.msk $0xffff, v26  }
0x2e8: {  	[tilespmem:s0+$0x165A0] =	vst.add.f32.msk $0xffff, v27  }
.Ltmp4:
0x2e9: {  	[tilespmem:s0+$0x165B0] =	vst.add.f32.msk $0xffff, v28;
	(pc) =	sbr.rel @p1 .LBB2_11-.Ltmp4, $4  }
0x2ea: {  	[tilespmem:s0+$0x165C0] =	vst.add.f32.msk $0xffff, v1  }
0x2eb: {  	[tilespmem:s0+$0x165D0] =	vst.add.f32.msk $0xffff, v2  }
0x2ec: {  	[tilespmem:s0+$0x165E0] =	vst.add.f32.msk $0xffff, v3;
	s0 =	sshra.s32 s1, $0x2  }
0x2ed: {  	s1 =	sadd.s32 $0x800, s1;
	v1 =	vld [tilespmem:s0+$0x125F0]  }
0x2ee: {  	v2 =	vld [tilespmem:s0+$0x145F0]  }
0x2ef: {  	v3 =	vld [tilespmem:s0+$0x12400]  }
0x2f0: {  	v4 =	vld [tilespmem:s0+$0x14400]  }
0x2f1: {  	v5 =	vld [tilespmem:s0+$0x12410]  }
0x2f2: {  	v6 =	vld [tilespmem:s0+$0x14410]  }
0x2f3: {  	v7 =	vld [tilespmem:s0+$0x12420]  }
0x2f4: {  	v8 =	vld [tilespmem:s0+$0x14430]  }
0x2f5: {  	v9 =	vld [tilespmem:s0+$0x12440]  }
0x2f6: {  	v10 =	vld [tilespmem:s0+$0x14440]  }
0x2f7: {  	v11 =	vld [tilespmem:s0+$0x12450]  }
0x2f8: {  	v12 =	vld [tilespmem:s0+$0x14450]  }
0x2f9: {  	v13 =	vld [tilespmem:s0+$0x12460]  }
0x2fa: {  	v14 =	vld [tilespmem:s0+$0x14460]  }
0x2fb: {  	v15 =	vld [tilespmem:s0+$0x12470]  }
0x2fc: {  	v16 =	vld [tilespmem:s0+$0x14470]  }
0x2fd: {  	v17 =	vld [tilespmem:s0+$0x12480]  }
0x2fe: {  	v18 =	vld [tilespmem:s0+$0x14480]  }
0x2ff: {  	v19 =	vld [tilespmem:s0+$0x12490]  }
0x300: {  	v20 =	vld [tilespmem:s0+$0x14490]  }
0x301: {  	v21 =	vld [tilespmem:s0+$0x124A0]  }
0x302: {  	v22 =	vld [tilespmem:s0+$0x144A0]  }
0x303: {  	v23 =	vld [tilespmem:s0+$0x124B0]  }
0x304: {  	v24 =	vld [tilespmem:s0+$0x144B0]  }
0x305: {  	v25 =	vld [tilespmem:s0+$0x124C0]  }
0x306: {  	v26 =	vld [tilespmem:s0+$0x144C0]  }
0x307: {  	v27 =	vld [tilespmem:s0+$0x124D0]  }
0x308: {  	v28 =	vld [tilespmem:s0+$0x144D0]  }
0x309: {  	v29 =	vld [tilespmem:s0+$0x124E0]  }
0x30a: {  	v30 =	vld [tilespmem:s0+$0x144E0]  }
0x30b: {  	v31 =	vld [tilespmem:s0+$0x124F0]  }
0x30c: {  	v32 =	vld [tilespmem:s0+$0x144F0]  }
0x30d: {  	v33 =	vld [tilespmem:s0+$0x12500]  }
0x30e: {  	v34 =	vld [tilespmem:s0+$0x14500]  }
0x30f: {  	v35 =	vld [tilespmem:s0+$0x12510]  }
0x310: {  	v36 =	vld [tilespmem:s0+$0x14510]  }
0x311: {  	v37 =	vld [tilespmem:s0+$0x12520]  }
0x312: {  	v38 =	vld [tilespmem:s0+$0x14520]  }
0x313: {  	v39 =	vld [tilespmem:s0+$0x12530]  }
0x314: {  	v40 =	vld [tilespmem:s0+$0x14530]  }
0x315: {  	v41 =	vld [tilespmem:s0+$0x12540]  }
0x316: {  	v42 =	vld [tilespmem:s0+$0x14540]  }
0x317: {  	v43 =	vld [tilespmem:s0+$0x12550]  }
0x318: {  	v44 =	vld [tilespmem:s0+$0x14550]  }
0x319: {  	v45 =	vld [tilespmem:s0+$0x12560]  }
0x31a: {  	v46 =	vld [tilespmem:s0+$0x14560]  }
0x31b: {  	v47 =	vld [tilespmem:s0+$0x12570]  }
0x31c: {  	v48 =	vld [tilespmem:s0+$0x14570]  }
0x31d: {  	v49 =	vld [tilespmem:s0+$0x12580]  }
0x31e: {  	v50 =	vld [tilespmem:s0+$0x14580]  }
0x31f: {  	v51 =	vld [tilespmem:s0+$0x12590]  }
0x320: {  	v52 =	vld [tilespmem:s0+$0x14590]  }
0x321: {  	v53 =	vld [tilespmem:s0+$0x125A0]  }
0x322: {  	v54 =	vld [tilespmem:s0+$0x145A0]  }
0x323: {  	v55 =	vld [tilespmem:s0+$0x125B0]  }
0x324: {  	v56 =	vld [tilespmem:s0+$0x145B0]  }
0x325: {  	v57 =	vld [tilespmem:s0+$0x125C0]  }
0x326: {  	v58 =	vld [tilespmem:s0+$0x145C0]  }
0x327: {  	v59 =	vld [tilespmem:s0+$0x125D0]  }
0x328: {  	v60 =	vld [tilespmem:s0+$0x145D0]  }
0x329: {  	v62 =	vld [tilespmem:s0+$0x125E0];
	v1 =	vadd.f32 v2, v1  }
0x32a: {  	v2 =	vld [tilespmem:s0+$0x14420]  }
0x32b: {  	v3 =	vadd.f32 v4, v3;
	[tilespmem:s0+$0x165F0] =	vst.add.f32.msk $0xffff, v1  }
0x32c: {  	v1 =	vld [tilespmem:s0+$0x12430]  }
0x32d: {  	[tilespmem:s0+$0x16400] =	vst.add.f32.msk $0xffff, v3;
	v3 =	vadd.f32 v10, v9  }
0x32e: {  	v63 =	vld [tilespmem:s0+$0x145E0];
	v5 =	vadd.f32 v6, v5  }
0x32f: {  	[tilespmem:s0+$0x16440] =	vst.add.f32.msk $0xffff, v3;
	v3 =	vadd.f32 v16, v15  }
0x330: {  	[tilespmem:s0+$0x16410] =	vst.add.f32.msk $0xffff, v5;
	v2 =	vadd.f32 v2, v7  }
0x331: {  	[tilespmem:s0+$0x16470] =	vst.add.f32.msk $0xffff, v3;
	v3 =	vadd.f32 v22, v21  }
0x332: {  	v1 =	vadd.f32 v8, v1;
	[tilespmem:s0+$0x16420] =	vst.add.f32.msk $0xffff, v2  }
0x333: {  	v2 =	vadd.f32 v12, v11;
	[tilespmem:s0+$0x164A0] =	vst.add.f32.msk $0xffff, v3  }
0x334: {  	v3 =	vadd.f32 v28, v27;
	[tilespmem:s0+$0x16430] =	vst.add.f32.msk $0xffff, v1  }
0x335: {  	v1 =	vadd.f32 v14, v13;
	[tilespmem:s0+$0x16450] =	vst.add.f32.msk $0xffff, v2  }
0x336: {  	v2 =	vadd.f32 v18, v17;
	[tilespmem:s0+$0x164D0] =	vst.add.f32.msk $0xffff, v3  }
0x337: {  	v3 =	vadd.f32 v34, v33;
	[tilespmem:s0+$0x16460] =	vst.add.f32.msk $0xffff, v1  }
0x338: {  	v1 =	vadd.f32 v20, v19;
	[tilespmem:s0+$0x16480] =	vst.add.f32.msk $0xffff, v2  }
0x339: {  	v2 =	vadd.f32 v24, v23;
	[tilespmem:s0+$0x16500] =	vst.add.f32.msk $0xffff, v3  }
0x33a: {  	v3 =	vadd.f32 v40, v39;
	[tilespmem:s0+$0x16490] =	vst.add.f32.msk $0xffff, v1  }
0x33b: {  	v1 =	vadd.f32 v26, v25;
	[tilespmem:s0+$0x164B0] =	vst.add.f32.msk $0xffff, v2  }
0x33c: {  	v2 =	vadd.f32 v30, v29;
	[tilespmem:s0+$0x16530] =	vst.add.f32.msk $0xffff, v3  }
0x33d: {  	v3 =	vadd.f32 v46, v45;
	[tilespmem:s0+$0x164C0] =	vst.add.f32.msk $0xffff, v1  }
0x33e: {  	v1 =	vadd.f32 v32, v31;
	[tilespmem:s0+$0x164E0] =	vst.add.f32.msk $0xffff, v2  }
0x33f: {  	v2 =	vadd.f32 v36, v35;
	[tilespmem:s0+$0x16560] =	vst.add.f32.msk $0xffff, v3  }
0x340: {  	v3 =	vadd.f32 v52, v51;
	[tilespmem:s0+$0x164F0] =	vst.add.f32.msk $0xffff, v1  }
0x341: {  	v1 =	vadd.f32 v38, v37;
	[tilespmem:s0+$0x16510] =	vst.add.f32.msk $0xffff, v2  }
0x342: {  	v2 =	vadd.f32 v42, v41;
	[tilespmem:s0+$0x16590] =	vst.add.f32.msk $0xffff, v3  }
0x343: {  	v3 =	vadd.f32 v58, v57;
	[tilespmem:s0+$0x16520] =	vst.add.f32.msk $0xffff, v1  }
0x344: {  	v1 =	vadd.f32 v44, v43;
	[tilespmem:s0+$0x16540] =	vst.add.f32.msk $0xffff, v2  }
0x345: {  	v2 =	vadd.f32 v48, v47;
	[tilespmem:s0+$0x165C0] =	vst.add.f32.msk $0xffff, v3  }
0x346: {  	[tilespmem:s0+$0x16550] =	vst.add.f32.msk $0xffff, v1;
	v1 =	vadd.f32 v50, v49  }
0x347: {  	[tilespmem:s0+$0x16570] =	vst.add.f32.msk $0xffff, v2;
	v2 =	vadd.f32 v54, v53  }
.Ltmp5:
0x348: {  	[tilespmem:s0+$0x16580] =	vst.add.f32.msk $0xffff, v1;
	v1 =	vadd.f32 v56, v55;
	(pc) =	sbr.rel @p0 .LBB2_14-.Ltmp5, $4  }
0x349: {  	[tilespmem:s0+$0x165A0] =	vst.add.f32.msk $0xffff, v2;
	v2 =	vadd.f32 v60, v59  }
0x34a: {  	[tilespmem:s0+$0x165B0] =	vst.add.f32.msk $0xffff, v1;
	v1 =	vadd.f32 v63, v62  }
0x34b: {  	[tilespmem:s0+$0x165D0] =	vst.add.f32.msk $0xffff, v2  }
0x34c: {  	[tilespmem:s0+$0x165E0] =	vst.add.f32.msk $0xffff, v1  }
.Ltmp6:
0x34d: {  	s0 =	sshrl.u32 s31, $0x2;
	(pc) =	sbr.rel .LBB2_4-.Ltmp6, $4  }
0x34e: {  	s1 =	sadd.s32 $0x700, s0  }
0x34f: {  	[tilespmem:s20], [sflag:$0x4] =	stream.indirect.gather [hbm4b:s3+s8], $0x40, s1, s8, $0xb8;
	[tilespmem:$0x18400] =	vst v63  }
0x350: {  	s30 =	sadd.s32 $0x1, s30;
	s0 =	sadd.s32 $0x780, s0  }
0x351: {  	[tilespmem:s22], [sflag:$0x4] =	stream.indirect.gather [hbm4b:s3+s8], $0x40, s0, s8, $0xb8;
	[tilespmem:$0x18400] =	vst v63  }
.LBB2_14:
0x352: {  	s0 =	simm.s32 $0x0  }
0x353: {  	v1 =	vld [tilespmem:s0+$0x16400]  }
0x354: {  	v3 =	vld [tilespmem:s0+$0x16410]  }
0x355: {  	s1 =	simm.s32 $0x100;
	v2 =	vld [tilespmem:s0+$0x16420]  }
.LBB2_15:
0x356: {  	p0 =	sne.s32 s1, $0x7F00;
	v4 =	vld [tilespmem:s0+$0x16430];
	_ =	sdelay $0x1  }
0x357: {  	v1 =	vmul.f32 $4.999999890e-03, v1  }
.Ltmp7:
0x358: {  	v3 =	vmul.f32 $4.999999890e-03, v3;
	(pc) =	sbr.rel @p0 .LBB2_15-.Ltmp7, $4  }
0x359: {  	s9 =	sshra.s32 s1, $0x2;
	[tilespmem:s0+$0x16400] =	vst v1;
	v2 =	vmul.f32 $4.999999890e-03, v2  }
0x35a: {  	v1 =	vld [tilespmem:s9+$0x16400];
	[tilespmem:s0+$0x16410] =	vst v3;
	v4 =	vmul.f32 $4.999999890e-03, v4  }
0x35b: {  	v3 =	vld [tilespmem:s9+$0x16410];
	[tilespmem:s0+$0x16420] =	vst v2  }
0x35c: {  	s1 =	sadd.s32 $0x100, s1;
	v2 =	vld [tilespmem:s9+$0x16420];
	[tilespmem:s0+$0x16430] =	vst v4;
	s0 =	smov.u32 s9  }
0x35d: {  	v4 =	vld [tilespmem:s0+$0x16430];
	_ =	sdelay $0x1  }
0x35e: {  	v1 =	vmul.f32 $4.999999890e-03, v1  }
0x35f: {  	v3 =	vmul.f32 $4.999999890e-03, v3  }
0x360: {  	[tilespmem:s0+$0x16400] =	vst v1;
	v1 =	vmul.f32 $4.999999890e-03, v2  }
0x361: {  	s29 =	sadd.s32 $0x1, s29;
	[tilespmem:s0+$0x16410] =	vst v3;
	v2 =	vmul.f32 $4.999999890e-03, v4  }
0x362: {  	p0 =	sne.s32 s29, s6;
	[tilespmem:s0+$0x16420] =	vst v1  }
.Ltmp8:
0x363: {  	[tilespmem:s0+$0x16430] =	vst v2;
	(pc) =	sbr.rel @p0 .LBB2_1-.Ltmp8, $4  }
0x364: {  	[hbm4b:s5+s2] =	stream.linear.scatter [tilespmem:s28], [sflag:$0x5], $0x2000, $0x38;
	[tilespmem:$0x18400] =	vst v63  }
0x365: {  	_ =	swait.ge [sflag:s7], $0x2000  }
0x366: {  	[sflag:s7] =	ssyncset.done $0x0  }
0x367: {  	[sflag:s7] =	ssyncadd.s32 $0xFFFFE000  }
0x368: {  	_ =	sfence.sel $0x180000  }
0x369: {  	[bflag:$0x0] =	sbarrier.arrive $0xFFFF  }
0x36a: {  	_ =	strace $0x90000047  }
0x36b: {  	s0 =	stileid.u32;
	[bflag:$0x2] =	sbarrier.arrive $0xFFFF  }
0x36c: {  	p0 =	sne.s32 s0, $0x0;
	s0 =	rddreg [dreg:$0x3]  }
0x36d: {  	s0 =	sadd.s32 @!p0 $0x100000, s0  }
0x36e: {  	[sflag:s0] =	ssyncadd.tile.s32 @!p0 $0x1;
	_ =	shalt  }
.Lfunc_end2:
_tile_overlayer_lowered:
.L_overlay_start_2:
0x36f: {  	(tag) =	ssettag $0x2  }
0x370: {  	s0 =	rddreg [dreg:$0x0];
	s2 =	stileid.u32  }
0x371: {  	s1 =	rddreg [dreg:$0x1];
	p0 =	sne.s32 s2, $0x0  }
0x372: {  	s3 =	rddreg [dreg:$0x2];
	[bflag:$0x3] =	sbarrier.arrive $0xFFFF;
	s2 =	simm.s32 @!p0 $0x1C05  }
0x373: {  	[timem:s3], [sflag:s2] =	dma.local @!p0 [hbm:s0], s1  }
0x374: {  	s0 =	simm.s32 @!p0 $0x5  }
0x375: {  	_ =	swait.ge @!p0 [sflag:s0], s1  }
0x376: {  	s1 =	ssub.s32 @!p0 $0x0, s1;
	[sflag:s0] =	ssyncset.done @!p0 $0x0  }
0x377: {  	[sflag:s0] =	ssyncadd.s32 @!p0 s1  }
0x378: {  	[bflag:$0x3] =	sbarrier.arrive $0xFFFF  }
0x379: {  	_ =	shalt  }

</sc_bundles>
